<compile_context>
chip_gen: v7x
topology: tpu7x:2x2x1
jax: 0.10.2.dev20260603
libtpu: 0.0.44.dev20260713+nightly
codegen_flags: <defaults>
</compile_context>

<pallas_src>
import functools

import jax
import jax.numpy as jnp
from jax import lax
from jax.experimental import pallas as pl
from jax.experimental.pallas import tpu as pltpu
from jax.experimental.pallas import tpu_sc as plsc

C = 16
H = W = 64
L = H * W
P = 9 * C
KC = 512
PW = 128
NEG = -3e38

TAPS = [(i, j) for i in range(3) for j in range(3)]


def _shift_rows(a, s):
    if s == 0:
        return a
    z = jnp.zeros((abs(s), a.shape[1]), a.dtype)
    if s > 0:
        return jnp.concatenate([a[s:, :], z], axis=0)
    return jnp.concatenate([z, a[:s, :]], axis=0)


def _shift_lanes(a, s):
    if s == 0:
        return a
    z = jnp.zeros((a.shape[0], abs(s)), a.dtype)
    if s > 0:
        return jnp.concatenate([a[:, s:], z], axis=1)
    return jnp.concatenate([z, a[:, :s]], axis=1)


def _reflect_tap(src, i, j, py, px, shift):
    s = (i - 1) * W + (j - 1)

    def rowfixed(base_s):
        v = shift(src, base_s)
        if i == 0:
            v = jnp.where(py == 0, shift(src, base_s + 2 * W), v)
        if i == 2:
            v = jnp.where(py == H - 1, shift(src, base_s - 2 * W), v)
        return v

    v = rowfixed(s)
    if j == 0:
        v = jnp.where(px == 0, rowfixed(s + 2), v)
    if j == 2:
        v = jnp.where(px == W - 1, rowfixed(s - 2), v)
    return v


def _conv3x3(src, w_ref, b_ref, py, px):
    acc = jnp.zeros((L, C), jnp.float32) + b_ref[...]
    for t, (i, j) in enumerate(TAPS):
        s = (i - 1) * W + (j - 1)
        yy = py + (i - 1)
        xx = px + (j - 1)
        m = (yy >= 0) & (yy < H) & (xx >= 0) & (xx < W)
        shifted = jnp.where(m, _shift_rows(src, s), 0.0)
        wt = w_ref[t * C:(t + 1) * C, :]
        acc = acc + jnp.dot(shifted, wt, preferred_element_type=jnp.float32)
    return acc


def _main_body(xf_ref, wf1_ref, bf1_ref, wf2_ref, bf2_ref,
               vals_ref, idx_ref, tab_ref, feat_ref, xt_ref):
    xf = xf_ref[...]
    xt = jnp.swapaxes(xf, 0, 1)
    xt_ref[...] = xt
    prow = lax.broadcasted_iota(jnp.int32, (1, L), 1)
    ly = lax.shift_right_logical(prow, 6)
    lx = lax.bitwise_and(prow, 63)
    pcol = lax.broadcasted_iota(jnp.int32, (L, 1), 0)
    sy = lax.shift_right_logical(pcol, 6)
    sx = lax.bitwise_and(pcol, 63)

    u = jnp.concatenate(
        [_reflect_tap(xf, i, j, ly, lx, _shift_lanes) for (i, j) in TAPS],
        axis=0)
    ss = jnp.sum(u * u, axis=0, keepdims=True)
    inv = 1.0 / jnp.maximum(jnp.sqrt(ss), 1e-12)
    n = u * inv

    ut_blocks = [_reflect_tap(xt, i, j, sy, sx, _shift_rows)
                 for (i, j) in TAPS]

    def rb16(a):
        return (lax.bitcast_convert_type(a, jnp.int32)
                + jnp.int32(0x8000)) & jnp.int32(-65536)

    for t in range(4):
        lo = lax.shift_right_logical(rb16(ut_blocks[2 * t]), 16)
        tab_ref[:, t * C:(t + 1) * C] = rb16(ut_blocks[2 * t + 1]) | lo
    tab_ref[:, 4 * C:5 * C] = lax.bitcast_convert_type(ut_blocks[8],
                                                       jnp.int32)
    tab_ref[:, 5 * C:PW] = jnp.zeros((L, PW - 5 * C), jnp.int32)

    f1 = jnp.maximum(_conv3x3(xt, wf1_ref, bf1_ref, sy, sx), 0.0)
    feat_ref[...] = _conv3x3(f1, wf2_ref, bf2_ref, sy, sx)

    v1 = jnp.full((1, L), NEG, jnp.float32)
    v2 = jnp.full((1, L), NEG, jnp.float32)
    i1 = jnp.zeros((1, L), jnp.int32)
    i2 = jnp.zeros((1, L), jnp.int32)
    revrow = (KC - 1) - lax.broadcasted_iota(jnp.int32, (KC, L), 0)
    imask = jnp.int32(~(KC - 1))
    imin = jnp.int32(-2**31)
    for c in range(L // KC):
        base = c * KC
        nk = n[:, base:base + KC]
        r = lax.dot_general(nk, n, (((0,), (0,)), ((), ())),
                            preferred_element_type=jnp.float32)
        pk = (lax.bitcast_convert_type(r, jnp.int32) & imask) | revrow
        m1 = jnp.max(pk, axis=0, keepdims=True)
        pk2 = jnp.where(pk == m1, imin, pk)
        m2 = jnp.max(pk2, axis=0, keepdims=True)
        w1 = lax.bitcast_convert_type(m1 & imask, jnp.float32)
        w2 = lax.bitcast_convert_type(m2 & imask, jnp.float32)
        j1 = base + (KC - 1) - (m1 & (KC - 1))
        j2 = base + (KC - 1) - (m2 & (KC - 1))
        take_new1 = w1 > v1
        m1v = jnp.where(take_new1, w1, v1)
        m1i = jnp.where(take_new1, j1, i1)
        m2v = jnp.where(take_new1,
                        jnp.where(v1 >= w2, v1, w2),
                        jnp.where(w1 > v2, w1, v2))
        m2i = jnp.where(take_new1,
                        jnp.where(v1 >= w2, i1, j2),
                        jnp.where(w1 > v2, j1, i2))
        v1, i1, v2, i2 = m1v, m1i, m2v, m2i

    vals_ref[...] = jnp.swapaxes(jnp.concatenate([v1, v2], axis=0), 0, 1)
    idx_ref[0:1, :] = i1
    idx_ref[1:2, :] = i2


def _main(xf, wf1r, bf1, wf2r, bf2):
    return pl.pallas_call(
        _main_body,
        out_shape=(jax.ShapeDtypeStruct((L, 2), jnp.float32),
                   jax.ShapeDtypeStruct((2, L), jnp.int32),
                   jax.ShapeDtypeStruct((L, PW), jnp.int32),
                   jax.ShapeDtypeStruct((L, C), jnp.float32),
                   jax.ShapeDtypeStruct((L, C), jnp.float32)),
    )(xf, wf1r, bf1, wf2r, bf2)


def _sc_gather(table, idx):
    n_rows = 2 * L
    info = plsc.get_sparse_core_info()
    nw = info.num_cores * info.num_subcores
    per_w = n_rows // nw
    chunk = 128
    n_chunks = per_w // chunk
    mesh = plsc.VectorSubcoreMesh(core_axis_name="c", subcore_axis_name="s")

    @functools.partial(
        pl.kernel, mesh=mesh,
        out_type=jax.ShapeDtypeStruct((n_rows, PW), jnp.int32),
        scratch_types=[
            pltpu.VMEM((n_chunks, chunk), jnp.int32),
            pltpu.VMEM((n_chunks, chunk, PW), jnp.int32),
            pltpu.SemaphoreType.DMA,
            pltpu.SemaphoreType.DMA,
        ],
    )
    def k(table_hbm, idx_hbm, out_hbm, idx_v, rows_v, gsem, osem):
        wid = lax.axis_index("s") * info.num_cores + lax.axis_index("c")
        base = wid * per_w
        for j in range(n_chunks):
            pltpu.sync_copy(idx_hbm.at[pl.ds(base + j * chunk, chunk)],
                            idx_v.at[j])
        copies = [pltpu.async_copy(table_hbm.at[idx_v.at[j]], rows_v.at[j],
                                   gsem)
                  for j in range(n_chunks)]
        outs = []
        for j in range(n_chunks):
            copies[j].wait()
            outs.append(pltpu.async_copy(
                rows_v.at[j], out_hbm.at[pl.ds(base + j * chunk, chunk)],
                osem))
        for o in outs:
            o.wait()

    return k(table, idx)


def _finish_body(xt_ref, feat_ref, g_ref, sv_ref,
                 wt1_ref, bt1_ref, wt2_ref, bt2_ref, y_ref):
    xt = xt_ref[...]
    sv = sv_ref[...]
    feature = feat_ref[...]
    pcol = lax.broadcasted_iota(jnp.int32, (L, 1), 0)
    py = lax.shift_right_logical(pcol, 6)
    px = lax.bitwise_and(pcol, 63)

    def fold(row0):
        acc = jnp.zeros((L, C), jnp.float32)
        for t, (i, j) in enumerate(TAPS):
            s = (1 - i) * W + (1 - j)
            yy = py + (1 - i)
            xx = px + (1 - j)
            m = (yy >= 0) & (yy < H) & (xx >= 0) & (xx < W)
            if t == 8:
                wv = g_ref[row0:row0 + L, 4 * C:5 * C]
            else:
                wv = g_ref[row0:row0 + L, (t // 2) * C:(t // 2 + 1) * C]
                if t % 2 == 0:
                    wv = lax.shift_left(wv, 16)
                else:
                    wv = wv & jnp.int32(-65536)
            blk = lax.bitcast_convert_type(wv, jnp.float32)
            acc = acc + jnp.where(m, _shift_rows(blk, s), 0.0)
        return acc

    t0 = (fold(0) / 9.0) * sv[:, 0:1]
    t1 = (fold(L) / 9.0) * sv[:, 1:2]

    texture = (jnp.dot(t0, wt1_ref[0:C, :], preferred_element_type=jnp.float32)
               + jnp.dot(t1, wt1_ref[C:2 * C, :], preferred_element_type=jnp.float32)
               + bt1_ref[...])
    y = (jnp.dot(feature, wt2_ref[0:C, :], preferred_element_type=jnp.float32)
         + jnp.dot(xt, wt2_ref[C:2 * C, :], preferred_element_type=jnp.float32)
         + jnp.dot(texture, wt2_ref[2 * C:3 * C, :], preferred_element_type=jnp.float32)
         + bt2_ref[...])
    y_ref[...] = jnp.swapaxes(y, 0, 1)


def _finish(xt, feat, g, sv, wt1r, bt1, wt2r, bt2):
    return pl.pallas_call(
        _finish_body,
        out_shape=jax.ShapeDtypeStruct((C, L), jnp.float32),
    )(xt, feat, g, sv, wt1r, bt1, wt2r, bt2)


def kernel(x, Wf1, bf1, Wf2, bf2, Wt1, bt1, Wt2, bt2):
    xf = x.reshape(C, L)

    wf1r = jnp.transpose(Wf1, (2, 3, 1, 0)).reshape(P, C)
    wf2r = jnp.transpose(Wf2, (2, 3, 1, 0)).reshape(P, C)
    wt1r = Wt1[:, :, 0, 0].T
    wt2r = Wt2[:, :, 0, 0].T

    vals_t, idxs, table, feat, xt = _main(xf, wf1r, bf1[None, :],
                                          wf2r, bf2[None, :])
    g = _sc_gather(table, idxs.reshape(2 * L))
    y = _finish(xt, feat, g, vals_t, wt1r, bt1[None, :],
                wt2r, bt2[None, :])
    return y.reshape(1, C, H, W)

# --- scband reference (transcript-rebuilt; emitter-appended) ---
"""Pipeline reference for scband-transformer-v5-t-60516089201257 (READ-ONLY COPY).

The authoritative reference and input builder live on the scoring server;
editing this copy changes nothing except your own understanding.
"""

import jax, jax.numpy as jnp
import numpy as np


def conv2d(x, w, b, pad):
    out = jax.lax.conv_general_dilated(
        x, w, window_strides=(1, 1), padding=[(pad, pad), (pad, pad)],
        dimension_numbers=('NCHW', 'OIHW', 'NCHW'))
    return out + b[None, :, None, None]


def reflect_pad1(x):
    return jnp.pad(x, ((0, 0), (0, 0), (1, 1), (1, 1)), mode='reflect')


def unfold3x3(xp):
    # xp: [B, C, H+2, W+2] -> [B, C*9, H*W], torch F.unfold channel ordering (c, kh, kw)
    B, C, Hp, Wp = xp.shape
    H, W = Hp - 2, Wp - 2
    patches = [xp[:, :, i:i + H, j:j + W] for i in range(3) for j in range(3)]
    p = jnp.stack(patches, axis=2)  # [B, C, 9, H, W]
    return p.reshape(B, C * 9, H * W)


def fold3x3(t, H, W):
    # adjoint of zero-pad unfold(kernel=3, padding=1): overlap-add then crop
    B = t.shape[0]
    C = t.shape[1] // 9
    p = t.reshape(B, C, 3, 3, H, W)
    out = jnp.zeros((B, C, H + 2, W + 2), t.dtype)
    for i in range(3):
        for j in range(3):
            out = out.at[:, :, i:i + H, j:j + W].add(p[:, :, i, j])
    return out[:, :, 1:1 + H, 1:1 + W]


def setup_inputs(seed: int = 0):
    key = jax.random.key(seed)
    ks = jax.random.split(key, 8)
    C = 16
    s = 0.05
    x = jax.random.normal(ks[0], (1, C, 64, 64), dtype=jnp.float32)
    Wf1 = jax.random.normal(ks[1], (C, C, 3, 3), dtype=jnp.float32) * s
    bf1 = jnp.zeros((C,), jnp.float32)
    Wf2 = jax.random.normal(ks[2], (C, C, 3, 3), dtype=jnp.float32) * s
    bf2 = jnp.zeros((C,), jnp.float32)
    Wt1 = jax.random.normal(ks[3], (C, C * 2, 1, 1), dtype=jnp.float32) * s
    bt1 = jnp.zeros((C,), jnp.float32)
    Wt2 = jax.random.normal(ks[4], (C, C * 3, 1, 1), dtype=jnp.float32) * s
    bt2 = jnp.zeros((C,), jnp.float32)
    return {'x': x, 'Wf1': Wf1, 'bf1': bf1, 'Wf2': Wf2, 'bf2': bf2,
            'Wt1': Wt1, 'bt1': bt1, 'Wt2': Wt2, 'bt2': bt2}


def reference(x, Wf1, bf1, Wf2, bf2, Wt1, bt1, Wt2, bt2):
    topk = [1, 2]
    B, C, H, W = x.shape
    # feature branch: conv3x3 -> relu -> conv3x3
    feature = conv2d(jax.nn.relu(conv2d(x, Wf1, bf1, 1)), Wf2, bf2, 1)
    # q/k unfold of reflection-padded x: [B, 9C, L]
    q_unfold = unfold3x3(reflect_pad1(x))
    k_unfold = jnp.swapaxes(q_unfold, 1, 2)  # [B, L, 9C]
    qn = q_unfold / jnp.maximum(jnp.linalg.norm(q_unfold, axis=1, keepdims=True), 1e-12)
    kn = k_unfold / jnp.maximum(jnp.linalg.norm(k_unfold, axis=2, keepdims=True), 1e-12)
    R_qk = jnp.einsum('blc,bcm->blm', kn, qn)  # [B, L, L]
    kmax = max(topk)
    vals, idxs = jax.lax.top_k(jnp.swapaxes(R_qk, 1, 2), kmax)  # top-k over keys per query
    R_maxs = jnp.swapaxes(vals, 1, 2)   # [B, kmax, L]
    R_indexs = jnp.swapaxes(idxs, 1, 2)
    sel = [i - 1 for i in topk]
    R_maxs = R_maxs[:, sel]
    R_indexs = R_indexs[:, sel]
    x_unfold = q_unfold  # unfold of x.clone() == same values
    Ts = []
    for i in range(len(topk)):
        R_max = R_maxs[:, i, :]    # [B, L]
        R_index = R_indexs[:, i, :]
        idx = jnp.broadcast_to(R_index[:, None, :], x_unfold.shape)
        T_unfold = jnp.take_along_axis(x_unfold, idx, axis=2)
        T = fold3x3(T_unfold, H, W) / 9.0
        S = R_max.reshape(B, 1, H, W)
        Ts.append(T * S)
    texture = conv2d(jnp.concatenate(Ts, axis=1), Wt1, bt1, 0)
    y = conv2d(jnp.concatenate([feature, x, texture], axis=1), Wt2, bt2, 0)
    return y

if __name__ == "__main__":
    import jax
    _d = setup_inputs()
    print(jax.jit(kernel)(*tuple(_d.values())))

</pallas_src>

<mosaic_0001>
#map = affine_map<(d0, d1) -> (0, 0)>
#map1 = affine_map<(d0, d1) -> (0)>
module attributes {stable_mosaic.version = 14 : i64} {
  func.func @k(%arg0: i32, %arg1: i32, %arg2: memref<4096x128xi32, #tpu.memory_space<hbm>>, %arg3: memref<8192xi32, #tpu.memory_space<hbm>>, %arg4: memref<8192x128xi32, #tpu.memory_space<hbm>>, %arg5: memref<2x128xi32, #tpu.memory_space<vmem>>, %arg6: memref<2x128x128xi32, #tpu.memory_space<vmem>>, %arg7: memref<!tpu.dma_semaphore, #tpu.memory_space<semaphore_mem>>, %arg8: memref<!tpu.dma_semaphore, #tpu.memory_space<semaphore_mem>>) attributes {dimension_semantics = [#tpu.dimension_semantics<core_parallel>, #tpu.dimension_semantics<subcore_parallel>], iteration_bounds = array<i64: 2, 16>, scalar_prefetch = 0 : i64, scratch_operands = 4 : i64, tpu.core_type = #tpu.core_type<sc_vector_subcore>, window_params = [{transform_indices = #map}, {transform_indices = #map1}, {transform_indices = #map}]} {
    %mul3A = arith.constant 2 : i32
    %mul3A_0 = arith.muli %arg1, %mul3A : i32
    %add3A = arith.addi %mul3A_0, %arg0 : i32
    %mul3A_1 = arith.constant 256 : i32
    %mul3A_2 = arith.muli %add3A, %mul3A_1 : i32
    %add3A_3 = arith.constant 0 : i32
    %add3A_4 = arith.addi %mul3A_2, %add3A_3 : i32
    %run_scoped3A = arith.constant 0 : i32
    "tpu.region"() ({
      %run_scoped3A_110 = tpu.sem_alloc : memref<!tpu.dma_semaphore, #tpu.memory_space<semaphore_mem>>
      %dma_start3A_111 = arith.constant 0 : i32
      %dma_start3A_112 = tpu.memref_slice %arg5[%run_scoped3A, %dma_start3A_111] : memref<2x128xi32, #tpu.memory_space<vmem>> -> memref<1x128xi32, #tpu.memory_space<vmem>>
      %dma_start3A_113 = tpu.memref_squeeze %dma_start3A_112 : memref<1x128xi32, #tpu.memory_space<vmem>> -> memref<128xi32, #tpu.memory_space<vmem>>
      %dma_start3A_114 = tpu.memref_slice %arg3[%add3A_4] : memref<8192xi32, #tpu.memory_space<hbm>> -> memref<128xi32, #tpu.memory_space<hbm>>
      %dma_start3A_115 = arith.constant 0 : i32
      %dma_start3A_116 = tpu.memref_slice %arg5[%run_scoped3A, %dma_start3A_115] : memref<2x128xi32, #tpu.memory_space<vmem>> -> memref<1x128xi32, #tpu.memory_space<vmem>>
      %dma_start3A_117 = tpu.memref_squeeze %dma_start3A_116 : memref<1x128xi32, #tpu.memory_space<vmem>> -> memref<128xi32, #tpu.memory_space<vmem>>
      %dma_start3A_118 = tpu.memref_slice %arg3[%add3A_4] : memref<8192xi32, #tpu.memory_space<hbm>> -> memref<128xi32, #tpu.memory_space<hbm>>
      tpu.enqueue_dma source(%dma_start3A_118 : memref<128xi32, #tpu.memory_space<hbm>>) target(%dma_start3A_117 : memref<128xi32, #tpu.memory_space<vmem>>) target_semaphore(%run_scoped3A_110 : memref<!tpu.dma_semaphore, #tpu.memory_space<semaphore_mem>>)
      %dma_wait3A_119 = arith.constant 0 : i32
      %dma_wait3A_120 = tpu.memref_slice %arg5[%run_scoped3A, %dma_wait3A_119] : memref<2x128xi32, #tpu.memory_space<vmem>> -> memref<1x128xi32, #tpu.memory_space<vmem>>
      %dma_wait3A_121 = tpu.memref_squeeze %dma_wait3A_120 : memref<1x128xi32, #tpu.memory_space<vmem>> -> memref<128xi32, #tpu.memory_space<vmem>>
      %dma_wait3A_122 = tpu.memref_slice %arg3[%add3A_4] : memref<8192xi32, #tpu.memory_space<hbm>> -> memref<128xi32, #tpu.memory_space<hbm>>
      %dma_wait3A_123 = arith.constant 0 : i32
      %dma_wait3A_124 = tpu.memref_slice %arg5[%run_scoped3A, %dma_wait3A_123] : memref<2x128xi32, #tpu.memory_space<vmem>> -> memref<1x128xi32, #tpu.memory_space<vmem>>
      %dma_wait3A_125 = tpu.memref_squeeze %dma_wait3A_124 : memref<1x128xi32, #tpu.memory_space<vmem>> -> memref<128xi32, #tpu.memory_space<vmem>>
      %dma_wait3A_126 = tpu.memref_slice %arg3[%add3A_4] : memref<8192xi32, #tpu.memory_space<hbm>> -> memref<128xi32, #tpu.memory_space<hbm>>
      tpu.wait_dma2 semaphore(%run_scoped3A_110 : memref<!tpu.dma_semaphore, #tpu.memory_space<semaphore_mem>>) src(%dma_wait3A_126 : memref<128xi32, #tpu.memory_space<hbm>>) dst(%dma_wait3A_125 : memref<128xi32, #tpu.memory_space<vmem>>)
      tpu.yield
    }) : () -> ()
    %add3A_5 = arith.constant 128 : i32
    %add3A_6 = arith.addi %mul3A_2, %add3A_5 : i32
    %run_scoped3A_7 = arith.constant 1 : i32
    "tpu.region"() ({
      %run_scoped3A_110 = tpu.sem_alloc : memref<!tpu.dma_semaphore, #tpu.memory_space<semaphore_mem>>
      %dma_start3A_111 = arith.constant 0 : i32
      %dma_start3A_112 = tpu.memref_slice %arg5[%run_scoped3A_7, %dma_start3A_111] : memref<2x128xi32, #tpu.memory_space<vmem>> -> memref<1x128xi32, #tpu.memory_space<vmem>>
      %dma_start3A_113 = tpu.memref_squeeze %dma_start3A_112 : memref<1x128xi32, #tpu.memory_space<vmem>> -> memref<128xi32, #tpu.memory_space<vmem>>
      %dma_start3A_114 = tpu.memref_slice %arg3[%add3A_6] : memref<8192xi32, #tpu.memory_space<hbm>> -> memref<128xi32, #tpu.memory_space<hbm>>
      %dma_start3A_115 = arith.constant 0 : i32
      %dma_start3A_116 = tpu.memref_slice %arg5[%run_scoped3A_7, %dma_start3A_115] : memref<2x128xi32, #tpu.memory_space<vmem>> -> memref<1x128xi32, #tpu.memory_space<vmem>>
      %dma_start3A_117 = tpu.memref_squeeze %dma_start3A_116 : memref<1x128xi32, #tpu.memory_space<vmem>> -> memref<128xi32, #tpu.memory_space<vmem>>
      %dma_start3A_118 = tpu.memref_slice %arg3[%add3A_6] : memref<8192xi32, #tpu.memory_space<hbm>> -> memref<128xi32, #tpu.memory_space<hbm>>
      tpu.enqueue_dma source(%dma_start3A_118 : memref<128xi32, #tpu.memory_space<hbm>>) target(%dma_start3A_117 : memref<128xi32, #tpu.memory_space<vmem>>) target_semaphore(%run_scoped3A_110 : memref<!tpu.dma_semaphore, #tpu.memory_space<semaphore_mem>>)
      %dma_wait3A_119 = arith.constant 0 : i32
      %dma_wait3A_120 = tpu.memref_slice %arg5[%run_scoped3A_7, %dma_wait3A_119] : memref<2x128xi32, #tpu.memory_space<vmem>> -> memref<1x128xi32, #tpu.memory_space<vmem>>
      %dma_wait3A_121 = tpu.memref_squeeze %dma_wait3A_120 : memref<1x128xi32, #tpu.memory_space<vmem>> -> memref<128xi32, #tpu.memory_space<vmem>>
      %dma_wait3A_122 = tpu.memref_slice %arg3[%add3A_6] : memref<8192xi32, #tpu.memory_space<hbm>> -> memref<128xi32, #tpu.memory_space<hbm>>
      %dma_wait3A_123 = arith.constant 0 : i32
      %dma_wait3A_124 = tpu.memref_slice %arg5[%run_scoped3A_7, %dma_wait3A_123] : memref<2x128xi32, #tpu.memory_space<vmem>> -> memref<1x128xi32, #tpu.memory_space<vmem>>
      %dma_wait3A_125 = tpu.memref_squeeze %dma_wait3A_124 : memref<1x128xi32, #tpu.memory_space<vmem>> -> memref<128xi32, #tpu.memory_space<vmem>>
      %dma_wait3A_126 = tpu.memref_slice %arg3[%add3A_6] : memref<8192xi32, #tpu.memory_space<hbm>> -> memref<128xi32, #tpu.memory_space<hbm>>
      tpu.wait_dma2 semaphore(%run_scoped3A_110 : memref<!tpu.dma_semaphore, #tpu.memory_space<semaphore_mem>>) src(%dma_wait3A_126 : memref<128xi32, #tpu.memory_space<hbm>>) dst(%dma_wait3A_125 : memref<128xi32, #tpu.memory_space<vmem>>)
      tpu.yield
    }) : () -> ()
    %dma_start3A = arith.constant 0 : i32
    %dma_start3A_8 = arith.constant 0 : i32
    %dma_start3A_9 = arith.constant 0 : i32
    %dma_start3A_10 = arith.constant 0 : i32
    %dma_start3A_11 = tpu.memref_slice %arg6[%dma_start3A_8, %dma_start3A_9, %dma_start3A_10] : memref<2x128x128xi32, #tpu.memory_space<vmem>> -> memref<1x128x128xi32, #tpu.memory_space<vmem>>
    %dma_start3A_12 = tpu.memref_squeeze %dma_start3A_11 : memref<1x128x128xi32, #tpu.memory_space<vmem>> -> memref<128x128xi32, #tpu.memory_space<vmem>>
    %dma_start3A_13 = arith.constant 0 : i32
    %dma_start3A_14 = tpu.memref_slice %arg5[%dma_start3A, %dma_start3A_13] : memref<2x128xi32, #tpu.memory_space<vmem>> -> memref<1x128xi32, #tpu.memory_space<vmem>>
    %dma_start3A_15 = tpu.memref_squeeze %dma_start3A_14 : memref<1x128xi32, #tpu.memory_space<vmem>> -> memref<128xi32, #tpu.memory_space<vmem>>
    %dma_start3A_16 = arith.constant 0 : i32
    %dma_start3A_17 = arith.constant 0 : i32
    %dma_start3A_18 = tpu.memref_slice %arg2[%dma_start3A_16, %dma_start3A_17] : memref<4096x128xi32, #tpu.memory_space<hbm>> -> memref<4096x128xi32, #tpu.memory_space<hbm>>
    tpu.enqueue_indirect_dma source(%dma_start3A_18 : memref<4096x128xi32, #tpu.memory_space<hbm>>) target(%dma_start3A_12 : memref<128x128xi32, #tpu.memory_space<vmem>>) offsets(%dma_start3A_15 : memref<128xi32, #tpu.memory_space<vmem>>) semaphore(%arg7 : memref<!tpu.dma_semaphore, #tpu.memory_space<semaphore_mem>>)
    %dma_start3A_19 = arith.constant 1 : i32
    %dma_start3A_20 = arith.constant 1 : i32
    %dma_start3A_21 = arith.constant 0 : i32
    %dma_start3A_22 = arith.constant 0 : i32
    %dma_start3A_23 = tpu.memref_slice %arg6[%dma_start3A_20, %dma_start3A_21, %dma_start3A_22] : memref<2x128x128xi32, #tpu.memory_space<vmem>> -> memref<1x128x128xi32, #tpu.memory_space<vmem>>
    %dma_start3A_24 = tpu.memref_squeeze %dma_start3A_23 : memref<1x128x128xi32, #tpu.memory_space<vmem>> -> memref<128x128xi32, #tpu.memory_space<vmem>>
    %dma_start3A_25 = arith.constant 0 : i32
    %dma_start3A_26 = tpu.memref_slice %arg5[%dma_start3A_19, %dma_start3A_25] : memref<2x128xi32, #tpu.memory_space<vmem>> -> memref<1x128xi32, #tpu.memory_space<vmem>>
    %dma_start3A_27 = tpu.memref_squeeze %dma_start3A_26 : memref<1x128xi32, #tpu.memory_space<vmem>> -> memref<128xi32, #tpu.memory_space<vmem>>
    %dma_start3A_28 = arith.constant 0 : i32
    %dma_start3A_29 = arith.constant 0 : i32
    %dma_start3A_30 = tpu.memref_slice %arg2[%dma_start3A_28, %dma_start3A_29] : memref<4096x128xi32, #tpu.memory_space<hbm>> -> memref<4096x128xi32, #tpu.memory_space<hbm>>
    tpu.enqueue_indirect_dma source(%dma_start3A_30 : memref<4096x128xi32, #tpu.memory_space<hbm>>) target(%dma_start3A_24 : memref<128x128xi32, #tpu.memory_space<vmem>>) offsets(%dma_start3A_27 : memref<128xi32, #tpu.memory_space<vmem>>) semaphore(%arg7 : memref<!tpu.dma_semaphore, #tpu.memory_space<semaphore_mem>>)
    %dma_wait3A = arith.constant 0 : i32
    %dma_wait3A_31 = arith.constant 0 : i32
    %dma_wait3A_32 = arith.constant 0 : i32
    %dma_wait3A_33 = arith.constant 0 : i32
    %dma_wait3A_34 = tpu.memref_slice %arg6[%dma_wait3A_31, %dma_wait3A_32, %dma_wait3A_33] : memref<2x128x128xi32, #tpu.memory_space<vmem>> -> memref<1x128x128xi32, #tpu.memory_space<vmem>>
    %dma_wait3A_35 = tpu.memref_squeeze %dma_wait3A_34 : memref<1x128x128xi32, #tpu.memory_space<vmem>> -> memref<128x128xi32, #tpu.memory_space<vmem>>
    %dma_wait3A_36 = arith.constant 0 : i32
    %dma_wait3A_37 = tpu.memref_slice %arg5[%dma_wait3A, %dma_wait3A_36] : memref<2x128xi32, #tpu.memory_space<vmem>> -> memref<1x128xi32, #tpu.memory_space<vmem>>
    %dma_wait3A_38 = tpu.memref_squeeze %dma_wait3A_37 : memref<1x128xi32, #tpu.memory_space<vmem>> -> memref<128xi32, #tpu.memory_space<vmem>>
    %dma_wait3A_39 = arith.constant 0 : i32
    %dma_wait3A_40 = arith.constant 0 : i32
    %dma_wait3A_41 = tpu.memref_slice %arg2[%dma_wait3A_39, %dma_wait3A_40] : memref<4096x128xi32, #tpu.memory_space<hbm>> -> memref<4096x128xi32, #tpu.memory_space<hbm>>
    tpu.wait_indirect_dma semaphore(%arg7 : memref<!tpu.dma_semaphore, #tpu.memory_space<semaphore_mem>>) src(%dma_wait3A_41 : memref<4096x128xi32, #tpu.memory_space<hbm>>) dst(%dma_wait3A_35 : memref<128x128xi32, #tpu.memory_space<vmem>>)
    %add3A_42 = arith.constant 0 : i32
    %add3A_43 = arith.addi %mul3A_2, %add3A_42 : i32
    %dma_start3A_44 = arith.constant 0 : i32
    %dma_start3A_45 = arith.constant 0 : i32
    %dma_start3A_46 = arith.constant 0 : i32
    %dma_start3A_47 = tpu.memref_slice %arg6[%dma_start3A_44, %dma_start3A_45, %dma_start3A_46] : memref<2x128x128xi32, #tpu.memory_space<vmem>> -> memref<1x128x128xi32, #tpu.memory_space<vmem>>
    %dma_start3A_48 = tpu.memref_squeeze %dma_start3A_47 : memref<1x128x128xi32, #tpu.memory_space<vmem>> -> memref<128x128xi32, #tpu.memory_space<vmem>>
    %dma_start3A_49 = arith.constant 0 : i32
    %dma_start3A_50 = tpu.memref_slice %arg4[%add3A_43, %dma_start3A_49] : memref<8192x128xi32, #tpu.memory_space<hbm>> -> memref<128x128xi32, #tpu.memory_space<hbm>>
    %dma_start3A_51 = arith.constant 0 : i32
    %dma_start3A_52 = tpu.memref_slice %arg4[%add3A_43, %dma_start3A_51] : memref<8192x128xi32, #tpu.memory_space<hbm>> -> memref<128x128xi32, #tpu.memory_space<hbm>>
    %dma_start3A_53 = arith.constant 0 : i32
    %dma_start3A_54 = arith.constant 0 : i32
    %dma_start3A_55 = tpu.memref_slice %arg6[%dma_start3A_44, %dma_start3A_53, %dma_start3A_54] : memref<2x128x128xi32, #tpu.memory_space<vmem>> -> memref<1x128x128xi32, #tpu.memory_space<vmem>>
    %dma_start3A_56 = tpu.memref_squeeze %dma_start3A_55 : memref<1x128x128xi32, #tpu.memory_space<vmem>> -> memref<128x128xi32, #tpu.memory_space<vmem>>
    tpu.enqueue_dma source(%dma_start3A_56 : memref<128x128xi32, #tpu.memory_space<vmem>>) target(%dma_start3A_52 : memref<128x128xi32, #tpu.memory_space<hbm>>) target_semaphore(%arg8 : memref<!tpu.dma_semaphore, #tpu.memory_space<semaphore_mem>>)
    %dma_wait3A_57 = arith.constant 1 : i32
    %dma_wait3A_58 = arith.constant 1 : i32
    %dma_wait3A_59 = arith.constant 0 : i32
    %dma_wait3A_60 = arith.constant 0 : i32
    %dma_wait3A_61 = tpu.memref_slice %arg6[%dma_wait3A_58, %dma_wait3A_59, %dma_wait3A_60] : memref<2x128x128xi32, #tpu.memory_space<vmem>> -> memref<1x128x128xi32, #tpu.memory_space<vmem>>
    %dma_wait3A_62 = tpu.memref_squeeze %dma_wait3A_61 : memref<1x128x128xi32, #tpu.memory_space<vmem>> -> memref<128x128xi32, #tpu.memory_space<vmem>>
    %dma_wait3A_63 = arith.constant 0 : i32
    %dma_wait3A_64 = tpu.memref_slice %arg5[%dma_wait3A_57, %dma_wait3A_63] : memref<2x128xi32, #tpu.memory_space<vmem>> -> memref<1x128xi32, #tpu.memory_space<vmem>>
    %dma_wait3A_65 = tpu.memref_squeeze %dma_wait3A_64 : memref<1x128xi32, #tpu.memory_space<vmem>> -> memref<128xi32, #tpu.memory_space<vmem>>
    %dma_wait3A_66 = arith.constant 0 : i32
    %dma_wait3A_67 = arith.constant 0 : i32
    %dma_wait3A_68 = tpu.memref_slice %arg2[%dma_wait3A_66, %dma_wait3A_67] : memref<4096x128xi32, #tpu.memory_space<hbm>> -> memref<4096x128xi32, #tpu.memory_space<hbm>>
    tpu.wait_indirect_dma semaphore(%arg7 : memref<!tpu.dma_semaphore, #tpu.memory_space<semaphore_mem>>) src(%dma_wait3A_68 : memref<4096x128xi32, #tpu.memory_space<hbm>>) dst(%dma_wait3A_62 : memref<128x128xi32, #tpu.memory_space<vmem>>)
    %add3A_69 = arith.constant 128 : i32
    %add3A_70 = arith.addi %mul3A_2, %add3A_69 : i32
    %dma_start3A_71 = arith.constant 1 : i32
    %dma_start3A_72 = arith.constant 0 : i32
    %dma_start3A_73 = arith.constant 0 : i32
    %dma_start3A_74 = tpu.memref_slice %arg6[%dma_start3A_71, %dma_start3A_72, %dma_start3A_73] : memref<2x128x128xi32, #tpu.memory_space<vmem>> -> memref<1x128x128xi32, #tpu.memory_space<vmem>>
    %dma_start3A_75 = tpu.memref_squeeze %dma_start3A_74 : memref<1x128x128xi32, #tpu.memory_space<vmem>> -> memref<128x128xi32, #tpu.memory_space<vmem>>
    %dma_start3A_76 = arith.constant 0 : i32
    %dma_start3A_77 = tpu.memref_slice %arg4[%add3A_70, %dma_start3A_76] : memref<8192x128xi32, #tpu.memory_space<hbm>> -> memref<128x128xi32, #tpu.memory_space<hbm>>
    %dma_start3A_78 = arith.constant 0 : i32
    %dma_start3A_79 = tpu.memref_slice %arg4[%add3A_70, %dma_start3A_78] : memref<8192x128xi32, #tpu.memory_space<hbm>> -> memref<128x128xi32, #tpu.memory_space<hbm>>
    %dma_start3A_80 = arith.constant 0 : i32
    %dma_start3A_81 = arith.constant 0 : i32
    %dma_start3A_82 = tpu.memref_slice %arg6[%dma_start3A_71, %dma_start3A_80, %dma_start3A_81] : memref<2x128x128xi32, #tpu.memory_space<vmem>> -> memref<1x128x128xi32, #tpu.memory_space<vmem>>
    %dma_start3A_83 = tpu.memref_squeeze %dma_start3A_82 : memref<1x128x128xi32, #tpu.memory_space<vmem>> -> memref<128x128xi32, #tpu.memory_space<vmem>>
    tpu.enqueue_dma source(%dma_start3A_83 : memref<128x128xi32, #tpu.memory_space<vmem>>) target(%dma_start3A_79 : memref<128x128xi32, #tpu.memory_space<hbm>>) target_semaphore(%arg8 : memref<!tpu.dma_semaphore, #tpu.memory_space<semaphore_mem>>)
    %dma_wait3A_84 = arith.constant 0 : i32
    %dma_wait3A_85 = arith.constant 0 : i32
    %dma_wait3A_86 = arith.constant 0 : i32
    %dma_wait3A_87 = tpu.memref_slice %arg6[%dma_wait3A_84, %dma_wait3A_85, %dma_wait3A_86] : memref<2x128x128xi32, #tpu.memory_space<vmem>> -> memref<1x128x128xi32, #tpu.memory_space<vmem>>
    %dma_wait3A_88 = tpu.memref_squeeze %dma_wait3A_87 : memref<1x128x128xi32, #tpu.memory_space<vmem>> -> memref<128x128xi32, #tpu.memory_space<vmem>>
    %dma_wait3A_89 = arith.constant 0 : i32
    %dma_wait3A_90 = tpu.memref_slice %arg4[%add3A_43, %dma_wait3A_89] : memref<8192x128xi32, #tpu.memory_space<hbm>> -> memref<128x128xi32, #tpu.memory_space<hbm>>
    %dma_wait3A_91 = arith.constant 0 : i32
    %dma_wait3A_92 = tpu.memref_slice %arg4[%add3A_43, %dma_wait3A_91] : memref<8192x128xi32, #tpu.memory_space<hbm>> -> memref<128x128xi32, #tpu.memory_space<hbm>>
    %dma_wait3A_93 = arith.constant 0 : i32
    %dma_wait3A_94 = arith.constant 0 : i32
    %dma_wait3A_95 = tpu.memref_slice %arg6[%dma_wait3A_84, %dma_wait3A_93, %dma_wait3A_94] : memref<2x128x128xi32, #tpu.memory_space<vmem>> -> memref<1x128x128xi32, #tpu.memory_space<vmem>>
    %dma_wait3A_96 = tpu.memref_squeeze %dma_wait3A_95 : memref<1x128x128xi32, #tpu.memory_space<vmem>> -> memref<128x128xi32, #tpu.memory_space<vmem>>
    tpu.wait_dma2 semaphore(%arg8 : memref<!tpu.dma_semaphore, #tpu.memory_space<semaphore_mem>>) src(%dma_wait3A_96 : memref<128x128xi32, #tpu.memory_space<vmem>>) dst(%dma_wait3A_92 : memref<128x128xi32, #tpu.memory_space<hbm>>)
    %dma_wait3A_97 = arith.constant 1 : i32
    %dma_wait3A_98 = arith.constant 0 : i32
    %dma_wait3A_99 = arith.constant 0 : i32
    %dma_wait3A_100 = tpu.memref_slice %arg6[%dma_wait3A_97, %dma_wait3A_98, %dma_wait3A_99] : memref<2x128x128xi32, #tpu.memory_space<vmem>> -> memref<1x128x128xi32, #tpu.memory_space<vmem>>
    %dma_wait3A_101 = tpu.memref_squeeze %dma_wait3A_100 : memref<1x128x128xi32, #tpu.memory_space<vmem>> -> memref<128x128xi32, #tpu.memory_space<vmem>>
    %dma_wait3A_102 = arith.constant 0 : i32
    %dma_wait3A_103 = tpu.memref_slice %arg4[%add3A_70, %dma_wait3A_102] : memref<8192x128xi32, #tpu.memory_space<hbm>> -> memref<128x128xi32, #tpu.memory_space<hbm>>
    %dma_wait3A_104 = arith.constant 0 : i32
    %dma_wait3A_105 = tpu.memref_slice %arg4[%add3A_70, %dma_wait3A_104] : memref<8192x128xi32, #tpu.memory_space<hbm>> -> memref<128x128xi32, #tpu.memory_space<hbm>>
    %dma_wait3A_106 = arith.constant 0 : i32
    %dma_wait3A_107 = arith.constant 0 : i32
    %dma_wait3A_108 = tpu.memref_slice %arg6[%dma_wait3A_97, %dma_wait3A_106, %dma_wait3A_107] : memref<2x128x128xi32, #tpu.memory_space<vmem>> -> memref<1x128x128xi32, #tpu.memory_space<vmem>>
    %dma_wait3A_109 = tpu.memref_squeeze %dma_wait3A_108 : memref<1x128x128xi32, #tpu.memory_space<vmem>> -> memref<128x128xi32, #tpu.memory_space<vmem>>
    tpu.wait_dma2 semaphore(%arg8 : memref<!tpu.dma_semaphore, #tpu.memory_space<semaphore_mem>>) src(%dma_wait3A_109 : memref<128x128xi32, #tpu.memory_space<vmem>>) dst(%dma_wait3A_105 : memref<128x128xi32, #tpu.memory_space<hbm>>)
    return
  }
}

module attributes {stable_mosaic.version = 14 : i64} {
  func.func @_finish_body(%arg0: memref<4096x16xf32, #tpu.memory_space<vmem>>, %arg1: memref<4096x16xf32, #tpu.memory_space<vmem>>, %arg2: memref<8192x128xi32, #tpu.memory_space<vmem>>, %arg3: memref<4096x2xf32, #tpu.memory_space<vmem>>, %arg4: memref<32x16xf32, #tpu.memory_space<vmem>>, %arg5: memref<1x16xf32, #tpu.memory_space<vmem>>, %arg6: memref<48x16xf32, #tpu.memory_space<vmem>>, %arg7: memref<1x16xf32, #tpu.memory_space<vmem>>, %arg8: memref<16x4096xf32, #tpu.memory_space<vmem>>) attributes {dimension_semantics = [], scalar_prefetch = 0 : i64, scratch_operands = 0 : i64, tpu.core_type = #tpu.core_type<tc>} {
    %get3A = arith.constant 0 : index
    %get3A_0 = arith.constant 0 : index
    %get3A_1 = vector.load %arg0[%get3A, %get3A_0] : memref<4096x16xf32, #tpu.memory_space<vmem>>, vector<4096x16xf32>
    %get3A_2 = arith.constant 0 : index
    %get3A_3 = arith.constant 0 : index
    %get3A_4 = vector.load %arg3[%get3A_2, %get3A_3] : memref<4096x2xf32, #tpu.memory_space<vmem>>, vector<4096x2xf32>
    %get3A_5 = arith.constant 0 : index
    %get3A_6 = arith.constant 0 : index
    %get3A_7 = vector.load %arg1[%get3A_5, %get3A_6] : memref<4096x16xf32, #tpu.memory_space<vmem>>, vector<4096x16xf32>
    %iota3A = tpu.iota {dimensions = array<i32: 0>} : vector<4096x1xi32>
    %shift_right_logical3A = arith.constant 6 : i32
    %shift_right_logical3A_8 = vector.broadcast %shift_right_logical3A : i32 to vector<4096x1xi32>
    %shift_right_logical3A_9 = arith.shrui %iota3A, %shift_right_logical3A_8 : vector<4096x1xi32>
    %and3A = arith.constant 63 : i32
    %and3A_10 = vector.broadcast %and3A : i32 to vector<4096x1xi32>
    %and3A_11 = arith.andi %iota3A, %and3A_10 : vector<4096x1xi32>
    %broadcast_in_dim3A = arith.constant 0.000000e+00 : f32
    %broadcast_in_dim3A_12 = vector.broadcast %broadcast_in_dim3A : f32 to vector<4096x16xf32>
    %add3A = arith.constant 1 : i32
    %add3A_13 = vector.broadcast %add3A : i32 to vector<4096x1xi32>
    %add3A_14 = arith.addi %shift_right_logical3A_9, %add3A_13 : vector<4096x1xi32>
    %add3A_15 = arith.constant 1 : i32
    %add3A_16 = vector.broadcast %add3A_15 : i32 to vector<4096x1xi32>
    %add3A_17 = arith.addi %and3A_11, %add3A_16 : vector<4096x1xi32>
    %ge3A = arith.constant 0 : i32
    %ge3A_18 = vector.broadcast %ge3A : i32 to vector<4096x1xi32>
    %ge3A_19 = arith.cmpi sge, %add3A_14, %ge3A_18 : vector<4096x1xi32>
    %lt3A = arith.constant 64 : i32
    %lt3A_20 = vector.broadcast %lt3A : i32 to vector<4096x1xi32>
    %lt3A_21 = arith.cmpi slt, %add3A_14, %lt3A_20 : vector<4096x1xi32>
    %and3A_22 = arith.andi %ge3A_19, %lt3A_21 : vector<4096x1xi1>
    %ge3A_23 = arith.constant 0 : i32
    %ge3A_24 = vector.broadcast %ge3A_23 : i32 to vector<4096x1xi32>
    %ge3A_25 = arith.cmpi sge, %add3A_17, %ge3A_24 : vector<4096x1xi32>
    %and3A_26 = arith.andi %and3A_22, %ge3A_25 : vector<4096x1xi1>
    %lt3A_27 = arith.constant 64 : i32
    %lt3A_28 = vector.broadcast %lt3A_27 : i32 to vector<4096x1xi32>
    %lt3A_29 = arith.cmpi slt, %add3A_17, %lt3A_28 : vector<4096x1xi32>
    %and3A_30 = arith.andi %and3A_26, %lt3A_29 : vector<4096x1xi1>
    %get3A_31 = arith.constant 0 : index
    %get3A_32 = arith.constant 0 : index
    %get3A_33 = vector.load %arg2[%get3A_31, %get3A_32] : memref<8192x128xi32, #tpu.memory_space<vmem>>, vector<4096x16xi32>
    %shift_left3A = arith.constant 16 : i32
    %shift_left3A_34 = vector.broadcast %shift_left3A : i32 to vector<4096x16xi32>
    %shift_left3A_35 = arith.shli %get3A_33, %shift_left3A_34 : vector<4096x16xi32>
    %bitcast_convert_type3A = tpu.bitcast %shift_left3A_35 : vector<4096x16xi32> -> vector<4096x16xf32>
    %broadcast_in_dim3A_36 = arith.constant 0.000000e+00 : f32
    %broadcast_in_dim3A_37 = vector.broadcast %broadcast_in_dim3A_36 : f32 to vector<65x16xf32>
    %slice3A = vector.extract_strided_slice %bitcast_convert_type3A {offsets = [65, 0], sizes = [4031, 16], strides = [1, 1]} : vector<4096x16xf32> to vector<4031x16xf32>
    %concatenate3A = tpu.concatenate %slice3A, %broadcast_in_dim3A_37 in 0 : vector<4031x16xf32>, vector<65x16xf32> -> vector<4096x16xf32>
    %jit3A = arith.constant 0.000000e+00 : f32
    %broadcast_in_dim3A_38 = vector.shape_cast %and3A_30 : vector<4096x1xi1> to vector<4096x1xi1>
    %broadcast_in_dim3A_39 = vector.broadcast %broadcast_in_dim3A_38 : vector<4096x1xi1> to vector<4096x16xi1>
    %broadcast_in_dim3A_40 = vector.broadcast %jit3A : f32 to vector<4096x16xf32>
    %select_n3A = arith.select %broadcast_in_dim3A_39, %concatenate3A, %broadcast_in_dim3A_40 : vector<4096x16xi1>, vector<4096x16xf32>
    %add3A_41 = arith.addf %broadcast_in_dim3A_12, %select_n3A : vector<4096x16xf32>
    %add3A_42 = arith.constant 1 : i32
    %add3A_43 = vector.broadcast %add3A_42 : i32 to vector<4096x1xi32>
    %add3A_44 = arith.addi %shift_right_logical3A_9, %add3A_43 : vector<4096x1xi32>
    %add3A_45 = arith.constant 0 : i32
    %add3A_46 = vector.broadcast %add3A_45 : i32 to vector<4096x1xi32>
    %add3A_47 = arith.addi %and3A_11, %add3A_46 : vector<4096x1xi32>
    %ge3A_48 = arith.constant 0 : i32
    %ge3A_49 = vector.broadcast %ge3A_48 : i32 to vector<4096x1xi32>
    %ge3A_50 = arith.cmpi sge, %add3A_44, %ge3A_49 : vector<4096x1xi32>
    %lt3A_51 = arith.constant 64 : i32
    %lt3A_52 = vector.broadcast %lt3A_51 : i32 to vector<4096x1xi32>
    %lt3A_53 = arith.cmpi slt, %add3A_44, %lt3A_52 : vector<4096x1xi32>
    %and3A_54 = arith.andi %ge3A_50, %lt3A_53 : vector<4096x1xi1>
    %ge3A_55 = arith.constant 0 : i32
    %ge3A_56 = vector.broadcast %ge3A_55 : i32 to vector<4096x1xi32>
    %ge3A_57 = arith.cmpi sge, %add3A_47, %ge3A_56 : vector<4096x1xi32>
    %and3A_58 = arith.andi %and3A_54, %ge3A_57 : vector<4096x1xi1>
    %lt3A_59 = arith.constant 64 : i32
    %lt3A_60 = vector.broadcast %lt3A_59 : i32 to vector<4096x1xi32>
    %lt3A_61 = arith.cmpi slt, %add3A_47, %lt3A_60 : vector<4096x1xi32>
    %and3A_62 = arith.andi %and3A_58, %lt3A_61 : vector<4096x1xi1>
    %get3A_63 = arith.constant 0 : index
    %get3A_64 = arith.constant 0 : index
    %get3A_65 = vector.load %arg2[%get3A_63, %get3A_64] : memref<8192x128xi32, #tpu.memory_space<vmem>>, vector<4096x16xi32>
    %and3A_66 = arith.constant -65536 : i32
    %and3A_67 = vector.broadcast %and3A_66 : i32 to vector<4096x16xi32>
    %and3A_68 = arith.andi %get3A_65, %and3A_67 : vector<4096x16xi32>
    %bitcast_convert_type3A_69 = tpu.bitcast %and3A_68 : vector<4096x16xi32> -> vector<4096x16xf32>
    %broadcast_in_dim3A_70 = arith.constant 0.000000e+00 : f32
    %broadcast_in_dim3A_71 = vector.broadcast %broadcast_in_dim3A_70 : f32 to vector<64x16xf32>
    %slice3A_72 = vector.extract_strided_slice %bitcast_convert_type3A_69 {offsets = [64, 0], sizes = [4032, 16], strides = [1, 1]} : vector<4096x16xf32> to vector<4032x16xf32>
    %concatenate3A_73 = tpu.concatenate %slice3A_72, %broadcast_in_dim3A_71 in 0 : vector<4032x16xf32>, vector<64x16xf32> -> vector<4096x16xf32>
    %jit3A_74 = arith.constant 0.000000e+00 : f32
    %broadcast_in_dim3A_75 = vector.shape_cast %and3A_62 : vector<4096x1xi1> to vector<4096x1xi1>
    %broadcast_in_dim3A_76 = vector.broadcast %broadcast_in_dim3A_75 : vector<4096x1xi1> to vector<4096x16xi1>
    %broadcast_in_dim3A_77 = vector.broadcast %jit3A_74 : f32 to vector<4096x16xf32>
    %select_n3A_78 = arith.select %broadcast_in_dim3A_76, %concatenate3A_73, %broadcast_in_dim3A_77 : vector<4096x16xi1>, vector<4096x16xf32>
    %add3A_79 = arith.addf %add3A_41, %select_n3A_78 : vector<4096x16xf32>
    %add3A_80 = arith.constant 1 : i32
    %add3A_81 = vector.broadcast %add3A_80 : i32 to vector<4096x1xi32>
    %add3A_82 = arith.addi %shift_right_logical3A_9, %add3A_81 : vector<4096x1xi32>
    %add3A_83 = arith.constant -1 : i32
    %add3A_84 = vector.broadcast %add3A_83 : i32 to vector<4096x1xi32>
    %add3A_85 = arith.addi %and3A_11, %add3A_84 : vector<4096x1xi32>
    %ge3A_86 = arith.constant 0 : i32
    %ge3A_87 = vector.broadcast %ge3A_86 : i32 to vector<4096x1xi32>
    %ge3A_88 = arith.cmpi sge, %add3A_82, %ge3A_87 : vector<4096x1xi32>
    %lt3A_89 = arith.constant 64 : i32
    %lt3A_90 = vector.broadcast %lt3A_89 : i32 to vector<4096x1xi32>
    %lt3A_91 = arith.cmpi slt, %add3A_82, %lt3A_90 : vector<4096x1xi32>
    %and3A_92 = arith.andi %ge3A_88, %lt3A_91 : vector<4096x1xi1>
    %ge3A_93 = arith.constant 0 : i32
    %ge3A_94 = vector.broadcast %ge3A_93 : i32 to vector<4096x1xi32>
    %ge3A_95 = arith.cmpi sge, %add3A_85, %ge3A_94 : vector<4096x1xi32>
    %and3A_96 = arith.andi %and3A_92, %ge3A_95 : vector<4096x1xi1>
    %lt3A_97 = arith.constant 64 : i32
    %lt3A_98 = vector.broadcast %lt3A_97 : i32 to vector<4096x1xi32>
    %lt3A_99 = arith.cmpi slt, %add3A_85, %lt3A_98 : vector<4096x1xi32>
    %and3A_100 = arith.andi %and3A_96, %lt3A_99 : vector<4096x1xi1>
    %get3A_101 = arith.constant 0 : index
    %get3A_102 = arith.constant 16 : index
    %get3A_103 = vector.load %arg2[%get3A_101, %get3A_102] : memref<8192x128xi32, #tpu.memory_space<vmem>>, vector<4096x16xi32>
    %shift_left3A_104 = arith.constant 16 : i32
    %shift_left3A_105 = vector.broadcast %shift_left3A_104 : i32 to vector<4096x16xi32>
    %shift_left3A_106 = arith.shli %get3A_103, %shift_left3A_105 : vector<4096x16xi32>
    %bitcast_convert_type3A_107 = tpu.bitcast %shift_left3A_106 : vector<4096x16xi32> -> vector<4096x16xf32>
    %broadcast_in_dim3A_108 = arith.constant 0.000000e+00 : f32
    %broadcast_in_dim3A_109 = vector.broadcast %broadcast_in_dim3A_108 : f32 to vector<63x16xf32>
    %slice3A_110 = vector.extract_strided_slice %bitcast_convert_type3A_107 {offsets = [63, 0], sizes = [4033, 16], strides = [1, 1]} : vector<4096x16xf32> to vector<4033x16xf32>
    %concatenate3A_111 = tpu.concatenate %slice3A_110, %broadcast_in_dim3A_109 in 0 : vector<4033x16xf32>, vector<63x16xf32> -> vector<4096x16xf32>
    %jit3A_112 = arith.constant 0.000000e+00 : f32
    %broadcast_in_dim3A_113 = vector.shape_cast %and3A_100 : vector<4096x1xi1> to vector<4096x1xi1>
    %broadcast_in_dim3A_114 = vector.broadcast %broadcast_in_dim3A_113 : vector<4096x1xi1> to vector<4096x16xi1>
    %broadcast_in_dim3A_115 = vector.broadcast %jit3A_112 : f32 to vector<4096x16xf32>
    %select_n3A_116 = arith.select %broadcast_in_dim3A_114, %concatenate3A_111, %broadcast_in_dim3A_115 : vector<4096x16xi1>, vector<4096x16xf32>
    %add3A_117 = arith.addf %add3A_79, %select_n3A_116 : vector<4096x16xf32>
    %add3A_118 = arith.constant 0 : i32
    %add3A_119 = vector.broadcast %add3A_118 : i32 to vector<4096x1xi32>
    %add3A_120 = arith.addi %shift_right_logical3A_9, %add3A_119 : vector<4096x1xi32>
    %add3A_121 = arith.constant 1 : i32
    %add3A_122 = vector.broadcast %add3A_121 : i32 to vector<4096x1xi32>
    %add3A_123 = arith.addi %and3A_11, %add3A_122 : vector<4096x1xi32>
    %ge3A_124 = arith.constant 0 : i32
    %ge3A_125 = vector.broadcast %ge3A_124 : i32 to vector<4096x1xi32>
    %ge3A_126 = arith.cmpi sge, %add3A_120, %ge3A_125 : vector<4096x1xi32>
    %lt3A_127 = arith.constant 64 : i32
    %lt3A_128 = vector.broadcast %lt3A_127 : i32 to vector<4096x1xi32>
    %lt3A_129 = arith.cmpi slt, %add3A_120, %lt3A_128 : vector<4096x1xi32>
    %and3A_130 = arith.andi %ge3A_126, %lt3A_129 : vector<4096x1xi1>
    %ge3A_131 = arith.constant 0 : i32
    %ge3A_132 = vector.broadcast %ge3A_131 : i32 to vector<4096x1xi32>
    %ge3A_133 = arith.cmpi sge, %add3A_123, %ge3A_132 : vector<4096x1xi32>
    %and3A_134 = arith.andi %and3A_130, %ge3A_133 : vector<4096x1xi1>
    %lt3A_135 = arith.constant 64 : i32
    %lt3A_136 = vector.broadcast %lt3A_135 : i32 to vector<4096x1xi32>
    %lt3A_137 = arith.cmpi slt, %add3A_123, %lt3A_136 : vector<4096x1xi32>
    %and3A_138 = arith.andi %and3A_134, %lt3A_137 : vector<4096x1xi1>
    %get3A_139 = arith.constant 0 : index
    %get3A_140 = arith.constant 16 : index
    %get3A_141 = vector.load %arg2[%get3A_139, %get3A_140] : memref<8192x128xi32, #tpu.memory_space<vmem>>, vector<4096x16xi32>
    %and3A_142 = arith.constant -65536 : i32
    %and3A_143 = vector.broadcast %and3A_142 : i32 to vector<4096x16xi32>
    %and3A_144 = arith.andi %get3A_141, %and3A_143 : vector<4096x16xi32>
    %bitcast_convert_type3A_145 = tpu.bitcast %and3A_144 : vector<4096x16xi32> -> vector<4096x16xf32>
    %broadcast_in_dim3A_146 = arith.constant 0.000000e+00 : f32
    %broadcast_in_dim3A_147 = vector.broadcast %broadcast_in_dim3A_146 : f32 to vector<1x16xf32>
    %slice3A_148 = vector.extract_strided_slice %bitcast_convert_type3A_145 {offsets = [1, 0], sizes = [4095, 16], strides = [1, 1]} : vector<4096x16xf32> to vector<4095x16xf32>
    %concatenate3A_149 = tpu.concatenate %slice3A_148, %broadcast_in_dim3A_147 in 0 : vector<4095x16xf32>, vector<1x16xf32> -> vector<4096x16xf32>
    %jit3A_150 = arith.constant 0.000000e+00 : f32
    %broadcast_in_dim3A_151 = vector.shape_cast %and3A_138 : vector<4096x1xi1> to vector<4096x1xi1>
    %broadcast_in_dim3A_152 = vector.broadcast %broadcast_in_dim3A_151 : vector<4096x1xi1> to vector<4096x16xi1>
    %broadcast_in_dim3A_153 = vector.broadcast %jit3A_150 : f32 to vector<4096x16xf32>
    %select_n3A_154 = arith.select %broadcast_in_dim3A_152, %concatenate3A_149, %broadcast_in_dim3A_153 : vector<4096x16xi1>, vector<4096x16xf32>
    %add3A_155 = arith.addf %add3A_117, %select_n3A_154 : vector<4096x16xf32>
    %add3A_156 = arith.constant 0 : i32
    %add3A_157 = vector.broadcast %add3A_156 : i32 to vector<4096x1xi32>
    %add3A_158 = arith.addi %shift_right_logical3A_9, %add3A_157 : vector<4096x1xi32>
    %add3A_159 = arith.constant 0 : i32
    %add3A_160 = vector.broadcast %add3A_159 : i32 to vector<4096x1xi32>
    %add3A_161 = arith.addi %and3A_11, %add3A_160 : vector<4096x1xi32>
    %ge3A_162 = arith.constant 0 : i32
    %ge3A_163 = vector.broadcast %ge3A_162 : i32 to vector<4096x1xi32>
    %ge3A_164 = arith.cmpi sge, %add3A_158, %ge3A_163 : vector<4096x1xi32>
    %lt3A_165 = arith.constant 64 : i32
    %lt3A_166 = vector.broadcast %lt3A_165 : i32 to vector<4096x1xi32>
    %lt3A_167 = arith.cmpi slt, %add3A_158, %lt3A_166 : vector<4096x1xi32>
    %and3A_168 = arith.andi %ge3A_164, %lt3A_167 : vector<4096x1xi1>
    %ge3A_169 = arith.constant 0 : i32
    %ge3A_170 = vector.broadcast %ge3A_169 : i32 to vector<4096x1xi32>
    %ge3A_171 = arith.cmpi sge, %add3A_161, %ge3A_170 : vector<4096x1xi32>
    %and3A_172 = arith.andi %and3A_168, %ge3A_171 : vector<4096x1xi1>
    %lt3A_173 = arith.constant 64 : i32
    %lt3A_174 = vector.broadcast %lt3A_173 : i32 to vector<4096x1xi32>
    %lt3A_175 = arith.cmpi slt, %add3A_161, %lt3A_174 : vector<4096x1xi32>
    %and3A_176 = arith.andi %and3A_172, %lt3A_175 : vector<4096x1xi1>
    %get3A_177 = arith.constant 0 : index
    %get3A_178 = arith.constant 32 : index
    %get3A_179 = vector.load %arg2[%get3A_177, %get3A_178] : memref<8192x128xi32, #tpu.memory_space<vmem>>, vector<4096x16xi32>
    %shift_left3A_180 = arith.constant 16 : i32
    %shift_left3A_181 = vector.broadcast %shift_left3A_180 : i32 to vector<4096x16xi32>
    %shift_left3A_182 = arith.shli %get3A_179, %shift_left3A_181 : vector<4096x16xi32>
    %bitcast_convert_type3A_183 = tpu.bitcast %shift_left3A_182 : vector<4096x16xi32> -> vector<4096x16xf32>
    %jit3A_184 = arith.constant 0.000000e+00 : f32
    %broadcast_in_dim3A_185 = vector.shape_cast %and3A_176 : vector<4096x1xi1> to vector<4096x1xi1>
    %broadcast_in_dim3A_186 = vector.broadcast %broadcast_in_dim3A_185 : vector<4096x1xi1> to vector<4096x16xi1>
    %broadcast_in_dim3A_187 = vector.broadcast %jit3A_184 : f32 to vector<4096x16xf32>
    %select_n3A_188 = arith.select %broadcast_in_dim3A_186, %bitcast_convert_type3A_183, %broadcast_in_dim3A_187 : vector<4096x16xi1>, vector<4096x16xf32>
    %add3A_189 = arith.addf %add3A_155, %select_n3A_188 : vector<4096x16xf32>
    %add3A_190 = arith.constant 0 : i32
    %add3A_191 = vector.broadcast %add3A_190 : i32 to vector<4096x1xi32>
    %add3A_192 = arith.addi %shift_right_logical3A_9, %add3A_191 : vector<4096x1xi32>
    %add3A_193 = arith.constant -1 : i32
    %add3A_194 = vector.broadcast %add3A_193 : i32 to vector<4096x1xi32>
    %add3A_195 = arith.addi %and3A_11, %add3A_194 : vector<4096x1xi32>
    %ge3A_196 = arith.constant 0 : i32
    %ge3A_197 = vector.broadcast %ge3A_196 : i32 to vector<4096x1xi32>
    %ge3A_198 = arith.cmpi sge, %add3A_192, %ge3A_197 : vector<4096x1xi32>
    %lt3A_199 = arith.constant 64 : i32
    %lt3A_200 = vector.broadcast %lt3A_199 : i32 to vector<4096x1xi32>
    %lt3A_201 = arith.cmpi slt, %add3A_192, %lt3A_200 : vector<4096x1xi32>
    %and3A_202 = arith.andi %ge3A_198, %lt3A_201 : vector<4096x1xi1>
    %ge3A_203 = arith.constant 0 : i32
    %ge3A_204 = vector.broadcast %ge3A_203 : i32 to vector<4096x1xi32>
    %ge3A_205 = arith.cmpi sge, %add3A_195, %ge3A_204 : vector<4096x1xi32>
    %and3A_206 = arith.andi %and3A_202, %ge3A_205 : vector<4096x1xi1>
    %lt3A_207 = arith.constant 64 : i32
    %lt3A_208 = vector.broadcast %lt3A_207 : i32 to vector<4096x1xi32>
    %lt3A_209 = arith.cmpi slt, %add3A_195, %lt3A_208 : vector<4096x1xi32>
    %and3A_210 = arith.andi %and3A_206, %lt3A_209 : vector<4096x1xi1>
    %get3A_211 = arith.constant 0 : index
    %get3A_212 = arith.constant 32 : index
    %get3A_213 = vector.load %arg2[%get3A_211, %get3A_212] : memref<8192x128xi32, #tpu.memory_space<vmem>>, vector<4096x16xi32>
    %and3A_214 = arith.constant -65536 : i32
    %and3A_215 = vector.broadcast %and3A_214 : i32 to vector<4096x16xi32>
    %and3A_216 = arith.andi %get3A_213, %and3A_215 : vector<4096x16xi32>
    %bitcast_convert_type3A_217 = tpu.bitcast %and3A_216 : vector<4096x16xi32> -> vector<4096x16xf32>
    %broadcast_in_dim3A_218 = arith.constant 0.000000e+00 : f32
    %broadcast_in_dim3A_219 = vector.broadcast %broadcast_in_dim3A_218 : f32 to vector<1x16xf32>
    %slice3A_220 = vector.extract_strided_slice %bitcast_convert_type3A_217 {offsets = [0, 0], sizes = [4095, 16], strides = [1, 1]} : vector<4096x16xf32> to vector<4095x16xf32>
    %concatenate3A_221 = tpu.concatenate %broadcast_in_dim3A_219, %slice3A_220 in 0 : vector<1x16xf32>, vector<4095x16xf32> -> vector<4096x16xf32>
    %jit3A_222 = arith.constant 0.000000e+00 : f32
    %broadcast_in_dim3A_223 = vector.shape_cast %and3A_210 : vector<4096x1xi1> to vector<4096x1xi1>
    %broadcast_in_dim3A_224 = vector.broadcast %broadcast_in_dim3A_223 : vector<4096x1xi1> to vector<4096x16xi1>
    %broadcast_in_dim3A_225 = vector.broadcast %jit3A_222 : f32 to vector<4096x16xf32>
    %select_n3A_226 = arith.select %broadcast_in_dim3A_224, %concatenate3A_221, %broadcast_in_dim3A_225 : vector<4096x16xi1>, vector<4096x16xf32>
    %add3A_227 = arith.addf %add3A_189, %select_n3A_226 : vector<4096x16xf32>
    %add3A_228 = arith.constant -1 : i32
    %add3A_229 = vector.broadcast %add3A_228 : i32 to vector<4096x1xi32>
    %add3A_230 = arith.addi %shift_right_logical3A_9, %add3A_229 : vector<4096x1xi32>
    %add3A_231 = arith.constant 1 : i32
    %add3A_232 = vector.broadcast %add3A_231 : i32 to vector<4096x1xi32>
    %add3A_233 = arith.addi %and3A_11, %add3A_232 : vector<4096x1xi32>
    %ge3A_234 = arith.constant 0 : i32
    %ge3A_235 = vector.broadcast %ge3A_234 : i32 to vector<4096x1xi32>
    %ge3A_236 = arith.cmpi sge, %add3A_230, %ge3A_235 : vector<4096x1xi32>
    %lt3A_237 = arith.constant 64 : i32
    %lt3A_238 = vector.broadcast %lt3A_237 : i32 to vector<4096x1xi32>
    %lt3A_239 = arith.cmpi slt, %add3A_230, %lt3A_238 : vector<4096x1xi32>
    %and3A_240 = arith.andi %ge3A_236, %lt3A_239 : vector<4096x1xi1>
    %ge3A_241 = arith.constant 0 : i32
    %ge3A_242 = vector.broadcast %ge3A_241 : i32 to vector<4096x1xi32>
    %ge3A_243 = arith.cmpi sge, %add3A_233, %ge3A_242 : vector<4096x1xi32>
    %and3A_244 = arith.andi %and3A_240, %ge3A_243 : vector<4096x1xi1>
    %lt3A_245 = arith.constant 64 : i32
    %lt3A_246 = vector.broadcast %lt3A_245 : i32 to vector<4096x1xi32>
    %lt3A_247 = arith.cmpi slt, %add3A_233, %lt3A_246 : vector<4096x1xi32>
    %and3A_248 = arith.andi %and3A_244, %lt3A_247 : vector<4096x1xi1>
    %get3A_249 = arith.constant 0 : index
    %get3A_250 = arith.constant 48 : index
    %get3A_251 = vector.load %arg2[%get3A_249, %get3A_250] : memref<8192x128xi32, #tpu.memory_space<vmem>>, vector<4096x16xi32>
    %shift_left3A_252 = arith.constant 16 : i32
    %shift_left3A_253 = vector.broadcast %shift_left3A_252 : i32 to vector<4096x16xi32>
    %shift_left3A_254 = arith.shli %get3A_251, %shift_left3A_253 : vector<4096x16xi32>
    %bitcast_convert_type3A_255 = tpu.bitcast %shift_left3A_254 : vector<4096x16xi32> -> vector<4096x16xf32>
    %broadcast_in_dim3A_256 = arith.constant 0.000000e+00 : f32
    %broadcast_in_dim3A_257 = vector.broadcast %broadcast_in_dim3A_256 : f32 to vector<63x16xf32>
    %slice3A_258 = vector.extract_strided_slice %bitcast_convert_type3A_255 {offsets = [0, 0], sizes = [4033, 16], strides = [1, 1]} : vector<4096x16xf32> to vector<4033x16xf32>
    %concatenate3A_259 = tpu.concatenate %broadcast_in_dim3A_257, %slice3A_258 in 0 : vector<63x16xf32>, vector<4033x16xf32> -> vector<4096x16xf32>
    %jit3A_260 = arith.constant 0.000000e+00 : f32
    %broadcast_in_dim3A_261 = vector.shape_cast %and3A_248 : vector<4096x1xi1> to vector<4096x1xi1>
    %broadcast_in_dim3A_262 = vector.broadcast %broadcast_in_dim3A_261 : vector<4096x1xi1> to vector<4096x16xi1>
    %broadcast_in_dim3A_263 = vector.broadcast %jit3A_260 : f32 to vector<4096x16xf32>
    %select_n3A_264 = arith.select %broadcast_in_dim3A_262, %concatenate3A_259, %broadcast_in_dim3A_263 : vector<4096x16xi1>, vector<4096x16xf32>
    %add3A_265 = arith.addf %add3A_227, %select_n3A_264 : vector<4096x16xf32>
    %add3A_266 = arith.constant -1 : i32
    %add3A_267 = vector.broadcast %add3A_266 : i32 to vector<4096x1xi32>
    %add3A_268 = arith.addi %shift_right_logical3A_9, %add3A_267 : vector<4096x1xi32>
    %add3A_269 = arith.constant 0 : i32
    %add3A_270 = vector.broadcast %add3A_269 : i32 to vector<4096x1xi32>
    %add3A_271 = arith.addi %and3A_11, %add3A_270 : vector<4096x1xi32>
    %ge3A_272 = arith.constant 0 : i32
    %ge3A_273 = vector.broadcast %ge3A_272 : i32 to vector<4096x1xi32>
    %ge3A_274 = arith.cmpi sge, %add3A_268, %ge3A_273 : vector<4096x1xi32>
    %lt3A_275 = arith.constant 64 : i32
    %lt3A_276 = vector.broadcast %lt3A_275 : i32 to vector<4096x1xi32>
    %lt3A_277 = arith.cmpi slt, %add3A_268, %lt3A_276 : vector<4096x1xi32>
    %and3A_278 = arith.andi %ge3A_274, %lt3A_277 : vector<4096x1xi1>
    %ge3A_279 = arith.constant 0 : i32
    %ge3A_280 = vector.broadcast %ge3A_279 : i32 to vector<4096x1xi32>
    %ge3A_281 = arith.cmpi sge, %add3A_271, %ge3A_280 : vector<4096x1xi32>
    %and3A_282 = arith.andi %and3A_278, %ge3A_281 : vector<4096x1xi1>
    %lt3A_283 = arith.constant 64 : i32
    %lt3A_284 = vector.broadcast %lt3A_283 : i32 to vector<4096x1xi32>
    %lt3A_285 = arith.cmpi slt, %add3A_271, %lt3A_284 : vector<4096x1xi32>
    %and3A_286 = arith.andi %and3A_282, %lt3A_285 : vector<4096x1xi1>
    %get3A_287 = arith.constant 0 : index
    %get3A_288 = arith.constant 48 : index
    %get3A_289 = vector.load %arg2[%get3A_287, %get3A_288] : memref<8192x128xi32, #tpu.memory_space<vmem>>, vector<4096x16xi32>
    %and3A_290 = arith.constant -65536 : i32
    %and3A_291 = vector.broadcast %and3A_290 : i32 to vector<4096x16xi32>
    %and3A_292 = arith.andi %get3A_289, %and3A_291 : vector<4096x16xi32>
    %bitcast_convert_type3A_293 = tpu.bitcast %and3A_292 : vector<4096x16xi32> -> vector<4096x16xf32>
    %broadcast_in_dim3A_294 = arith.constant 0.000000e+00 : f32
    %broadcast_in_dim3A_295 = vector.broadcast %broadcast_in_dim3A_294 : f32 to vector<64x16xf32>
    %slice3A_296 = vector.extract_strided_slice %bitcast_convert_type3A_293 {offsets = [0, 0], sizes = [4032, 16], strides = [1, 1]} : vector<4096x16xf32> to vector<4032x16xf32>
    %concatenate3A_297 = tpu.concatenate %broadcast_in_dim3A_295, %slice3A_296 in 0 : vector<64x16xf32>, vector<4032x16xf32> -> vector<4096x16xf32>
    %jit3A_298 = arith.constant 0.000000e+00 : f32
    %broadcast_in_dim3A_299 = vector.shape_cast %and3A_286 : vector<4096x1xi1> to vector<4096x1xi1>
    %broadcast_in_dim3A_300 = vector.broadcast %broadcast_in_dim3A_299 : vector<4096x1xi1> to vector<4096x16xi1>
    %broadcast_in_dim3A_301 = vector.broadcast %jit3A_298 : f32 to vector<4096x16xf32>
    %select_n3A_302 = arith.select %broadcast_in_dim3A_300, %concatenate3A_297, %broadcast_in_dim3A_301 : vector<4096x16xi1>, vector<4096x16xf32>
    %add3A_303 = arith.addf %add3A_265, %select_n3A_302 : vector<4096x16xf32>
    %add3A_304 = arith.constant -1 : i32
    %add3A_305 = vector.broadcast %add3A_304 : i32 to vector<4096x1xi32>
    %add3A_306 = arith.addi %shift_right_logical3A_9, %add3A_305 : vector<4096x1xi32>
    %add3A_307 = arith.constant -1 : i32
    %add3A_308 = vector.broadcast %add3A_307 : i32 to vector<4096x1xi32>
    %add3A_309 = arith.addi %and3A_11, %add3A_308 : vector<4096x1xi32>
    %ge3A_310 = arith.constant 0 : i32
    %ge3A_311 = vector.broadcast %ge3A_310 : i32 to vector<4096x1xi32>
    %ge3A_312 = arith.cmpi sge, %add3A_306, %ge3A_311 : vector<4096x1xi32>
    %lt3A_313 = arith.constant 64 : i32
    %lt3A_314 = vector.broadcast %lt3A_313 : i32 to vector<4096x1xi32>
    %lt3A_315 = arith.cmpi slt, %add3A_306, %lt3A_314 : vector<4096x1xi32>
    %and3A_316 = arith.andi %ge3A_312, %lt3A_315 : vector<4096x1xi1>
    %ge3A_317 = arith.constant 0 : i32
    %ge3A_318 = vector.broadcast %ge3A_317 : i32 to vector<4096x1xi32>
    %ge3A_319 = arith.cmpi sge, %add3A_309, %ge3A_318 : vector<4096x1xi32>
    %and3A_320 = arith.andi %and3A_316, %ge3A_319 : vector<4096x1xi1>
    %lt3A_321 = arith.constant 64 : i32
    %lt3A_322 = vector.broadcast %lt3A_321 : i32 to vector<4096x1xi32>
    %lt3A_323 = arith.cmpi slt, %add3A_309, %lt3A_322 : vector<4096x1xi32>
    %and3A_324 = arith.andi %and3A_320, %lt3A_323 : vector<4096x1xi1>
    %get3A_325 = arith.constant 0 : index
    %get3A_326 = arith.constant 64 : index
    %get3A_327 = vector.load %arg2[%get3A_325, %get3A_326] : memref<8192x128xi32, #tpu.memory_space<vmem>>, vector<4096x16xi32>
    %bitcast_convert_type3A_328 = tpu.bitcast %get3A_327 : vector<4096x16xi32> -> vector<4096x16xf32>
    %broadcast_in_dim3A_329 = arith.constant 0.000000e+00 : f32
    %broadcast_in_dim3A_330 = vector.broadcast %broadcast_in_dim3A_329 : f32 to vector<65x16xf32>
    %slice3A_331 = vector.extract_strided_slice %bitcast_convert_type3A_328 {offsets = [0, 0], sizes = [4031, 16], strides = [1, 1]} : vector<4096x16xf32> to vector<4031x16xf32>
    %concatenate3A_332 = tpu.concatenate %broadcast_in_dim3A_330, %slice3A_331 in 0 : vector<65x16xf32>, vector<4031x16xf32> -> vector<4096x16xf32>
    %jit3A_333 = arith.constant 0.000000e+00 : f32
    %broadcast_in_dim3A_334 = vector.shape_cast %and3A_324 : vector<4096x1xi1> to vector<4096x1xi1>
    %broadcast_in_dim3A_335 = vector.broadcast %broadcast_in_dim3A_334 : vector<4096x1xi1> to vector<4096x16xi1>
    %broadcast_in_dim3A_336 = vector.broadcast %jit3A_333 : f32 to vector<4096x16xf32>
    %select_n3A_337 = arith.select %broadcast_in_dim3A_335, %concatenate3A_332, %broadcast_in_dim3A_336 : vector<4096x16xi1>, vector<4096x16xf32>
    %add3A_338 = arith.addf %add3A_303, %select_n3A_337 : vector<4096x16xf32>
    %div3A = arith.constant 9.000000e+00 : f32
    %div3A_339 = vector.broadcast %div3A : f32 to vector<4096x16xf32>
    %div3A_340 = arith.divf %add3A_338, %div3A_339 : vector<4096x16xf32>
    %slice3A_341 = vector.extract_strided_slice %get3A_4 {offsets = [0, 0], sizes = [4096, 1], strides = [1, 1]} : vector<4096x2xf32> to vector<4096x1xf32>
    %mul3A = vector.broadcast %slice3A_341 : vector<4096x1xf32> to vector<4096x16xf32>
    %mul3A_342 = arith.mulf %div3A_340, %mul3A : vector<4096x16xf32>
    %broadcast_in_dim3A_343 = arith.constant 0.000000e+00 : f32
    %broadcast_in_dim3A_344 = vector.broadcast %broadcast_in_dim3A_343 : f32 to vector<4096x16xf32>
    %add3A_345 = arith.constant 1 : i32
    %add3A_346 = vector.broadcast %add3A_345 : i32 to vector<4096x1xi32>
    %add3A_347 = arith.addi %shift_right_logical3A_9, %add3A_346 : vector<4096x1xi32>
    %add3A_348 = arith.constant 1 : i32
    %add3A_349 = vector.broadcast %add3A_348 : i32 to vector<4096x1xi32>
    %add3A_350 = arith.addi %and3A_11, %add3A_349 : vector<4096x1xi32>
    %ge3A_351 = arith.constant 0 : i32
    %ge3A_352 = vector.broadcast %ge3A_351 : i32 to vector<4096x1xi32>
    %ge3A_353 = arith.cmpi sge, %add3A_347, %ge3A_352 : vector<4096x1xi32>
    %lt3A_354 = arith.constant 64 : i32
    %lt3A_355 = vector.broadcast %lt3A_354 : i32 to vector<4096x1xi32>
    %lt3A_356 = arith.cmpi slt, %add3A_347, %lt3A_355 : vector<4096x1xi32>
    %and3A_357 = arith.andi %ge3A_353, %lt3A_356 : vector<4096x1xi1>
    %ge3A_358 = arith.constant 0 : i32
    %ge3A_359 = vector.broadcast %ge3A_358 : i32 to vector<4096x1xi32>
    %ge3A_360 = arith.cmpi sge, %add3A_350, %ge3A_359 : vector<4096x1xi32>
    %and3A_361 = arith.andi %and3A_357, %ge3A_360 : vector<4096x1xi1>
    %lt3A_362 = arith.constant 64 : i32
    %lt3A_363 = vector.broadcast %lt3A_362 : i32 to vector<4096x1xi32>
    %lt3A_364 = arith.cmpi slt, %add3A_350, %lt3A_363 : vector<4096x1xi32>
    %and3A_365 = arith.andi %and3A_361, %lt3A_364 : vector<4096x1xi1>
    %get3A_366 = arith.constant 4096 : index
    %get3A_367 = arith.constant 0 : index
    %get3A_368 = vector.load %arg2[%get3A_366, %get3A_367] : memref<8192x128xi32, #tpu.memory_space<vmem>>, vector<4096x16xi32>
    %shift_left3A_369 = arith.constant 16 : i32
    %shift_left3A_370 = vector.broadcast %shift_left3A_369 : i32 to vector<4096x16xi32>
    %shift_left3A_371 = arith.shli %get3A_368, %shift_left3A_370 : vector<4096x16xi32>
    %bitcast_convert_type3A_372 = tpu.bitcast %shift_left3A_371 : vector<4096x16xi32> -> vector<4096x16xf32>
    %broadcast_in_dim3A_373 = arith.constant 0.000000e+00 : f32
    %broadcast_in_dim3A_374 = vector.broadcast %broadcast_in_dim3A_373 : f32 to vector<65x16xf32>
    %slice3A_375 = vector.extract_strided_slice %bitcast_convert_type3A_372 {offsets = [65, 0], sizes = [4031, 16], strides = [1, 1]} : vector<4096x16xf32> to vector<4031x16xf32>
    %concatenate3A_376 = tpu.concatenate %slice3A_375, %broadcast_in_dim3A_374 in 0 : vector<4031x16xf32>, vector<65x16xf32> -> vector<4096x16xf32>
    %jit3A_377 = arith.constant 0.000000e+00 : f32
    %broadcast_in_dim3A_378 = vector.shape_cast %and3A_365 : vector<4096x1xi1> to vector<4096x1xi1>
    %broadcast_in_dim3A_379 = vector.broadcast %broadcast_in_dim3A_378 : vector<4096x1xi1> to vector<4096x16xi1>
    %broadcast_in_dim3A_380 = vector.broadcast %jit3A_377 : f32 to vector<4096x16xf32>
    %select_n3A_381 = arith.select %broadcast_in_dim3A_379, %concatenate3A_376, %broadcast_in_dim3A_380 : vector<4096x16xi1>, vector<4096x16xf32>
    %add3A_382 = arith.addf %broadcast_in_dim3A_344, %select_n3A_381 : vector<4096x16xf32>
    %add3A_383 = arith.constant 1 : i32
    %add3A_384 = vector.broadcast %add3A_383 : i32 to vector<4096x1xi32>
    %add3A_385 = arith.addi %shift_right_logical3A_9, %add3A_384 : vector<4096x1xi32>
    %add3A_386 = arith.constant 0 : i32
    %add3A_387 = vector.broadcast %add3A_386 : i32 to vector<4096x1xi32>
    %add3A_388 = arith.addi %and3A_11, %add3A_387 : vector<4096x1xi32>
    %ge3A_389 = arith.constant 0 : i32
    %ge3A_390 = vector.broadcast %ge3A_389 : i32 to vector<4096x1xi32>
    %ge3A_391 = arith.cmpi sge, %add3A_385, %ge3A_390 : vector<4096x1xi32>
    %lt3A_392 = arith.constant 64 : i32
    %lt3A_393 = vector.broadcast %lt3A_392 : i32 to vector<4096x1xi32>
    %lt3A_394 = arith.cmpi slt, %add3A_385, %lt3A_393 : vector<4096x1xi32>
    %and3A_395 = arith.andi %ge3A_391, %lt3A_394 : vector<4096x1xi1>
    %ge3A_396 = arith.constant 0 : i32
    %ge3A_397 = vector.broadcast %ge3A_396 : i32 to vector<4096x1xi32>
    %ge3A_398 = arith.cmpi sge, %add3A_388, %ge3A_397 : vector<4096x1xi32>
    %and3A_399 = arith.andi %and3A_395, %ge3A_398 : vector<4096x1xi1>
    %lt3A_400 = arith.constant 64 : i32
    %lt3A_401 = vector.broadcast %lt3A_400 : i32 to vector<4096x1xi32>
    %lt3A_402 = arith.cmpi slt, %add3A_388, %lt3A_401 : vector<4096x1xi32>
    %and3A_403 = arith.andi %and3A_399, %lt3A_402 : vector<4096x1xi1>
    %get3A_404 = arith.constant 4096 : index
    %get3A_405 = arith.constant 0 : index
    %get3A_406 = vector.load %arg2[%get3A_404, %get3A_405] : memref<8192x128xi32, #tpu.memory_space<vmem>>, vector<4096x16xi32>
    %and3A_407 = arith.constant -65536 : i32
    %and3A_408 = vector.broadcast %and3A_407 : i32 to vector<4096x16xi32>
    %and3A_409 = arith.andi %get3A_406, %and3A_408 : vector<4096x16xi32>
    %bitcast_convert_type3A_410 = tpu.bitcast %and3A_409 : vector<4096x16xi32> -> vector<4096x16xf32>
    %broadcast_in_dim3A_411 = arith.constant 0.000000e+00 : f32
    %broadcast_in_dim3A_412 = vector.broadcast %broadcast_in_dim3A_411 : f32 to vector<64x16xf32>
    %slice3A_413 = vector.extract_strided_slice %bitcast_convert_type3A_410 {offsets = [64, 0], sizes = [4032, 16], strides = [1, 1]} : vector<4096x16xf32> to vector<4032x16xf32>
    %concatenate3A_414 = tpu.concatenate %slice3A_413, %broadcast_in_dim3A_412 in 0 : vector<4032x16xf32>, vector<64x16xf32> -> vector<4096x16xf32>
    %jit3A_415 = arith.constant 0.000000e+00 : f32
    %broadcast_in_dim3A_416 = vector.shape_cast %and3A_403 : vector<4096x1xi1> to vector<4096x1xi1>
    %broadcast_in_dim3A_417 = vector.broadcast %broadcast_in_dim3A_416 : vector<4096x1xi1> to vector<4096x16xi1>
    %broadcast_in_dim3A_418 = vector.broadcast %jit3A_415 : f32 to vector<4096x16xf32>
    %select_n3A_419 = arith.select %broadcast_in_dim3A_417, %concatenate3A_414, %broadcast_in_dim3A_418 : vector<4096x16xi1>, vector<4096x16xf32>
    %add3A_420 = arith.addf %add3A_382, %select_n3A_419 : vector<4096x16xf32>
    %add3A_421 = arith.constant 1 : i32
    %add3A_422 = vector.broadcast %add3A_421 : i32 to vector<4096x1xi32>
    %add3A_423 = arith.addi %shift_right_logical3A_9, %add3A_422 : vector<4096x1xi32>
    %add3A_424 = arith.constant -1 : i32
    %add3A_425 = vector.broadcast %add3A_424 : i32 to vector<4096x1xi32>
    %add3A_426 = arith.addi %and3A_11, %add3A_425 : vector<4096x1xi32>
    %ge3A_427 = arith.constant 0 : i32
    %ge3A_428 = vector.broadcast %ge3A_427 : i32 to vector<4096x1xi32>
    %ge3A_429 = arith.cmpi sge, %add3A_423, %ge3A_428 : vector<4096x1xi32>
    %lt3A_430 = arith.constant 64 : i32
    %lt3A_431 = vector.broadcast %lt3A_430 : i32 to vector<4096x1xi32>
    %lt3A_432 = arith.cmpi slt, %add3A_423, %lt3A_431 : vector<4096x1xi32>
    %and3A_433 = arith.andi %ge3A_429, %lt3A_432 : vector<4096x1xi1>
    %ge3A_434 = arith.constant 0 : i32
    %ge3A_435 = vector.broadcast %ge3A_434 : i32 to vector<4096x1xi32>
    %ge3A_436 = arith.cmpi sge, %add3A_426, %ge3A_435 : vector<4096x1xi32>
    %and3A_437 = arith.andi %and3A_433, %ge3A_436 : vector<4096x1xi1>
    %lt3A_438 = arith.constant 64 : i32
    %lt3A_439 = vector.broadcast %lt3A_438 : i32 to vector<4096x1xi32>
    %lt3A_440 = arith.cmpi slt, %add3A_426, %lt3A_439 : vector<4096x1xi32>
    %and3A_441 = arith.andi %and3A_437, %lt3A_440 : vector<4096x1xi1>
    %get3A_442 = arith.constant 4096 : index
    %get3A_443 = arith.constant 16 : index
    %get3A_444 = vector.load %arg2[%get3A_442, %get3A_443] : memref<8192x128xi32, #tpu.memory_space<vmem>>, vector<4096x16xi32>
    %shift_left3A_445 = arith.constant 16 : i32
    %shift_left3A_446 = vector.broadcast %shift_left3A_445 : i32 to vector<4096x16xi32>
    %shift_left3A_447 = arith.shli %get3A_444, %shift_left3A_446 : vector<4096x16xi32>
    %bitcast_convert_type3A_448 = tpu.bitcast %shift_left3A_447 : vector<4096x16xi32> -> vector<4096x16xf32>
    %broadcast_in_dim3A_449 = arith.constant 0.000000e+00 : f32
    %broadcast_in_dim3A_450 = vector.broadcast %broadcast_in_dim3A_449 : f32 to vector<63x16xf32>
    %slice3A_451 = vector.extract_strided_slice %bitcast_convert_type3A_448 {offsets = [63, 0], sizes = [4033, 16], strides = [1, 1]} : vector<4096x16xf32> to vector<4033x16xf32>
    %concatenate3A_452 = tpu.concatenate %slice3A_451, %broadcast_in_dim3A_450 in 0 : vector<4033x16xf32>, vector<63x16xf32> -> vector<4096x16xf32>
    %jit3A_453 = arith.constant 0.000000e+00 : f32
    %broadcast_in_dim3A_454 = vector.shape_cast %and3A_441 : vector<4096x1xi1> to vector<4096x1xi1>
    %broadcast_in_dim3A_455 = vector.broadcast %broadcast_in_dim3A_454 : vector<4096x1xi1> to vector<4096x16xi1>
    %broadcast_in_dim3A_456 = vector.broadcast %jit3A_453 : f32 to vector<4096x16xf32>
    %select_n3A_457 = arith.select %broadcast_in_dim3A_455, %concatenate3A_452, %broadcast_in_dim3A_456 : vector<4096x16xi1>, vector<4096x16xf32>
    %add3A_458 = arith.addf %add3A_420, %select_n3A_457 : vector<4096x16xf32>
    %add3A_459 = arith.constant 0 : i32
    %add3A_460 = vector.broadcast %add3A_459 : i32 to vector<4096x1xi32>
    %add3A_461 = arith.addi %shift_right_logical3A_9, %add3A_460 : vector<4096x1xi32>
    %add3A_462 = arith.constant 1 : i32
    %add3A_463 = vector.broadcast %add3A_462 : i32 to vector<4096x1xi32>
    %add3A_464 = arith.addi %and3A_11, %add3A_463 : vector<4096x1xi32>
    %ge3A_465 = arith.constant 0 : i32
    %ge3A_466 = vector.broadcast %ge3A_465 : i32 to vector<4096x1xi32>
    %ge3A_467 = arith.cmpi sge, %add3A_461, %ge3A_466 : vector<4096x1xi32>
    %lt3A_468 = arith.constant 64 : i32
    %lt3A_469 = vector.broadcast %lt3A_468 : i32 to vector<4096x1xi32>
    %lt3A_470 = arith.cmpi slt, %add3A_461, %lt3A_469 : vector<4096x1xi32>
    %and3A_471 = arith.andi %ge3A_467, %lt3A_470 : vector<4096x1xi1>
    %ge3A_472 = arith.constant 0 : i32
    %ge3A_473 = vector.broadcast %ge3A_472 : i32 to vector<4096x1xi32>
    %ge3A_474 = arith.cmpi sge, %add3A_464, %ge3A_473 : vector<4096x1xi32>
    %and3A_475 = arith.andi %and3A_471, %ge3A_474 : vector<4096x1xi1>
    %lt3A_476 = arith.constant 64 : i32
    %lt3A_477 = vector.broadcast %lt3A_476 : i32 to vector<4096x1xi32>
    %lt3A_478 = arith.cmpi slt, %add3A_464, %lt3A_477 : vector<4096x1xi32>
    %and3A_479 = arith.andi %and3A_475, %lt3A_478 : vector<4096x1xi1>
    %get3A_480 = arith.constant 4096 : index
    %get3A_481 = arith.constant 16 : index
    %get3A_482 = vector.load %arg2[%get3A_480, %get3A_481] : memref<8192x128xi32, #tpu.memory_space<vmem>>, vector<4096x16xi32>
    %and3A_483 = arith.constant -65536 : i32
    %and3A_484 = vector.broadcast %and3A_483 : i32 to vector<4096x16xi32>
    %and3A_485 = arith.andi %get3A_482, %and3A_484 : vector<4096x16xi32>
    %bitcast_convert_type3A_486 = tpu.bitcast %and3A_485 : vector<4096x16xi32> -> vector<4096x16xf32>
    %broadcast_in_dim3A_487 = arith.constant 0.000000e+00 : f32
    %broadcast_in_dim3A_488 = vector.broadcast %broadcast_in_dim3A_487 : f32 to vector<1x16xf32>
    %slice3A_489 = vector.extract_strided_slice %bitcast_convert_type3A_486 {offsets = [1, 0], sizes = [4095, 16], strides = [1, 1]} : vector<4096x16xf32> to vector<4095x16xf32>
    %concatenate3A_490 = tpu.concatenate %slice3A_489, %broadcast_in_dim3A_488 in 0 : vector<4095x16xf32>, vector<1x16xf32> -> vector<4096x16xf32>
    %jit3A_491 = arith.constant 0.000000e+00 : f32
    %broadcast_in_dim3A_492 = vector.shape_cast %and3A_479 : vector<4096x1xi1> to vector<4096x1xi1>
    %broadcast_in_dim3A_493 = vector.broadcast %broadcast_in_dim3A_492 : vector<4096x1xi1> to vector<4096x16xi1>
    %broadcast_in_dim3A_494 = vector.broadcast %jit3A_491 : f32 to vector<4096x16xf32>
    %select_n3A_495 = arith.select %broadcast_in_dim3A_493, %concatenate3A_490, %broadcast_in_dim3A_494 : vector<4096x16xi1>, vector<4096x16xf32>
    %add3A_496 = arith.addf %add3A_458, %select_n3A_495 : vector<4096x16xf32>
    %add3A_497 = arith.constant 0 : i32
    %add3A_498 = vector.broadcast %add3A_497 : i32 to vector<4096x1xi32>
    %add3A_499 = arith.addi %shift_right_logical3A_9, %add3A_498 : vector<4096x1xi32>
    %add3A_500 = arith.constant 0 : i32
    %add3A_501 = vector.broadcast %add3A_500 : i32 to vector<4096x1xi32>
    %add3A_502 = arith.addi %and3A_11, %add3A_501 : vector<4096x1xi32>
    %ge3A_503 = arith.constant 0 : i32
    %ge3A_504 = vector.broadcast %ge3A_503 : i32 to vector<4096x1xi32>
    %ge3A_505 = arith.cmpi sge, %add3A_499, %ge3A_504 : vector<4096x1xi32>
    %lt3A_506 = arith.constant 64 : i32
    %lt3A_507 = vector.broadcast %lt3A_506 : i32 to vector<4096x1xi32>
    %lt3A_508 = arith.cmpi slt, %add3A_499, %lt3A_507 : vector<4096x1xi32>
    %and3A_509 = arith.andi %ge3A_505, %lt3A_508 : vector<4096x1xi1>
    %ge3A_510 = arith.constant 0 : i32
    %ge3A_511 = vector.broadcast %ge3A_510 : i32 to vector<4096x1xi32>
    %ge3A_512 = arith.cmpi sge, %add3A_502, %ge3A_511 : vector<4096x1xi32>
    %and3A_513 = arith.andi %and3A_509, %ge3A_512 : vector<4096x1xi1>
    %lt3A_514 = arith.constant 64 : i32
    %lt3A_515 = vector.broadcast %lt3A_514 : i32 to vector<4096x1xi32>
    %lt3A_516 = arith.cmpi slt, %add3A_502, %lt3A_515 : vector<4096x1xi32>
    %and3A_517 = arith.andi %and3A_513, %lt3A_516 : vector<4096x1xi1>
    %get3A_518 = arith.constant 4096 : index
    %get3A_519 = arith.constant 32 : index
    %get3A_520 = vector.load %arg2[%get3A_518, %get3A_519] : memref<8192x128xi32, #tpu.memory_space<vmem>>, vector<4096x16xi32>
    %shift_left3A_521 = arith.constant 16 : i32
    %shift_left3A_522 = vector.broadcast %shift_left3A_521 : i32 to vector<4096x16xi32>
    %shift_left3A_523 = arith.shli %get3A_520, %shift_left3A_522 : vector<4096x16xi32>
    %bitcast_convert_type3A_524 = tpu.bitcast %shift_left3A_523 : vector<4096x16xi32> -> vector<4096x16xf32>
    %jit3A_525 = arith.constant 0.000000e+00 : f32
    %broadcast_in_dim3A_526 = vector.shape_cast %and3A_517 : vector<4096x1xi1> to vector<4096x1xi1>
    %broadcast_in_dim3A_527 = vector.broadcast %broadcast_in_dim3A_526 : vector<4096x1xi1> to vector<4096x16xi1>
    %broadcast_in_dim3A_528 = vector.broadcast %jit3A_525 : f32 to vector<4096x16xf32>
    %select_n3A_529 = arith.select %broadcast_in_dim3A_527, %bitcast_convert_type3A_524, %broadcast_in_dim3A_528 : vector<4096x16xi1>, vector<4096x16xf32>
    %add3A_530 = arith.addf %add3A_496, %select_n3A_529 : vector<4096x16xf32>
    %add3A_531 = arith.constant 0 : i32
    %add3A_532 = vector.broadcast %add3A_531 : i32 to vector<4096x1xi32>
    %add3A_533 = arith.addi %shift_right_logical3A_9, %add3A_532 : vector<4096x1xi32>
    %add3A_534 = arith.constant -1 : i32
    %add3A_535 = vector.broadcast %add3A_534 : i32 to vector<4096x1xi32>
    %add3A_536 = arith.addi %and3A_11, %add3A_535 : vector<4096x1xi32>
    %ge3A_537 = arith.constant 0 : i32
    %ge3A_538 = vector.broadcast %ge3A_537 : i32 to vector<4096x1xi32>
    %ge3A_539 = arith.cmpi sge, %add3A_533, %ge3A_538 : vector<4096x1xi32>
    %lt3A_540 = arith.constant 64 : i32
    %lt3A_541 = vector.broadcast %lt3A_540 : i32 to vector<4096x1xi32>
    %lt3A_542 = arith.cmpi slt, %add3A_533, %lt3A_541 : vector<4096x1xi32>
    %and3A_543 = arith.andi %ge3A_539, %lt3A_542 : vector<4096x1xi1>
    %ge3A_544 = arith.constant 0 : i32
    %ge3A_545 = vector.broadcast %ge3A_544 : i32 to vector<4096x1xi32>
    %ge3A_546 = arith.cmpi sge, %add3A_536, %ge3A_545 : vector<4096x1xi32>
    %and3A_547 = arith.andi %and3A_543, %ge3A_546 : vector<4096x1xi1>
    %lt3A_548 = arith.constant 64 : i32
    %lt3A_549 = vector.broadcast %lt3A_548 : i32 to vector<4096x1xi32>
    %lt3A_550 = arith.cmpi slt, %add3A_536, %lt3A_549 : vector<4096x1xi32>
    %and3A_551 = arith.andi %and3A_547, %lt3A_550 : vector<4096x1xi1>
    %get3A_552 = arith.constant 4096 : index
    %get3A_553 = arith.constant 32 : index
    %get3A_554 = vector.load %arg2[%get3A_552, %get3A_553] : memref<8192x128xi32, #tpu.memory_space<vmem>>, vector<4096x16xi32>
    %and3A_555 = arith.constant -65536 : i32
    %and3A_556 = vector.broadcast %and3A_555 : i32 to vector<4096x16xi32>
    %and3A_557 = arith.andi %get3A_554, %and3A_556 : vector<4096x16xi32>
    %bitcast_convert_type3A_558 = tpu.bitcast %and3A_557 : vector<4096x16xi32> -> vector<4096x16xf32>
    %broadcast_in_dim3A_559 = arith.constant 0.000000e+00 : f32
    %broadcast_in_dim3A_560 = vector.broadcast %broadcast_in_dim3A_559 : f32 to vector<1x16xf32>
    %slice3A_561 = vector.extract_strided_slice %bitcast_convert_type3A_558 {offsets = [0, 0], sizes = [4095, 16], strides = [1, 1]} : vector<4096x16xf32> to vector<4095x16xf32>
    %concatenate3A_562 = tpu.concatenate %broadcast_in_dim3A_560, %slice3A_561 in 0 : vector<1x16xf32>, vector<4095x16xf32> -> vector<4096x16xf32>
    %jit3A_563 = arith.constant 0.000000e+00 : f32
    %broadcast_in_dim3A_564 = vector.shape_cast %and3A_551 : vector<4096x1xi1> to vector<4096x1xi1>
    %broadcast_in_dim3A_565 = vector.broadcast %broadcast_in_dim3A_564 : vector<4096x1xi1> to vector<4096x16xi1>
    %broadcast_in_dim3A_566 = vector.broadcast %jit3A_563 : f32 to vector<4096x16xf32>
    %select_n3A_567 = arith.select %broadcast_in_dim3A_565, %concatenate3A_562, %broadcast_in_dim3A_566 : vector<4096x16xi1>, vector<4096x16xf32>
    %add3A_568 = arith.addf %add3A_530, %select_n3A_567 : vector<4096x16xf32>
    %add3A_569 = arith.constant -1 : i32
    %add3A_570 = vector.broadcast %add3A_569 : i32 to vector<4096x1xi32>
    %add3A_571 = arith.addi %shift_right_logical3A_9, %add3A_570 : vector<4096x1xi32>
    %add3A_572 = arith.constant 1 : i32
    %add3A_573 = vector.broadcast %add3A_572 : i32 to vector<4096x1xi32>
    %add3A_574 = arith.addi %and3A_11, %add3A_573 : vector<4096x1xi32>
    %ge3A_575 = arith.constant 0 : i32
    %ge3A_576 = vector.broadcast %ge3A_575 : i32 to vector<4096x1xi32>
    %ge3A_577 = arith.cmpi sge, %add3A_571, %ge3A_576 : vector<4096x1xi32>
    %lt3A_578 = arith.constant 64 : i32
    %lt3A_579 = vector.broadcast %lt3A_578 : i32 to vector<4096x1xi32>
    %lt3A_580 = arith.cmpi slt, %add3A_571, %lt3A_579 : vector<4096x1xi32>
    %and3A_581 = arith.andi %ge3A_577, %lt3A_580 : vector<4096x1xi1>
    %ge3A_582 = arith.constant 0 : i32
    %ge3A_583 = vector.broadcast %ge3A_582 : i32 to vector<4096x1xi32>
    %ge3A_584 = arith.cmpi sge, %add3A_574, %ge3A_583 : vector<4096x1xi32>
    %and3A_585 = arith.andi %and3A_581, %ge3A_584 : vector<4096x1xi1>
    %lt3A_586 = arith.constant 64 : i32
    %lt3A_587 = vector.broadcast %lt3A_586 : i32 to vector<4096x1xi32>
    %lt3A_588 = arith.cmpi slt, %add3A_574, %lt3A_587 : vector<4096x1xi32>
    %and3A_589 = arith.andi %and3A_585, %lt3A_588 : vector<4096x1xi1>
    %get3A_590 = arith.constant 4096 : index
    %get3A_591 = arith.constant 48 : index
    %get3A_592 = vector.load %arg2[%get3A_590, %get3A_591] : memref<8192x128xi32, #tpu.memory_space<vmem>>, vector<4096x16xi32>
    %shift_left3A_593 = arith.constant 16 : i32
    %shift_left3A_594 = vector.broadcast %shift_left3A_593 : i32 to vector<4096x16xi32>
    %shift_left3A_595 = arith.shli %get3A_592, %shift_left3A_594 : vector<4096x16xi32>
    %bitcast_convert_type3A_596 = tpu.bitcast %shift_left3A_595 : vector<4096x16xi32> -> vector<4096x16xf32>
    %broadcast_in_dim3A_597 = arith.constant 0.000000e+00 : f32
    %broadcast_in_dim3A_598 = vector.broadcast %broadcast_in_dim3A_597 : f32 to vector<63x16xf32>
    %slice3A_599 = vector.extract_strided_slice %bitcast_convert_type3A_596 {offsets = [0, 0], sizes = [4033, 16], strides = [1, 1]} : vector<4096x16xf32> to vector<4033x16xf32>
    %concatenate3A_600 = tpu.concatenate %broadcast_in_dim3A_598, %slice3A_599 in 0 : vector<63x16xf32>, vector<4033x16xf32> -> vector<4096x16xf32>
    %jit3A_601 = arith.constant 0.000000e+00 : f32
    %broadcast_in_dim3A_602 = vector.shape_cast %and3A_589 : vector<4096x1xi1> to vector<4096x1xi1>
    %broadcast_in_dim3A_603 = vector.broadcast %broadcast_in_dim3A_602 : vector<4096x1xi1> to vector<4096x16xi1>
    %broadcast_in_dim3A_604 = vector.broadcast %jit3A_601 : f32 to vector<4096x16xf32>
    %select_n3A_605 = arith.select %broadcast_in_dim3A_603, %concatenate3A_600, %broadcast_in_dim3A_604 : vector<4096x16xi1>, vector<4096x16xf32>
    %add3A_606 = arith.addf %add3A_568, %select_n3A_605 : vector<4096x16xf32>
    %add3A_607 = arith.constant -1 : i32
    %add3A_608 = vector.broadcast %add3A_607 : i32 to vector<4096x1xi32>
    %add3A_609 = arith.addi %shift_right_logical3A_9, %add3A_608 : vector<4096x1xi32>
    %add3A_610 = arith.constant 0 : i32
    %add3A_611 = vector.broadcast %add3A_610 : i32 to vector<4096x1xi32>
    %add3A_612 = arith.addi %and3A_11, %add3A_611 : vector<4096x1xi32>
    %ge3A_613 = arith.constant 0 : i32
    %ge3A_614 = vector.broadcast %ge3A_613 : i32 to vector<4096x1xi32>
    %ge3A_615 = arith.cmpi sge, %add3A_609, %ge3A_614 : vector<4096x1xi32>
    %lt3A_616 = arith.constant 64 : i32
    %lt3A_617 = vector.broadcast %lt3A_616 : i32 to vector<4096x1xi32>
    %lt3A_618 = arith.cmpi slt, %add3A_609, %lt3A_617 : vector<4096x1xi32>
    %and3A_619 = arith.andi %ge3A_615, %lt3A_618 : vector<4096x1xi1>
    %ge3A_620 = arith.constant 0 : i32
    %ge3A_621 = vector.broadcast %ge3A_620 : i32 to vector<4096x1xi32>
    %ge3A_622 = arith.cmpi sge, %add3A_612, %ge3A_621 : vector<4096x1xi32>
    %and3A_623 = arith.andi %and3A_619, %ge3A_622 : vector<4096x1xi1>
    %lt3A_624 = arith.constant 64 : i32
    %lt3A_625 = vector.broadcast %lt3A_624 : i32 to vector<4096x1xi32>
    %lt3A_626 = arith.cmpi slt, %add3A_612, %lt3A_625 : vector<4096x1xi32>
    %and3A_627 = arith.andi %and3A_623, %lt3A_626 : vector<4096x1xi1>
    %get3A_628 = arith.constant 4096 : index
    %get3A_629 = arith.constant 48 : index
    %get3A_630 = vector.load %arg2[%get3A_628, %get3A_629] : memref<8192x128xi32, #tpu.memory_space<vmem>>, vector<4096x16xi32>
    %and3A_631 = arith.constant -65536 : i32
    %and3A_632 = vector.broadcast %and3A_631 : i32 to vector<4096x16xi32>
    %and3A_633 = arith.andi %get3A_630, %and3A_632 : vector<4096x16xi32>
    %bitcast_convert_type3A_634 = tpu.bitcast %and3A_633 : vector<4096x16xi32> -> vector<4096x16xf32>
    %broadcast_in_dim3A_635 = arith.constant 0.000000e+00 : f32
    %broadcast_in_dim3A_636 = vector.broadcast %broadcast_in_dim3A_635 : f32 to vector<64x16xf32>
    %slice3A_637 = vector.extract_strided_slice %bitcast_convert_type3A_634 {offsets = [0, 0], sizes = [4032, 16], strides = [1, 1]} : vector<4096x16xf32> to vector<4032x16xf32>
    %concatenate3A_638 = tpu.concatenate %broadcast_in_dim3A_636, %slice3A_637 in 0 : vector<64x16xf32>, vector<4032x16xf32> -> vector<4096x16xf32>
    %jit3A_639 = arith.constant 0.000000e+00 : f32
    %broadcast_in_dim3A_640 = vector.shape_cast %and3A_627 : vector<4096x1xi1> to vector<4096x1xi1>
    %broadcast_in_dim3A_641 = vector.broadcast %broadcast_in_dim3A_640 : vector<4096x1xi1> to vector<4096x16xi1>
    %broadcast_in_dim3A_642 = vector.broadcast %jit3A_639 : f32 to vector<4096x16xf32>
    %select_n3A_643 = arith.select %broadcast_in_dim3A_641, %concatenate3A_638, %broadcast_in_dim3A_642 : vector<4096x16xi1>, vector<4096x16xf32>
    %add3A_644 = arith.addf %add3A_606, %select_n3A_643 : vector<4096x16xf32>
    %add3A_645 = arith.constant -1 : i32
    %add3A_646 = vector.broadcast %add3A_645 : i32 to vector<4096x1xi32>
    %add3A_647 = arith.addi %shift_right_logical3A_9, %add3A_646 : vector<4096x1xi32>
    %add3A_648 = arith.constant -1 : i32
    %add3A_649 = vector.broadcast %add3A_648 : i32 to vector<4096x1xi32>
    %add3A_650 = arith.addi %and3A_11, %add3A_649 : vector<4096x1xi32>
    %ge3A_651 = arith.constant 0 : i32
    %ge3A_652 = vector.broadcast %ge3A_651 : i32 to vector<4096x1xi32>
    %ge3A_653 = arith.cmpi sge, %add3A_647, %ge3A_652 : vector<4096x1xi32>
    %lt3A_654 = arith.constant 64 : i32
    %lt3A_655 = vector.broadcast %lt3A_654 : i32 to vector<4096x1xi32>
    %lt3A_656 = arith.cmpi slt, %add3A_647, %lt3A_655 : vector<4096x1xi32>
    %and3A_657 = arith.andi %ge3A_653, %lt3A_656 : vector<4096x1xi1>
    %ge3A_658 = arith.constant 0 : i32
    %ge3A_659 = vector.broadcast %ge3A_658 : i32 to vector<4096x1xi32>
    %ge3A_660 = arith.cmpi sge, %add3A_650, %ge3A_659 : vector<4096x1xi32>
    %and3A_661 = arith.andi %and3A_657, %ge3A_660 : vector<4096x1xi1>
    %lt3A_662 = arith.constant 64 : i32
    %lt3A_663 = vector.broadcast %lt3A_662 : i32 to vector<4096x1xi32>
    %lt3A_664 = arith.cmpi slt, %add3A_650, %lt3A_663 : vector<4096x1xi32>
    %and3A_665 = arith.andi %and3A_661, %lt3A_664 : vector<4096x1xi1>
    %get3A_666 = arith.constant 4096 : index
    %get3A_667 = arith.constant 64 : index
    %get3A_668 = vector.load %arg2[%get3A_666, %get3A_667] : memref<8192x128xi32, #tpu.memory_space<vmem>>, vector<4096x16xi32>
    %bitcast_convert_type3A_669 = tpu.bitcast %get3A_668 : vector<4096x16xi32> -> vector<4096x16xf32>
    %broadcast_in_dim3A_670 = arith.constant 0.000000e+00 : f32
    %broadcast_in_dim3A_671 = vector.broadcast %broadcast_in_dim3A_670 : f32 to vector<65x16xf32>
    %slice3A_672 = vector.extract_strided_slice %bitcast_convert_type3A_669 {offsets = [0, 0], sizes = [4031, 16], strides = [1, 1]} : vector<4096x16xf32> to vector<4031x16xf32>
    %concatenate3A_673 = tpu.concatenate %broadcast_in_dim3A_671, %slice3A_672 in 0 : vector<65x16xf32>, vector<4031x16xf32> -> vector<4096x16xf32>
    %jit3A_674 = arith.constant 0.000000e+00 : f32
    %broadcast_in_dim3A_675 = vector.shape_cast %and3A_665 : vector<4096x1xi1> to vector<4096x1xi1>
    %broadcast_in_dim3A_676 = vector.broadcast %broadcast_in_dim3A_675 : vector<4096x1xi1> to vector<4096x16xi1>
    %broadcast_in_dim3A_677 = vector.broadcast %jit3A_674 : f32 to vector<4096x16xf32>
    %select_n3A_678 = arith.select %broadcast_in_dim3A_676, %concatenate3A_673, %broadcast_in_dim3A_677 : vector<4096x16xi1>, vector<4096x16xf32>
    %add3A_679 = arith.addf %add3A_644, %select_n3A_678 : vector<4096x16xf32>
    %div3A_680 = arith.constant 9.000000e+00 : f32
    %div3A_681 = vector.broadcast %div3A_680 : f32 to vector<4096x16xf32>
    %div3A_682 = arith.divf %add3A_679, %div3A_681 : vector<4096x16xf32>
    %slice3A_683 = vector.extract_strided_slice %get3A_4 {offsets = [0, 1], sizes = [4096, 1], strides = [1, 1]} : vector<4096x2xf32> to vector<4096x1xf32>
    %mul3A_684 = vector.broadcast %slice3A_683 : vector<4096x1xf32> to vector<4096x16xf32>
    %mul3A_685 = arith.mulf %div3A_682, %mul3A_684 : vector<4096x16xf32>
    %get3A_686 = arith.constant 0 : index
    %get3A_687 = arith.constant 0 : index
    %get3A_688 = vector.load %arg4[%get3A_686, %get3A_687] : memref<32x16xf32, #tpu.memory_space<vmem>>, vector<16x16xf32>
    %dot_general3A = arith.constant dense<0.000000e+00> : vector<4096x16xf32>
    %dot_general3A_689 = tpu.matmul %mul3A_342, %get3A_688, %dot_general3A {dimension_numbers = #tpu.dot_dimension_numbers<[1], [0], [0], [1], [0, 0, 1, 1], [], []>, transpose_lhs_hint = false} : vector<4096x16xf32>, vector<16x16xf32>, vector<4096x16xf32> -> vector<4096x16xf32>
    %get3A_690 = arith.constant 16 : index
    %get3A_691 = arith.constant 0 : index
    %get3A_692 = vector.load %arg4[%get3A_690, %get3A_691] : memref<32x16xf32, #tpu.memory_space<vmem>>, vector<16x16xf32>
    %dot_general3A_693 = arith.constant dense<0.000000e+00> : vector<4096x16xf32>
    %dot_general3A_694 = tpu.matmul %mul3A_685, %get3A_692, %dot_general3A_693 {dimension_numbers = #tpu.dot_dimension_numbers<[1], [0], [0], [1], [0, 0, 1, 1], [], []>, transpose_lhs_hint = false} : vector<4096x16xf32>, vector<16x16xf32>, vector<4096x16xf32> -> vector<4096x16xf32>
    %add3A_695 = arith.addf %dot_general3A_689, %dot_general3A_694 : vector<4096x16xf32>
    %get3A_696 = arith.constant 0 : index
    %get3A_697 = arith.constant 0 : index
    %get3A_698 = vector.load %arg5[%get3A_696, %get3A_697] : memref<1x16xf32, #tpu.memory_space<vmem>>, vector<1x16xf32>
    %add3A_699 = vector.broadcast %get3A_698 : vector<1x16xf32> to vector<4096x16xf32>
    %add3A_700 = arith.addf %add3A_695, %add3A_699 : vector<4096x16xf32>
    %get3A_701 = arith.constant 0 : index
    %get3A_702 = arith.constant 0 : index
    %get3A_703 = vector.load %arg6[%get3A_701, %get3A_702] : memref<48x16xf32, #tpu.memory_space<vmem>>, vector<16x16xf32>
    %dot_general3A_704 = arith.constant dense<0.000000e+00> : vector<4096x16xf32>
    %dot_general3A_705 = tpu.matmul %get3A_7, %get3A_703, %dot_general3A_704 {dimension_numbers = #tpu.dot_dimension_numbers<[1], [0], [0], [1], [0, 0, 1, 1], [], []>, transpose_lhs_hint = false} : vector<4096x16xf32>, vector<16x16xf32>, vector<4096x16xf32> -> vector<4096x16xf32>
    %get3A_706 = arith.constant 16 : index
    %get3A_707 = arith.constant 0 : index
    %get3A_708 = vector.load %arg6[%get3A_706, %get3A_707] : memref<48x16xf32, #tpu.memory_space<vmem>>, vector<16x16xf32>
    %dot_general3A_709 = arith.constant dense<0.000000e+00> : vector<4096x16xf32>
    %dot_general3A_710 = tpu.matmul %get3A_1, %get3A_708, %dot_general3A_709 {dimension_numbers = #tpu.dot_dimension_numbers<[1], [0], [0], [1], [0, 0, 1, 1], [], []>, transpose_lhs_hint = false} : vector<4096x16xf32>, vector<16x16xf32>, vector<4096x16xf32> -> vector<4096x16xf32>
    %add3A_711 = arith.addf %dot_general3A_705, %dot_general3A_710 : vector<4096x16xf32>
    %get3A_712 = arith.constant 32 : index
    %get3A_713 = arith.constant 0 : index
    %get3A_714 = vector.load %arg6[%get3A_712, %get3A_713] : memref<48x16xf32, #tpu.memory_space<vmem>>, vector<16x16xf32>
    %dot_general3A_715 = arith.constant dense<0.000000e+00> : vector<4096x16xf32>
    %dot_general3A_716 = tpu.matmul %add3A_700, %get3A_714, %dot_general3A_715 {dimension_numbers = #tpu.dot_dimension_numbers<[1], [0], [0], [1], [0, 0, 1, 1], [], []>, transpose_lhs_hint = false} : vector<4096x16xf32>, vector<16x16xf32>, vector<4096x16xf32> -> vector<4096x16xf32>
    %add3A_717 = arith.addf %add3A_711, %dot_general3A_716 : vector<4096x16xf32>
    %get3A_718 = arith.constant 0 : index
    %get3A_719 = arith.constant 0 : index
    %get3A_720 = vector.load %arg7[%get3A_718, %get3A_719] : memref<1x16xf32, #tpu.memory_space<vmem>>, vector<1x16xf32>
    %add3A_721 = vector.broadcast %get3A_720 : vector<1x16xf32> to vector<4096x16xf32>
    %add3A_722 = arith.addf %add3A_717, %add3A_721 : vector<4096x16xf32>
    %transpose3A = tpu.transpose %add3A_722, [1, 0] : vector<4096x16xf32> -> vector<16x4096xf32>
    %swap3A = arith.constant 0 : index
    %swap3A_723 = arith.constant 0 : index
    %swap3A_724 = vector.load %arg8[%swap3A, %swap3A_723] : memref<16x4096xf32, #tpu.memory_space<vmem>>, vector<16x4096xf32>
    tpu.vector_store %arg8[%swap3A, %swap3A_723], %transpose3A {strides = array<i32>} : memref<16x4096xf32, #tpu.memory_space<vmem>>, vector<16x4096xf32>,
    return
  }
}

module attributes {stable_mosaic.version = 14 : i64} {
  func.func @_main_body(%arg0: memref<16x4096xf32, #tpu.memory_space<vmem>>, %arg1: memref<144x16xf32, #tpu.memory_space<vmem>>, %arg2: memref<1x16xf32, #tpu.memory_space<vmem>>, %arg3: memref<144x16xf32, #tpu.memory_space<vmem>>, %arg4: memref<1x16xf32, #tpu.memory_space<vmem>>, %arg5: memref<4096x2xf32, #tpu.memory_space<vmem>>, %arg6: memref<2x4096xi32, #tpu.memory_space<vmem>>, %arg7: memref<4096x128xi32, #tpu.memory_space<vmem>>, %arg8: memref<4096x16xf32, #tpu.memory_space<vmem>>, %arg9: memref<4096x16xf32, #tpu.memory_space<vmem>>) attributes {dimension_semantics = [], scalar_prefetch = 0 : i64, scratch_operands = 0 : i64, tpu.core_type = #tpu.core_type<tc>} {
    %get3A = arith.constant 0 : index
    %get3A_0 = arith.constant 0 : index
    %get3A_1 = vector.load %arg0[%get3A, %get3A_0] : memref<16x4096xf32, #tpu.memory_space<vmem>>, vector<16x4096xf32>
    %transpose3A = tpu.transpose %get3A_1, [1, 0] : vector<16x4096xf32> -> vector<4096x16xf32>
    %swap3A = arith.constant 0 : index
    %swap3A_2 = arith.constant 0 : index
    %swap3A_3 = vector.load %arg9[%swap3A, %swap3A_2] : memref<4096x16xf32, #tpu.memory_space<vmem>>, vector<4096x16xf32>
    tpu.vector_store %arg9[%swap3A, %swap3A_2], %transpose3A {strides = array<i32>} : memref<4096x16xf32, #tpu.memory_space<vmem>>, vector<4096x16xf32>,
    %iota3A = tpu.iota {dimensions = array<i32: 1>} : vector<1x4096xi32>
    %shift_right_logical3A = arith.constant 6 : i32
    %shift_right_logical3A_4 = vector.broadcast %shift_right_logical3A : i32 to vector<1x4096xi32>
    %shift_right_logical3A_5 = arith.shrui %iota3A, %shift_right_logical3A_4 : vector<1x4096xi32>
    %and3A = arith.constant 63 : i32
    %and3A_6 = vector.broadcast %and3A : i32 to vector<1x4096xi32>
    %and3A_7 = arith.andi %iota3A, %and3A_6 : vector<1x4096xi32>
    %iota3A_8 = tpu.iota {dimensions = array<i32: 0>} : vector<4096x1xi32>
    %shift_right_logical3A_9 = arith.constant 6 : i32
    %shift_right_logical3A_10 = vector.broadcast %shift_right_logical3A_9 : i32 to vector<4096x1xi32>
    %shift_right_logical3A_11 = arith.shrui %iota3A_8, %shift_right_logical3A_10 : vector<4096x1xi32>
    %and3A_12 = arith.constant 63 : i32
    %and3A_13 = vector.broadcast %and3A_12 : i32 to vector<4096x1xi32>
    %and3A_14 = arith.andi %iota3A_8, %and3A_13 : vector<4096x1xi32>
    %broadcast_in_dim3A = arith.constant 0.000000e+00 : f32
    %broadcast_in_dim3A_15 = vector.broadcast %broadcast_in_dim3A : f32 to vector<16x65xf32>
    %slice3A = vector.extract_strided_slice %get3A_1 {offsets = [0, 0], sizes = [16, 4031], strides = [1, 1]} : vector<16x4096xf32> to vector<16x4031xf32>
    %concatenate3A = tpu.concatenate %broadcast_in_dim3A_15, %slice3A in 1 : vector<16x65xf32>, vector<16x4031xf32> -> vector<16x4096xf32>
    %eq3A = arith.constant 0 : i32
    %eq3A_16 = vector.broadcast %eq3A : i32 to vector<1x4096xi32>
    %eq3A_17 = arith.cmpi eq, %shift_right_logical3A_5, %eq3A_16 : vector<1x4096xi32>
    %broadcast_in_dim3A_18 = arith.constant 0.000000e+00 : f32
    %broadcast_in_dim3A_19 = vector.broadcast %broadcast_in_dim3A_18 : f32 to vector<16x63xf32>
    %slice3A_20 = vector.extract_strided_slice %get3A_1 {offsets = [0, 63], sizes = [16, 4033], strides = [1, 1]} : vector<16x4096xf32> to vector<16x4033xf32>
    %concatenate3A_21 = tpu.concatenate %slice3A_20, %broadcast_in_dim3A_19 in 1 : vector<16x4033xf32>, vector<16x63xf32> -> vector<16x4096xf32>
    %broadcast_in_dim3A_22 = vector.shape_cast %eq3A_17 : vector<1x4096xi1> to vector<1x4096xi1>
    %broadcast_in_dim3A_23 = vector.broadcast %broadcast_in_dim3A_22 : vector<1x4096xi1> to vector<16x4096xi1>
    %select_n3A = arith.select %broadcast_in_dim3A_23, %concatenate3A_21, %concatenate3A : vector<16x4096xi1>, vector<16x4096xf32>
    %eq3A_24 = arith.constant 0 : i32
    %eq3A_25 = vector.broadcast %eq3A_24 : i32 to vector<1x4096xi32>
    %eq3A_26 = arith.cmpi eq, %and3A_7, %eq3A_25 : vector<1x4096xi32>
    %broadcast_in_dim3A_27 = arith.constant 0.000000e+00 : f32
    %broadcast_in_dim3A_28 = vector.broadcast %broadcast_in_dim3A_27 : f32 to vector<16x63xf32>
    %slice3A_29 = vector.extract_strided_slice %get3A_1 {offsets = [0, 0], sizes = [16, 4033], strides = [1, 1]} : vector<16x4096xf32> to vector<16x4033xf32>
    %concatenate3A_30 = tpu.concatenate %broadcast_in_dim3A_28, %slice3A_29 in 1 : vector<16x63xf32>, vector<16x4033xf32> -> vector<16x4096xf32>
    %eq3A_31 = arith.constant 0 : i32
    %eq3A_32 = vector.broadcast %eq3A_31 : i32 to vector<1x4096xi32>
    %eq3A_33 = arith.cmpi eq, %shift_right_logical3A_5, %eq3A_32 : vector<1x4096xi32>
    %broadcast_in_dim3A_34 = arith.constant 0.000000e+00 : f32
    %broadcast_in_dim3A_35 = vector.broadcast %broadcast_in_dim3A_34 : f32 to vector<16x65xf32>
    %slice3A_36 = vector.extract_strided_slice %get3A_1 {offsets = [0, 65], sizes = [16, 4031], strides = [1, 1]} : vector<16x4096xf32> to vector<16x4031xf32>
    %concatenate3A_37 = tpu.concatenate %slice3A_36, %broadcast_in_dim3A_35 in 1 : vector<16x4031xf32>, vector<16x65xf32> -> vector<16x4096xf32>
    %broadcast_in_dim3A_38 = vector.shape_cast %eq3A_33 : vector<1x4096xi1> to vector<1x4096xi1>
    %broadcast_in_dim3A_39 = vector.broadcast %broadcast_in_dim3A_38 : vector<1x4096xi1> to vector<16x4096xi1>
    %select_n3A_40 = arith.select %broadcast_in_dim3A_39, %concatenate3A_37, %concatenate3A_30 : vector<16x4096xi1>, vector<16x4096xf32>
    %broadcast_in_dim3A_41 = vector.shape_cast %eq3A_26 : vector<1x4096xi1> to vector<1x4096xi1>
    %broadcast_in_dim3A_42 = vector.broadcast %broadcast_in_dim3A_41 : vector<1x4096xi1> to vector<16x4096xi1>
    %select_n3A_43 = arith.select %broadcast_in_dim3A_42, %select_n3A_40, %select_n3A : vector<16x4096xi1>, vector<16x4096xf32>
    %broadcast_in_dim3A_44 = arith.constant 0.000000e+00 : f32
    %broadcast_in_dim3A_45 = vector.broadcast %broadcast_in_dim3A_44 : f32 to vector<16x64xf32>
    %slice3A_46 = vector.extract_strided_slice %get3A_1 {offsets = [0, 0], sizes = [16, 4032], strides = [1, 1]} : vector<16x4096xf32> to vector<16x4032xf32>
    %concatenate3A_47 = tpu.concatenate %broadcast_in_dim3A_45, %slice3A_46 in 1 : vector<16x64xf32>, vector<16x4032xf32> -> vector<16x4096xf32>
    %eq3A_48 = arith.constant 0 : i32
    %eq3A_49 = vector.broadcast %eq3A_48 : i32 to vector<1x4096xi32>
    %eq3A_50 = arith.cmpi eq, %shift_right_logical3A_5, %eq3A_49 : vector<1x4096xi32>
    %broadcast_in_dim3A_51 = arith.constant 0.000000e+00 : f32
    %broadcast_in_dim3A_52 = vector.broadcast %broadcast_in_dim3A_51 : f32 to vector<16x64xf32>
    %slice3A_53 = vector.extract_strided_slice %get3A_1 {offsets = [0, 64], sizes = [16, 4032], strides = [1, 1]} : vector<16x4096xf32> to vector<16x4032xf32>
    %concatenate3A_54 = tpu.concatenate %slice3A_53, %broadcast_in_dim3A_52 in 1 : vector<16x4032xf32>, vector<16x64xf32> -> vector<16x4096xf32>
    %broadcast_in_dim3A_55 = vector.shape_cast %eq3A_50 : vector<1x4096xi1> to vector<1x4096xi1>
    %broadcast_in_dim3A_56 = vector.broadcast %broadcast_in_dim3A_55 : vector<1x4096xi1> to vector<16x4096xi1>
    %select_n3A_57 = arith.select %broadcast_in_dim3A_56, %concatenate3A_54, %concatenate3A_47 : vector<16x4096xi1>, vector<16x4096xf32>
    %broadcast_in_dim3A_58 = arith.constant 0.000000e+00 : f32
    %broadcast_in_dim3A_59 = vector.broadcast %broadcast_in_dim3A_58 : f32 to vector<16x63xf32>
    %slice3A_60 = vector.extract_strided_slice %get3A_1 {offsets = [0, 0], sizes = [16, 4033], strides = [1, 1]} : vector<16x4096xf32> to vector<16x4033xf32>
    %concatenate3A_61 = tpu.concatenate %broadcast_in_dim3A_59, %slice3A_60 in 1 : vector<16x63xf32>, vector<16x4033xf32> -> vector<16x4096xf32>
    %eq3A_62 = arith.constant 0 : i32
    %eq3A_63 = vector.broadcast %eq3A_62 : i32 to vector<1x4096xi32>
    %eq3A_64 = arith.cmpi eq, %shift_right_logical3A_5, %eq3A_63 : vector<1x4096xi32>
    %broadcast_in_dim3A_65 = arith.constant 0.000000e+00 : f32
    %broadcast_in_dim3A_66 = vector.broadcast %broadcast_in_dim3A_65 : f32 to vector<16x65xf32>
    %slice3A_67 = vector.extract_strided_slice %get3A_1 {offsets = [0, 65], sizes = [16, 4031], strides = [1, 1]} : vector<16x4096xf32> to vector<16x4031xf32>
    %concatenate3A_68 = tpu.concatenate %slice3A_67, %broadcast_in_dim3A_66 in 1 : vector<16x4031xf32>, vector<16x65xf32> -> vector<16x4096xf32>
    %broadcast_in_dim3A_69 = vector.shape_cast %eq3A_64 : vector<1x4096xi1> to vector<1x4096xi1>
    %broadcast_in_dim3A_70 = vector.broadcast %broadcast_in_dim3A_69 : vector<1x4096xi1> to vector<16x4096xi1>
    %select_n3A_71 = arith.select %broadcast_in_dim3A_70, %concatenate3A_68, %concatenate3A_61 : vector<16x4096xi1>, vector<16x4096xf32>
    %eq3A_72 = arith.constant 63 : i32
    %eq3A_73 = vector.broadcast %eq3A_72 : i32 to vector<1x4096xi32>
    %eq3A_74 = arith.cmpi eq, %and3A_7, %eq3A_73 : vector<1x4096xi32>
    %broadcast_in_dim3A_75 = arith.constant 0.000000e+00 : f32
    %broadcast_in_dim3A_76 = vector.broadcast %broadcast_in_dim3A_75 : f32 to vector<16x65xf32>
    %slice3A_77 = vector.extract_strided_slice %get3A_1 {offsets = [0, 0], sizes = [16, 4031], strides = [1, 1]} : vector<16x4096xf32> to vector<16x4031xf32>
    %concatenate3A_78 = tpu.concatenate %broadcast_in_dim3A_76, %slice3A_77 in 1 : vector<16x65xf32>, vector<16x4031xf32> -> vector<16x4096xf32>
    %eq3A_79 = arith.constant 0 : i32
    %eq3A_80 = vector.broadcast %eq3A_79 : i32 to vector<1x4096xi32>
    %eq3A_81 = arith.cmpi eq, %shift_right_logical3A_5, %eq3A_80 : vector<1x4096xi32>
    %broadcast_in_dim3A_82 = arith.constant 0.000000e+00 : f32
    %broadcast_in_dim3A_83 = vector.broadcast %broadcast_in_dim3A_82 : f32 to vector<16x63xf32>
    %slice3A_84 = vector.extract_strided_slice %get3A_1 {offsets = [0, 63], sizes = [16, 4033], strides = [1, 1]} : vector<16x4096xf32> to vector<16x4033xf32>
    %concatenate3A_85 = tpu.concatenate %slice3A_84, %broadcast_in_dim3A_83 in 1 : vector<16x4033xf32>, vector<16x63xf32> -> vector<16x4096xf32>
    %broadcast_in_dim3A_86 = vector.shape_cast %eq3A_81 : vector<1x4096xi1> to vector<1x4096xi1>
    %broadcast_in_dim3A_87 = vector.broadcast %broadcast_in_dim3A_86 : vector<1x4096xi1> to vector<16x4096xi1>
    %select_n3A_88 = arith.select %broadcast_in_dim3A_87, %concatenate3A_85, %concatenate3A_78 : vector<16x4096xi1>, vector<16x4096xf32>
    %broadcast_in_dim3A_89 = vector.shape_cast %eq3A_74 : vector<1x4096xi1> to vector<1x4096xi1>
    %broadcast_in_dim3A_90 = vector.broadcast %broadcast_in_dim3A_89 : vector<1x4096xi1> to vector<16x4096xi1>
    %select_n3A_91 = arith.select %broadcast_in_dim3A_90, %select_n3A_88, %select_n3A_71 : vector<16x4096xi1>, vector<16x4096xf32>
    %broadcast_in_dim3A_92 = arith.constant 0.000000e+00 : f32
    %broadcast_in_dim3A_93 = vector.broadcast %broadcast_in_dim3A_92 : f32 to vector<16x1xf32>
    %slice3A_94 = vector.extract_strided_slice %get3A_1 {offsets = [0, 0], sizes = [16, 4095], strides = [1, 1]} : vector<16x4096xf32> to vector<16x4095xf32>
    %concatenate3A_95 = tpu.concatenate %broadcast_in_dim3A_93, %slice3A_94 in 1 : vector<16x1xf32>, vector<16x4095xf32> -> vector<16x4096xf32>
    %eq3A_96 = arith.constant 0 : i32
    %eq3A_97 = vector.broadcast %eq3A_96 : i32 to vector<1x4096xi32>
    %eq3A_98 = arith.cmpi eq, %and3A_7, %eq3A_97 : vector<1x4096xi32>
    %broadcast_in_dim3A_99 = arith.constant 0.000000e+00 : f32
    %broadcast_in_dim3A_100 = vector.broadcast %broadcast_in_dim3A_99 : f32 to vector<16x1xf32>
    %slice3A_101 = vector.extract_strided_slice %get3A_1 {offsets = [0, 1], sizes = [16, 4095], strides = [1, 1]} : vector<16x4096xf32> to vector<16x4095xf32>
    %concatenate3A_102 = tpu.concatenate %slice3A_101, %broadcast_in_dim3A_100 in 1 : vector<16x4095xf32>, vector<16x1xf32> -> vector<16x4096xf32>
    %broadcast_in_dim3A_103 = vector.shape_cast %eq3A_98 : vector<1x4096xi1> to vector<1x4096xi1>
    %broadcast_in_dim3A_104 = vector.broadcast %broadcast_in_dim3A_103 : vector<1x4096xi1> to vector<16x4096xi1>
    %select_n3A_105 = arith.select %broadcast_in_dim3A_104, %concatenate3A_102, %concatenate3A_95 : vector<16x4096xi1>, vector<16x4096xf32>
    %broadcast_in_dim3A_106 = arith.constant 0.000000e+00 : f32
    %broadcast_in_dim3A_107 = vector.broadcast %broadcast_in_dim3A_106 : f32 to vector<16x1xf32>
    %slice3A_108 = vector.extract_strided_slice %get3A_1 {offsets = [0, 1], sizes = [16, 4095], strides = [1, 1]} : vector<16x4096xf32> to vector<16x4095xf32>
    %concatenate3A_109 = tpu.concatenate %slice3A_108, %broadcast_in_dim3A_107 in 1 : vector<16x4095xf32>, vector<16x1xf32> -> vector<16x4096xf32>
    %eq3A_110 = arith.constant 63 : i32
    %eq3A_111 = vector.broadcast %eq3A_110 : i32 to vector<1x4096xi32>
    %eq3A_112 = arith.cmpi eq, %and3A_7, %eq3A_111 : vector<1x4096xi32>
    %broadcast_in_dim3A_113 = arith.constant 0.000000e+00 : f32
    %broadcast_in_dim3A_114 = vector.broadcast %broadcast_in_dim3A_113 : f32 to vector<16x1xf32>
    %slice3A_115 = vector.extract_strided_slice %get3A_1 {offsets = [0, 0], sizes = [16, 4095], strides = [1, 1]} : vector<16x4096xf32> to vector<16x4095xf32>
    %concatenate3A_116 = tpu.concatenate %broadcast_in_dim3A_114, %slice3A_115 in 1 : vector<16x1xf32>, vector<16x4095xf32> -> vector<16x4096xf32>
    %broadcast_in_dim3A_117 = vector.shape_cast %eq3A_112 : vector<1x4096xi1> to vector<1x4096xi1>
    %broadcast_in_dim3A_118 = vector.broadcast %broadcast_in_dim3A_117 : vector<1x4096xi1> to vector<16x4096xi1>
    %select_n3A_119 = arith.select %broadcast_in_dim3A_118, %concatenate3A_116, %concatenate3A_109 : vector<16x4096xi1>, vector<16x4096xf32>
    %broadcast_in_dim3A_120 = arith.constant 0.000000e+00 : f32
    %broadcast_in_dim3A_121 = vector.broadcast %broadcast_in_dim3A_120 : f32 to vector<16x63xf32>
    %slice3A_122 = vector.extract_strided_slice %get3A_1 {offsets = [0, 63], sizes = [16, 4033], strides = [1, 1]} : vector<16x4096xf32> to vector<16x4033xf32>
    %concatenate3A_123 = tpu.concatenate %slice3A_122, %broadcast_in_dim3A_121 in 1 : vector<16x4033xf32>, vector<16x63xf32> -> vector<16x4096xf32>
    %eq3A_124 = arith.constant 63 : i32
    %eq3A_125 = vector.broadcast %eq3A_124 : i32 to vector<1x4096xi32>
    %eq3A_126 = arith.cmpi eq, %shift_right_logical3A_5, %eq3A_125 : vector<1x4096xi32>
    %broadcast_in_dim3A_127 = arith.constant 0.000000e+00 : f32
    %broadcast_in_dim3A_128 = vector.broadcast %broadcast_in_dim3A_127 : f32 to vector<16x65xf32>
    %slice3A_129 = vector.extract_strided_slice %get3A_1 {offsets = [0, 0], sizes = [16, 4031], strides = [1, 1]} : vector<16x4096xf32> to vector<16x4031xf32>
    %concatenate3A_130 = tpu.concatenate %broadcast_in_dim3A_128, %slice3A_129 in 1 : vector<16x65xf32>, vector<16x4031xf32> -> vector<16x4096xf32>
    %broadcast_in_dim3A_131 = vector.shape_cast %eq3A_126 : vector<1x4096xi1> to vector<1x4096xi1>
    %broadcast_in_dim3A_132 = vector.broadcast %broadcast_in_dim3A_131 : vector<1x4096xi1> to vector<16x4096xi1>
    %select_n3A_133 = arith.select %broadcast_in_dim3A_132, %concatenate3A_130, %concatenate3A_123 : vector<16x4096xi1>, vector<16x4096xf32>
    %eq3A_134 = arith.constant 0 : i32
    %eq3A_135 = vector.broadcast %eq3A_134 : i32 to vector<1x4096xi32>
    %eq3A_136 = arith.cmpi eq, %and3A_7, %eq3A_135 : vector<1x4096xi32>
    %broadcast_in_dim3A_137 = arith.constant 0.000000e+00 : f32
    %broadcast_in_dim3A_138 = vector.broadcast %broadcast_in_dim3A_137 : f32 to vector<16x65xf32>
    %slice3A_139 = vector.extract_strided_slice %get3A_1 {offsets = [0, 65], sizes = [16, 4031], strides = [1, 1]} : vector<16x4096xf32> to vector<16x4031xf32>
    %concatenate3A_140 = tpu.concatenate %slice3A_139, %broadcast_in_dim3A_138 in 1 : vector<16x4031xf32>, vector<16x65xf32> -> vector<16x4096xf32>
    %eq3A_141 = arith.constant 63 : i32
    %eq3A_142 = vector.broadcast %eq3A_141 : i32 to vector<1x4096xi32>
    %eq3A_143 = arith.cmpi eq, %shift_right_logical3A_5, %eq3A_142 : vector<1x4096xi32>
    %broadcast_in_dim3A_144 = arith.constant 0.000000e+00 : f32
    %broadcast_in_dim3A_145 = vector.broadcast %broadcast_in_dim3A_144 : f32 to vector<16x63xf32>
    %slice3A_146 = vector.extract_strided_slice %get3A_1 {offsets = [0, 0], sizes = [16, 4033], strides = [1, 1]} : vector<16x4096xf32> to vector<16x4033xf32>
    %concatenate3A_147 = tpu.concatenate %broadcast_in_dim3A_145, %slice3A_146 in 1 : vector<16x63xf32>, vector<16x4033xf32> -> vector<16x4096xf32>
    %broadcast_in_dim3A_148 = vector.shape_cast %eq3A_143 : vector<1x4096xi1> to vector<1x4096xi1>
    %broadcast_in_dim3A_149 = vector.broadcast %broadcast_in_dim3A_148 : vector<1x4096xi1> to vector<16x4096xi1>
    %select_n3A_150 = arith.select %broadcast_in_dim3A_149, %concatenate3A_147, %concatenate3A_140 : vector<16x4096xi1>, vector<16x4096xf32>
    %broadcast_in_dim3A_151 = vector.shape_cast %eq3A_136 : vector<1x4096xi1> to vector<1x4096xi1>
    %broadcast_in_dim3A_152 = vector.broadcast %broadcast_in_dim3A_151 : vector<1x4096xi1> to vector<16x4096xi1>
    %select_n3A_153 = arith.select %broadcast_in_dim3A_152, %select_n3A_150, %select_n3A_133 : vector<16x4096xi1>, vector<16x4096xf32>
    %broadcast_in_dim3A_154 = arith.constant 0.000000e+00 : f32
    %broadcast_in_dim3A_155 = vector.broadcast %broadcast_in_dim3A_154 : f32 to vector<16x64xf32>
    %slice3A_156 = vector.extract_strided_slice %get3A_1 {offsets = [0, 64], sizes = [16, 4032], strides = [1, 1]} : vector<16x4096xf32> to vector<16x4032xf32>
    %concatenate3A_157 = tpu.concatenate %slice3A_156, %broadcast_in_dim3A_155 in 1 : vector<16x4032xf32>, vector<16x64xf32> -> vector<16x4096xf32>
    %eq3A_158 = arith.constant 63 : i32
    %eq3A_159 = vector.broadcast %eq3A_158 : i32 to vector<1x4096xi32>
    %eq3A_160 = arith.cmpi eq, %shift_right_logical3A_5, %eq3A_159 : vector<1x4096xi32>
    %broadcast_in_dim3A_161 = arith.constant 0.000000e+00 : f32
    %broadcast_in_dim3A_162 = vector.broadcast %broadcast_in_dim3A_161 : f32 to vector<16x64xf32>
    %slice3A_163 = vector.extract_strided_slice %get3A_1 {offsets = [0, 0], sizes = [16, 4032], strides = [1, 1]} : vector<16x4096xf32> to vector<16x4032xf32>
    %concatenate3A_164 = tpu.concatenate %broadcast_in_dim3A_162, %slice3A_163 in 1 : vector<16x64xf32>, vector<16x4032xf32> -> vector<16x4096xf32>
    %broadcast_in_dim3A_165 = vector.shape_cast %eq3A_160 : vector<1x4096xi1> to vector<1x4096xi1>
    %broadcast_in_dim3A_166 = vector.broadcast %broadcast_in_dim3A_165 : vector<1x4096xi1> to vector<16x4096xi1>
    %select_n3A_167 = arith.select %broadcast_in_dim3A_166, %concatenate3A_164, %concatenate3A_157 : vector<16x4096xi1>, vector<16x4096xf32>
    %broadcast_in_dim3A_168 = arith.constant 0.000000e+00 : f32
    %broadcast_in_dim3A_169 = vector.broadcast %broadcast_in_dim3A_168 : f32 to vector<16x65xf32>
    %slice3A_170 = vector.extract_strided_slice %get3A_1 {offsets = [0, 65], sizes = [16, 4031], strides = [1, 1]} : vector<16x4096xf32> to vector<16x4031xf32>
    %concatenate3A_171 = tpu.concatenate %slice3A_170, %broadcast_in_dim3A_169 in 1 : vector<16x4031xf32>, vector<16x65xf32> -> vector<16x4096xf32>
    %eq3A_172 = arith.constant 63 : i32
    %eq3A_173 = vector.broadcast %eq3A_172 : i32 to vector<1x4096xi32>
    %eq3A_174 = arith.cmpi eq, %shift_right_logical3A_5, %eq3A_173 : vector<1x4096xi32>
    %broadcast_in_dim3A_175 = arith.constant 0.000000e+00 : f32
    %broadcast_in_dim3A_176 = vector.broadcast %broadcast_in_dim3A_175 : f32 to vector<16x63xf32>
    %slice3A_177 = vector.extract_strided_slice %get3A_1 {offsets = [0, 0], sizes = [16, 4033], strides = [1, 1]} : vector<16x4096xf32> to vector<16x4033xf32>
    %concatenate3A_178 = tpu.concatenate %broadcast_in_dim3A_176, %slice3A_177 in 1 : vector<16x63xf32>, vector<16x4033xf32> -> vector<16x4096xf32>
    %broadcast_in_dim3A_179 = vector.shape_cast %eq3A_174 : vector<1x4096xi1> to vector<1x4096xi1>
    %broadcast_in_dim3A_180 = vector.broadcast %broadcast_in_dim3A_179 : vector<1x4096xi1> to vector<16x4096xi1>
    %select_n3A_181 = arith.select %broadcast_in_dim3A_180, %concatenate3A_178, %concatenate3A_171 : vector<16x4096xi1>, vector<16x4096xf32>
    %eq3A_182 = arith.constant 63 : i32
    %eq3A_183 = vector.broadcast %eq3A_182 : i32 to vector<1x4096xi32>
    %eq3A_184 = arith.cmpi eq, %and3A_7, %eq3A_183 : vector<1x4096xi32>
    %broadcast_in_dim3A_185 = arith.constant 0.000000e+00 : f32
    %broadcast_in_dim3A_186 = vector.broadcast %broadcast_in_dim3A_185 : f32 to vector<16x63xf32>
    %slice3A_187 = vector.extract_strided_slice %get3A_1 {offsets = [0, 63], sizes = [16, 4033], strides = [1, 1]} : vector<16x4096xf32> to vector<16x4033xf32>
    %concatenate3A_188 = tpu.concatenate %slice3A_187, %broadcast_in_dim3A_186 in 1 : vector<16x4033xf32>, vector<16x63xf32> -> vector<16x4096xf32>
    %eq3A_189 = arith.constant 63 : i32
    %eq3A_190 = vector.broadcast %eq3A_189 : i32 to vector<1x4096xi32>
    %eq3A_191 = arith.cmpi eq, %shift_right_logical3A_5, %eq3A_190 : vector<1x4096xi32>
    %broadcast_in_dim3A_192 = arith.constant 0.000000e+00 : f32
    %broadcast_in_dim3A_193 = vector.broadcast %broadcast_in_dim3A_192 : f32 to vector<16x65xf32>
    %slice3A_194 = vector.extract_strided_slice %get3A_1 {offsets = [0, 0], sizes = [16, 4031], strides = [1, 1]} : vector<16x4096xf32> to vector<16x4031xf32>
    %concatenate3A_195 = tpu.concatenate %broadcast_in_dim3A_193, %slice3A_194 in 1 : vector<16x65xf32>, vector<16x4031xf32> -> vector<16x4096xf32>
    %broadcast_in_dim3A_196 = vector.shape_cast %eq3A_191 : vector<1x4096xi1> to vector<1x4096xi1>
    %broadcast_in_dim3A_197 = vector.broadcast %broadcast_in_dim3A_196 : vector<1x4096xi1> to vector<16x4096xi1>
    %select_n3A_198 = arith.select %broadcast_in_dim3A_197, %concatenate3A_195, %concatenate3A_188 : vector<16x4096xi1>, vector<16x4096xf32>
    %broadcast_in_dim3A_199 = vector.shape_cast %eq3A_184 : vector<1x4096xi1> to vector<1x4096xi1>
    %broadcast_in_dim3A_200 = vector.broadcast %broadcast_in_dim3A_199 : vector<1x4096xi1> to vector<16x4096xi1>
    %select_n3A_201 = arith.select %broadcast_in_dim3A_200, %select_n3A_198, %select_n3A_181 : vector<16x4096xi1>, vector<16x4096xf32>
    %concatenate3A_202 = tpu.concatenate %select_n3A_43, %select_n3A_57, %select_n3A_91, %select_n3A_105, %get3A_1, %select_n3A_119, %select_n3A_153, %select_n3A_167, %select_n3A_201 in 0 : vector<16x4096xf32>, vector<16x4096xf32>, vector<16x4096xf32>, vector<16x4096xf32>, vector<16x4096xf32>, vector<16x4096xf32>, vector<16x4096xf32>, vector<16x4096xf32>, vector<16x4096xf32> -> vector<144x4096xf32>
    %mul3A = arith.mulf %concatenate3A_202, %concatenate3A_202 : vector<144x4096xf32>
    %reduce_sum3A = arith.constant dense<0.000000e+00> : vector<4096xf32>
    %reduce_sum3A_203 = vector.multi_reduction <add>, %mul3A, %reduce_sum3A [0] : vector<144x4096xf32> to vector<4096xf32>
    %broadcast_in_dim3A_204 = vector.shape_cast %reduce_sum3A_203 : vector<4096xf32> to vector<1x4096xf32>
    %sqrt3A = math.sqrt %broadcast_in_dim3A_204 : vector<1x4096xf32>
    %max3A = arith.constant 9.99999996E-13 : f32
    %max3A_205 = vector.broadcast %max3A : f32 to vector<1x4096xf32>
    %max3A_206 = arith.maximumf %sqrt3A, %max3A_205 : vector<1x4096xf32>
    %div3A = arith.constant 1.000000e+00 : f32
    %div3A_207 = vector.broadcast %div3A : f32 to vector<1x4096xf32>
    %div3A_208 = arith.divf %div3A_207, %max3A_206 : vector<1x4096xf32>
    %mul3A_209 = vector.broadcast %div3A_208 : vector<1x4096xf32> to vector<144x4096xf32>
    %mul3A_210 = arith.mulf %concatenate3A_202, %mul3A_209 : vector<144x4096xf32>
    %broadcast_in_dim3A_211 = arith.constant 0.000000e+00 : f32
    %broadcast_in_dim3A_212 = vector.broadcast %broadcast_in_dim3A_211 : f32 to vector<65x16xf32>
    %slice3A_213 = vector.extract_strided_slice %transpose3A {offsets = [0, 0], sizes = [4031, 16], strides = [1, 1]} : vector<4096x16xf32> to vector<4031x16xf32>
    %concatenate3A_214 = tpu.concatenate %broadcast_in_dim3A_212, %slice3A_213 in 0 : vector<65x16xf32>, vector<4031x16xf32> -> vector<4096x16xf32>
    %eq3A_215 = arith.constant 0 : i32
    %eq3A_216 = vector.broadcast %eq3A_215 : i32 to vector<4096x1xi32>
    %eq3A_217 = arith.cmpi eq, %shift_right_logical3A_11, %eq3A_216 : vector<4096x1xi32>
    %broadcast_in_dim3A_218 = arith.constant 0.000000e+00 : f32
    %broadcast_in_dim3A_219 = vector.broadcast %broadcast_in_dim3A_218 : f32 to vector<63x16xf32>
    %slice3A_220 = vector.extract_strided_slice %transpose3A {offsets = [63, 0], sizes = [4033, 16], strides = [1, 1]} : vector<4096x16xf32> to vector<4033x16xf32>
    %concatenate3A_221 = tpu.concatenate %slice3A_220, %broadcast_in_dim3A_219 in 0 : vector<4033x16xf32>, vector<63x16xf32> -> vector<4096x16xf32>
    %broadcast_in_dim3A_222 = vector.shape_cast %eq3A_217 : vector<4096x1xi1> to vector<4096x1xi1>
    %broadcast_in_dim3A_223 = vector.broadcast %broadcast_in_dim3A_222 : vector<4096x1xi1> to vector<4096x16xi1>
    %select_n3A_224 = arith.select %broadcast_in_dim3A_223, %concatenate3A_221, %concatenate3A_214 : vector<4096x16xi1>, vector<4096x16xf32>
    %eq3A_225 = arith.constant 0 : i32
    %eq3A_226 = vector.broadcast %eq3A_225 : i32 to vector<4096x1xi32>
    %eq3A_227 = arith.cmpi eq, %and3A_14, %eq3A_226 : vector<4096x1xi32>
    %broadcast_in_dim3A_228 = arith.constant 0.000000e+00 : f32
    %broadcast_in_dim3A_229 = vector.broadcast %broadcast_in_dim3A_228 : f32 to vector<63x16xf32>
    %slice3A_230 = vector.extract_strided_slice %transpose3A {offsets = [0, 0], sizes = [4033, 16], strides = [1, 1]} : vector<4096x16xf32> to vector<4033x16xf32>
    %concatenate3A_231 = tpu.concatenate %broadcast_in_dim3A_229, %slice3A_230 in 0 : vector<63x16xf32>, vector<4033x16xf32> -> vector<4096x16xf32>
    %eq3A_232 = arith.constant 0 : i32
    %eq3A_233 = vector.broadcast %eq3A_232 : i32 to vector<4096x1xi32>
    %eq3A_234 = arith.cmpi eq, %shift_right_logical3A_11, %eq3A_233 : vector<4096x1xi32>
    %broadcast_in_dim3A_235 = arith.constant 0.000000e+00 : f32
    %broadcast_in_dim3A_236 = vector.broadcast %broadcast_in_dim3A_235 : f32 to vector<65x16xf32>
    %slice3A_237 = vector.extract_strided_slice %transpose3A {offsets = [65, 0], sizes = [4031, 16], strides = [1, 1]} : vector<4096x16xf32> to vector<4031x16xf32>
    %concatenate3A_238 = tpu.concatenate %slice3A_237, %broadcast_in_dim3A_236 in 0 : vector<4031x16xf32>, vector<65x16xf32> -> vector<4096x16xf32>
    %broadcast_in_dim3A_239 = vector.shape_cast %eq3A_234 : vector<4096x1xi1> to vector<4096x1xi1>
    %broadcast_in_dim3A_240 = vector.broadcast %broadcast_in_dim3A_239 : vector<4096x1xi1> to vector<4096x16xi1>
    %select_n3A_241 = arith.select %broadcast_in_dim3A_240, %concatenate3A_238, %concatenate3A_231 : vector<4096x16xi1>, vector<4096x16xf32>
    %broadcast_in_dim3A_242 = vector.shape_cast %eq3A_227 : vector<4096x1xi1> to vector<4096x1xi1>
    %broadcast_in_dim3A_243 = vector.broadcast %broadcast_in_dim3A_242 : vector<4096x1xi1> to vector<4096x16xi1>
    %select_n3A_244 = arith.select %broadcast_in_dim3A_243, %select_n3A_241, %select_n3A_224 : vector<4096x16xi1>, vector<4096x16xf32>
    %broadcast_in_dim3A_245 = arith.constant 0.000000e+00 : f32
    %broadcast_in_dim3A_246 = vector.broadcast %broadcast_in_dim3A_245 : f32 to vector<64x16xf32>
    %slice3A_247 = vector.extract_strided_slice %transpose3A {offsets = [0, 0], sizes = [4032, 16], strides = [1, 1]} : vector<4096x16xf32> to vector<4032x16xf32>
    %concatenate3A_248 = tpu.concatenate %broadcast_in_dim3A_246, %slice3A_247 in 0 : vector<64x16xf32>, vector<4032x16xf32> -> vector<4096x16xf32>
    %eq3A_249 = arith.constant 0 : i32
    %eq3A_250 = vector.broadcast %eq3A_249 : i32 to vector<4096x1xi32>
    %eq3A_251 = arith.cmpi eq, %shift_right_logical3A_11, %eq3A_250 : vector<4096x1xi32>
    %broadcast_in_dim3A_252 = arith.constant 0.000000e+00 : f32
    %broadcast_in_dim3A_253 = vector.broadcast %broadcast_in_dim3A_252 : f32 to vector<64x16xf32>
    %slice3A_254 = vector.extract_strided_slice %transpose3A {offsets = [64, 0], sizes = [4032, 16], strides = [1, 1]} : vector<4096x16xf32> to vector<4032x16xf32>
    %concatenate3A_255 = tpu.concatenate %slice3A_254, %broadcast_in_dim3A_253 in 0 : vector<4032x16xf32>, vector<64x16xf32> -> vector<4096x16xf32>
    %broadcast_in_dim3A_256 = vector.shape_cast %eq3A_251 : vector<4096x1xi1> to vector<4096x1xi1>
    %broadcast_in_dim3A_257 = vector.broadcast %broadcast_in_dim3A_256 : vector<4096x1xi1> to vector<4096x16xi1>
    %select_n3A_258 = arith.select %broadcast_in_dim3A_257, %concatenate3A_255, %concatenate3A_248 : vector<4096x16xi1>, vector<4096x16xf32>
    %broadcast_in_dim3A_259 = arith.constant 0.000000e+00 : f32
    %broadcast_in_dim3A_260 = vector.broadcast %broadcast_in_dim3A_259 : f32 to vector<63x16xf32>
    %slice3A_261 = vector.extract_strided_slice %transpose3A {offsets = [0, 0], sizes = [4033, 16], strides = [1, 1]} : vector<4096x16xf32> to vector<4033x16xf32>
    %concatenate3A_262 = tpu.concatenate %broadcast_in_dim3A_260, %slice3A_261 in 0 : vector<63x16xf32>, vector<4033x16xf32> -> vector<4096x16xf32>
    %eq3A_263 = arith.constant 0 : i32
    %eq3A_264 = vector.broadcast %eq3A_263 : i32 to vector<4096x1xi32>
    %eq3A_265 = arith.cmpi eq, %shift_right_logical3A_11, %eq3A_264 : vector<4096x1xi32>
    %broadcast_in_dim3A_266 = arith.constant 0.000000e+00 : f32
    %broadcast_in_dim3A_267 = vector.broadcast %broadcast_in_dim3A_266 : f32 to vector<65x16xf32>
    %slice3A_268 = vector.extract_strided_slice %transpose3A {offsets = [65, 0], sizes = [4031, 16], strides = [1, 1]} : vector<4096x16xf32> to vector<4031x16xf32>
    %concatenate3A_269 = tpu.concatenate %slice3A_268, %broadcast_in_dim3A_267 in 0 : vector<4031x16xf32>, vector<65x16xf32> -> vector<4096x16xf32>
    %broadcast_in_dim3A_270 = vector.shape_cast %eq3A_265 : vector<4096x1xi1> to vector<4096x1xi1>
    %broadcast_in_dim3A_271 = vector.broadcast %broadcast_in_dim3A_270 : vector<4096x1xi1> to vector<4096x16xi1>
    %select_n3A_272 = arith.select %broadcast_in_dim3A_271, %concatenate3A_269, %concatenate3A_262 : vector<4096x16xi1>, vector<4096x16xf32>
    %eq3A_273 = arith.constant 63 : i32
    %eq3A_274 = vector.broadcast %eq3A_273 : i32 to vector<4096x1xi32>
    %eq3A_275 = arith.cmpi eq, %and3A_14, %eq3A_274 : vector<4096x1xi32>
    %broadcast_in_dim3A_276 = arith.constant 0.000000e+00 : f32
    %broadcast_in_dim3A_277 = vector.broadcast %broadcast_in_dim3A_276 : f32 to vector<65x16xf32>
    %slice3A_278 = vector.extract_strided_slice %transpose3A {offsets = [0, 0], sizes = [4031, 16], strides = [1, 1]} : vector<4096x16xf32> to vector<4031x16xf32>
    %concatenate3A_279 = tpu.concatenate %broadcast_in_dim3A_277, %slice3A_278 in 0 : vector<65x16xf32>, vector<4031x16xf32> -> vector<4096x16xf32>
    %eq3A_280 = arith.constant 0 : i32
    %eq3A_281 = vector.broadcast %eq3A_280 : i32 to vector<4096x1xi32>
    %eq3A_282 = arith.cmpi eq, %shift_right_logical3A_11, %eq3A_281 : vector<4096x1xi32>
    %broadcast_in_dim3A_283 = arith.constant 0.000000e+00 : f32
    %broadcast_in_dim3A_284 = vector.broadcast %broadcast_in_dim3A_283 : f32 to vector<63x16xf32>
    %slice3A_285 = vector.extract_strided_slice %transpose3A {offsets = [63, 0], sizes = [4033, 16], strides = [1, 1]} : vector<4096x16xf32> to vector<4033x16xf32>
    %concatenate3A_286 = tpu.concatenate %slice3A_285, %broadcast_in_dim3A_284 in 0 : vector<4033x16xf32>, vector<63x16xf32> -> vector<4096x16xf32>
    %broadcast_in_dim3A_287 = vector.shape_cast %eq3A_282 : vector<4096x1xi1> to vector<4096x1xi1>
    %broadcast_in_dim3A_288 = vector.broadcast %broadcast_in_dim3A_287 : vector<4096x1xi1> to vector<4096x16xi1>
    %select_n3A_289 = arith.select %broadcast_in_dim3A_288, %concatenate3A_286, %concatenate3A_279 : vector<4096x16xi1>, vector<4096x16xf32>
    %broadcast_in_dim3A_290 = vector.shape_cast %eq3A_275 : vector<4096x1xi1> to vector<4096x1xi1>
    %broadcast_in_dim3A_291 = vector.broadcast %broadcast_in_dim3A_290 : vector<4096x1xi1> to vector<4096x16xi1>
    %select_n3A_292 = arith.select %broadcast_in_dim3A_291, %select_n3A_289, %select_n3A_272 : vector<4096x16xi1>, vector<4096x16xf32>
    %broadcast_in_dim3A_293 = arith.constant 0.000000e+00 : f32
    %broadcast_in_dim3A_294 = vector.broadcast %broadcast_in_dim3A_293 : f32 to vector<1x16xf32>
    %slice3A_295 = vector.extract_strided_slice %transpose3A {offsets = [0, 0], sizes = [4095, 16], strides = [1, 1]} : vector<4096x16xf32> to vector<4095x16xf32>
    %concatenate3A_296 = tpu.concatenate %broadcast_in_dim3A_294, %slice3A_295 in 0 : vector<1x16xf32>, vector<4095x16xf32> -> vector<4096x16xf32>
    %eq3A_297 = arith.constant 0 : i32
    %eq3A_298 = vector.broadcast %eq3A_297 : i32 to vector<4096x1xi32>
    %eq3A_299 = arith.cmpi eq, %and3A_14, %eq3A_298 : vector<4096x1xi32>
    %broadcast_in_dim3A_300 = arith.constant 0.000000e+00 : f32
    %broadcast_in_dim3A_301 = vector.broadcast %broadcast_in_dim3A_300 : f32 to vector<1x16xf32>
    %slice3A_302 = vector.extract_strided_slice %transpose3A {offsets = [1, 0], sizes = [4095, 16], strides = [1, 1]} : vector<4096x16xf32> to vector<4095x16xf32>
    %concatenate3A_303 = tpu.concatenate %slice3A_302, %broadcast_in_dim3A_301 in 0 : vector<4095x16xf32>, vector<1x16xf32> -> vector<4096x16xf32>
    %broadcast_in_dim3A_304 = vector.shape_cast %eq3A_299 : vector<4096x1xi1> to vector<4096x1xi1>
    %broadcast_in_dim3A_305 = vector.broadcast %broadcast_in_dim3A_304 : vector<4096x1xi1> to vector<4096x16xi1>
    %select_n3A_306 = arith.select %broadcast_in_dim3A_305, %concatenate3A_303, %concatenate3A_296 : vector<4096x16xi1>, vector<4096x16xf32>
    %broadcast_in_dim3A_307 = arith.constant 0.000000e+00 : f32
    %broadcast_in_dim3A_308 = vector.broadcast %broadcast_in_dim3A_307 : f32 to vector<1x16xf32>
    %slice3A_309 = vector.extract_strided_slice %transpose3A {offsets = [1, 0], sizes = [4095, 16], strides = [1, 1]} : vector<4096x16xf32> to vector<4095x16xf32>
    %concatenate3A_310 = tpu.concatenate %slice3A_309, %broadcast_in_dim3A_308 in 0 : vector<4095x16xf32>, vector<1x16xf32> -> vector<4096x16xf32>
    %eq3A_311 = arith.constant 63 : i32
    %eq3A_312 = vector.broadcast %eq3A_311 : i32 to vector<4096x1xi32>
    %eq3A_313 = arith.cmpi eq, %and3A_14, %eq3A_312 : vector<4096x1xi32>
    %broadcast_in_dim3A_314 = arith.constant 0.000000e+00 : f32
    %broadcast_in_dim3A_315 = vector.broadcast %broadcast_in_dim3A_314 : f32 to vector<1x16xf32>
    %slice3A_316 = vector.extract_strided_slice %transpose3A {offsets = [0, 0], sizes = [4095, 16], strides = [1, 1]} : vector<4096x16xf32> to vector<4095x16xf32>
    %concatenate3A_317 = tpu.concatenate %broadcast_in_dim3A_315, %slice3A_316 in 0 : vector<1x16xf32>, vector<4095x16xf32> -> vector<4096x16xf32>
    %broadcast_in_dim3A_318 = vector.shape_cast %eq3A_313 : vector<4096x1xi1> to vector<4096x1xi1>
    %broadcast_in_dim3A_319 = vector.broadcast %broadcast_in_dim3A_318 : vector<4096x1xi1> to vector<4096x16xi1>
    %select_n3A_320 = arith.select %broadcast_in_dim3A_319, %concatenate3A_317, %concatenate3A_310 : vector<4096x16xi1>, vector<4096x16xf32>
    %broadcast_in_dim3A_321 = arith.constant 0.000000e+00 : f32
    %broadcast_in_dim3A_322 = vector.broadcast %broadcast_in_dim3A_321 : f32 to vector<63x16xf32>
    %slice3A_323 = vector.extract_strided_slice %transpose3A {offsets = [63, 0], sizes = [4033, 16], strides = [1, 1]} : vector<4096x16xf32> to vector<4033x16xf32>
    %concatenate3A_324 = tpu.concatenate %slice3A_323, %broadcast_in_dim3A_322 in 0 : vector<4033x16xf32>, vector<63x16xf32> -> vector<4096x16xf32>
    %eq3A_325 = arith.constant 63 : i32
    %eq3A_326 = vector.broadcast %eq3A_325 : i32 to vector<4096x1xi32>
    %eq3A_327 = arith.cmpi eq, %shift_right_logical3A_11, %eq3A_326 : vector<4096x1xi32>
    %broadcast_in_dim3A_328 = arith.constant 0.000000e+00 : f32
    %broadcast_in_dim3A_329 = vector.broadcast %broadcast_in_dim3A_328 : f32 to vector<65x16xf32>
    %slice3A_330 = vector.extract_strided_slice %transpose3A {offsets = [0, 0], sizes = [4031, 16], strides = [1, 1]} : vector<4096x16xf32> to vector<4031x16xf32>
    %concatenate3A_331 = tpu.concatenate %broadcast_in_dim3A_329, %slice3A_330 in 0 : vector<65x16xf32>, vector<4031x16xf32> -> vector<4096x16xf32>
    %broadcast_in_dim3A_332 = vector.shape_cast %eq3A_327 : vector<4096x1xi1> to vector<4096x1xi1>
    %broadcast_in_dim3A_333 = vector.broadcast %broadcast_in_dim3A_332 : vector<4096x1xi1> to vector<4096x16xi1>
    %select_n3A_334 = arith.select %broadcast_in_dim3A_333, %concatenate3A_331, %concatenate3A_324 : vector<4096x16xi1>, vector<4096x16xf32>
    %eq3A_335 = arith.constant 0 : i32
    %eq3A_336 = vector.broadcast %eq3A_335 : i32 to vector<4096x1xi32>
    %eq3A_337 = arith.cmpi eq, %and3A_14, %eq3A_336 : vector<4096x1xi32>
    %broadcast_in_dim3A_338 = arith.constant 0.000000e+00 : f32
    %broadcast_in_dim3A_339 = vector.broadcast %broadcast_in_dim3A_338 : f32 to vector<65x16xf32>
    %slice3A_340 = vector.extract_strided_slice %transpose3A {offsets = [65, 0], sizes = [4031, 16], strides = [1, 1]} : vector<4096x16xf32> to vector<4031x16xf32>
    %concatenate3A_341 = tpu.concatenate %slice3A_340, %broadcast_in_dim3A_339 in 0 : vector<4031x16xf32>, vector<65x16xf32> -> vector<4096x16xf32>
    %eq3A_342 = arith.constant 63 : i32
    %eq3A_343 = vector.broadcast %eq3A_342 : i32 to vector<4096x1xi32>
    %eq3A_344 = arith.cmpi eq, %shift_right_logical3A_11, %eq3A_343 : vector<4096x1xi32>
    %broadcast_in_dim3A_345 = arith.constant 0.000000e+00 : f32
    %broadcast_in_dim3A_346 = vector.broadcast %broadcast_in_dim3A_345 : f32 to vector<63x16xf32>
    %slice3A_347 = vector.extract_strided_slice %transpose3A {offsets = [0, 0], sizes = [4033, 16], strides = [1, 1]} : vector<4096x16xf32> to vector<4033x16xf32>
    %concatenate3A_348 = tpu.concatenate %broadcast_in_dim3A_346, %slice3A_347 in 0 : vector<63x16xf32>, vector<4033x16xf32> -> vector<4096x16xf32>
    %broadcast_in_dim3A_349 = vector.shape_cast %eq3A_344 : vector<4096x1xi1> to vector<4096x1xi1>
    %broadcast_in_dim3A_350 = vector.broadcast %broadcast_in_dim3A_349 : vector<4096x1xi1> to vector<4096x16xi1>
    %select_n3A_351 = arith.select %broadcast_in_dim3A_350, %concatenate3A_348, %concatenate3A_341 : vector<4096x16xi1>, vector<4096x16xf32>
    %broadcast_in_dim3A_352 = vector.shape_cast %eq3A_337 : vector<4096x1xi1> to vector<4096x1xi1>
    %broadcast_in_dim3A_353 = vector.broadcast %broadcast_in_dim3A_352 : vector<4096x1xi1> to vector<4096x16xi1>
    %select_n3A_354 = arith.select %broadcast_in_dim3A_353, %select_n3A_351, %select_n3A_334 : vector<4096x16xi1>, vector<4096x16xf32>
    %broadcast_in_dim3A_355 = arith.constant 0.000000e+00 : f32
    %broadcast_in_dim3A_356 = vector.broadcast %broadcast_in_dim3A_355 : f32 to vector<64x16xf32>
    %slice3A_357 = vector.extract_strided_slice %transpose3A {offsets = [64, 0], sizes = [4032, 16], strides = [1, 1]} : vector<4096x16xf32> to vector<4032x16xf32>
    %concatenate3A_358 = tpu.concatenate %slice3A_357, %broadcast_in_dim3A_356 in 0 : vector<4032x16xf32>, vector<64x16xf32> -> vector<4096x16xf32>
    %eq3A_359 = arith.constant 63 : i32
    %eq3A_360 = vector.broadcast %eq3A_359 : i32 to vector<4096x1xi32>
    %eq3A_361 = arith.cmpi eq, %shift_right_logical3A_11, %eq3A_360 : vector<4096x1xi32>
    %broadcast_in_dim3A_362 = arith.constant 0.000000e+00 : f32
    %broadcast_in_dim3A_363 = vector.broadcast %broadcast_in_dim3A_362 : f32 to vector<64x16xf32>
    %slice3A_364 = vector.extract_strided_slice %transpose3A {offsets = [0, 0], sizes = [4032, 16], strides = [1, 1]} : vector<4096x16xf32> to vector<4032x16xf32>
    %concatenate3A_365 = tpu.concatenate %broadcast_in_dim3A_363, %slice3A_364 in 0 : vector<64x16xf32>, vector<4032x16xf32> -> vector<4096x16xf32>
    %broadcast_in_dim3A_366 = vector.shape_cast %eq3A_361 : vector<4096x1xi1> to vector<4096x1xi1>
    %broadcast_in_dim3A_367 = vector.broadcast %broadcast_in_dim3A_366 : vector<4096x1xi1> to vector<4096x16xi1>
    %select_n3A_368 = arith.select %broadcast_in_dim3A_367, %concatenate3A_365, %concatenate3A_358 : vector<4096x16xi1>, vector<4096x16xf32>
    %broadcast_in_dim3A_369 = arith.constant 0.000000e+00 : f32
    %broadcast_in_dim3A_370 = vector.broadcast %broadcast_in_dim3A_369 : f32 to vector<65x16xf32>
    %slice3A_371 = vector.extract_strided_slice %transpose3A {offsets = [65, 0], sizes = [4031, 16], strides = [1, 1]} : vector<4096x16xf32> to vector<4031x16xf32>
    %concatenate3A_372 = tpu.concatenate %slice3A_371, %broadcast_in_dim3A_370 in 0 : vector<4031x16xf32>, vector<65x16xf32> -> vector<4096x16xf32>
    %eq3A_373 = arith.constant 63 : i32
    %eq3A_374 = vector.broadcast %eq3A_373 : i32 to vector<4096x1xi32>
    %eq3A_375 = arith.cmpi eq, %shift_right_logical3A_11, %eq3A_374 : vector<4096x1xi32>
    %broadcast_in_dim3A_376 = arith.constant 0.000000e+00 : f32
    %broadcast_in_dim3A_377 = vector.broadcast %broadcast_in_dim3A_376 : f32 to vector<63x16xf32>
    %slice3A_378 = vector.extract_strided_slice %transpose3A {offsets = [0, 0], sizes = [4033, 16], strides = [1, 1]} : vector<4096x16xf32> to vector<4033x16xf32>
    %concatenate3A_379 = tpu.concatenate %broadcast_in_dim3A_377, %slice3A_378 in 0 : vector<63x16xf32>, vector<4033x16xf32> -> vector<4096x16xf32>
    %broadcast_in_dim3A_380 = vector.shape_cast %eq3A_375 : vector<4096x1xi1> to vector<4096x1xi1>
    %broadcast_in_dim3A_381 = vector.broadcast %broadcast_in_dim3A_380 : vector<4096x1xi1> to vector<4096x16xi1>
    %select_n3A_382 = arith.select %broadcast_in_dim3A_381, %concatenate3A_379, %concatenate3A_372 : vector<4096x16xi1>, vector<4096x16xf32>
    %eq3A_383 = arith.constant 63 : i32
    %eq3A_384 = vector.broadcast %eq3A_383 : i32 to vector<4096x1xi32>
    %eq3A_385 = arith.cmpi eq, %and3A_14, %eq3A_384 : vector<4096x1xi32>
    %broadcast_in_dim3A_386 = arith.constant 0.000000e+00 : f32
    %broadcast_in_dim3A_387 = vector.broadcast %broadcast_in_dim3A_386 : f32 to vector<63x16xf32>
    %slice3A_388 = vector.extract_strided_slice %transpose3A {offsets = [63, 0], sizes = [4033, 16], strides = [1, 1]} : vector<4096x16xf32> to vector<4033x16xf32>
    %concatenate3A_389 = tpu.concatenate %slice3A_388, %broadcast_in_dim3A_387 in 0 : vector<4033x16xf32>, vector<63x16xf32> -> vector<4096x16xf32>
    %eq3A_390 = arith.constant 63 : i32
    %eq3A_391 = vector.broadcast %eq3A_390 : i32 to vector<4096x1xi32>
    %eq3A_392 = arith.cmpi eq, %shift_right_logical3A_11, %eq3A_391 : vector<4096x1xi32>
    %broadcast_in_dim3A_393 = arith.constant 0.000000e+00 : f32
    %broadcast_in_dim3A_394 = vector.broadcast %broadcast_in_dim3A_393 : f32 to vector<65x16xf32>
    %slice3A_395 = vector.extract_strided_slice %transpose3A {offsets = [0, 0], sizes = [4031, 16], strides = [1, 1]} : vector<4096x16xf32> to vector<4031x16xf32>
    %concatenate3A_396 = tpu.concatenate %broadcast_in_dim3A_394, %slice3A_395 in 0 : vector<65x16xf32>, vector<4031x16xf32> -> vector<4096x16xf32>
    %broadcast_in_dim3A_397 = vector.shape_cast %eq3A_392 : vector<4096x1xi1> to vector<4096x1xi1>
    %broadcast_in_dim3A_398 = vector.broadcast %broadcast_in_dim3A_397 : vector<4096x1xi1> to vector<4096x16xi1>
    %select_n3A_399 = arith.select %broadcast_in_dim3A_398, %concatenate3A_396, %concatenate3A_389 : vector<4096x16xi1>, vector<4096x16xf32>
    %broadcast_in_dim3A_400 = vector.shape_cast %eq3A_385 : vector<4096x1xi1> to vector<4096x1xi1>
    %broadcast_in_dim3A_401 = vector.broadcast %broadcast_in_dim3A_400 : vector<4096x1xi1> to vector<4096x16xi1>
    %select_n3A_402 = arith.select %broadcast_in_dim3A_401, %select_n3A_399, %select_n3A_382 : vector<4096x16xi1>, vector<4096x16xf32>
    %bitcast_convert_type3A = tpu.bitcast %select_n3A_244 : vector<4096x16xf32> -> vector<4096x16xi32>
    %add3A = arith.constant 32768 : i32
    %add3A_403 = vector.broadcast %add3A : i32 to vector<4096x16xi32>
    %add3A_404 = arith.addi %bitcast_convert_type3A, %add3A_403 : vector<4096x16xi32>
    %and3A_405 = arith.constant -65536 : i32
    %and3A_406 = vector.broadcast %and3A_405 : i32 to vector<4096x16xi32>
    %and3A_407 = arith.andi %add3A_404, %and3A_406 : vector<4096x16xi32>
    %shift_right_logical3A_408 = arith.constant 16 : i32
    %shift_right_logical3A_409 = vector.broadcast %shift_right_logical3A_408 : i32 to vector<4096x16xi32>
    %shift_right_logical3A_410 = arith.shrui %and3A_407, %shift_right_logical3A_409 : vector<4096x16xi32>
    %bitcast_convert_type3A_411 = tpu.bitcast %select_n3A_258 : vector<4096x16xf32> -> vector<4096x16xi32>
    %add3A_412 = arith.constant 32768 : i32
    %add3A_413 = vector.broadcast %add3A_412 : i32 to vector<4096x16xi32>
    %add3A_414 = arith.addi %bitcast_convert_type3A_411, %add3A_413 : vector<4096x16xi32>
    %and3A_415 = arith.constant -65536 : i32
    %and3A_416 = vector.broadcast %and3A_415 : i32 to vector<4096x16xi32>
    %and3A_417 = arith.andi %add3A_414, %and3A_416 : vector<4096x16xi32>
    %or3A = arith.ori %and3A_417, %shift_right_logical3A_410 : vector<4096x16xi32>
    %swap3A_418 = arith.constant 0 : index
    %swap3A_419 = arith.constant 0 : index
    %swap3A_420 = vector.load %arg7[%swap3A_418, %swap3A_419] : memref<4096x128xi32, #tpu.memory_space<vmem>>, vector<4096x16xi32>
    tpu.vector_store %arg7[%swap3A_418, %swap3A_419], %or3A {strides = array<i32>} : memref<4096x128xi32, #tpu.memory_space<vmem>>, vector<4096x16xi32>,
    %bitcast_convert_type3A_421 = tpu.bitcast %select_n3A_292 : vector<4096x16xf32> -> vector<4096x16xi32>
    %add3A_422 = arith.constant 32768 : i32
    %add3A_423 = vector.broadcast %add3A_422 : i32 to vector<4096x16xi32>
    %add3A_424 = arith.addi %bitcast_convert_type3A_421, %add3A_423 : vector<4096x16xi32>
    %and3A_425 = arith.constant -65536 : i32
    %and3A_426 = vector.broadcast %and3A_425 : i32 to vector<4096x16xi32>
    %and3A_427 = arith.andi %add3A_424, %and3A_426 : vector<4096x16xi32>
    %shift_right_logical3A_428 = arith.constant 16 : i32
    %shift_right_logical3A_429 = vector.broadcast %shift_right_logical3A_428 : i32 to vector<4096x16xi32>
    %shift_right_logical3A_430 = arith.shrui %and3A_427, %shift_right_logical3A_429 : vector<4096x16xi32>
    %bitcast_convert_type3A_431 = tpu.bitcast %select_n3A_306 : vector<4096x16xf32> -> vector<4096x16xi32>
    %add3A_432 = arith.constant 32768 : i32
    %add3A_433 = vector.broadcast %add3A_432 : i32 to vector<4096x16xi32>
    %add3A_434 = arith.addi %bitcast_convert_type3A_431, %add3A_433 : vector<4096x16xi32>
    %and3A_435 = arith.constant -65536 : i32
    %and3A_436 = vector.broadcast %and3A_435 : i32 to vector<4096x16xi32>
    %and3A_437 = arith.andi %add3A_434, %and3A_436 : vector<4096x16xi32>
    %or3A_438 = arith.ori %and3A_437, %shift_right_logical3A_430 : vector<4096x16xi32>
    %swap3A_439 = arith.constant 0 : index
    %swap3A_440 = arith.constant 16 : index
    %swap3A_441 = vector.load %arg7[%swap3A_439, %swap3A_440] : memref<4096x128xi32, #tpu.memory_space<vmem>>, vector<4096x16xi32>
    tpu.vector_store %arg7[%swap3A_439, %swap3A_440], %or3A_438 {strides = array<i32>} : memref<4096x128xi32, #tpu.memory_space<vmem>>, vector<4096x16xi32>,
    %bitcast_convert_type3A_442 = tpu.bitcast %transpose3A : vector<4096x16xf32> -> vector<4096x16xi32>
    %add3A_443 = arith.constant 32768 : i32
    %add3A_444 = vector.broadcast %add3A_443 : i32 to vector<4096x16xi32>
    %add3A_445 = arith.addi %bitcast_convert_type3A_442, %add3A_444 : vector<4096x16xi32>
    %and3A_446 = arith.constant -65536 : i32
    %and3A_447 = vector.broadcast %and3A_446 : i32 to vector<4096x16xi32>
    %and3A_448 = arith.andi %add3A_445, %and3A_447 : vector<4096x16xi32>
    %shift_right_logical3A_449 = arith.constant 16 : i32
    %shift_right_logical3A_450 = vector.broadcast %shift_right_logical3A_449 : i32 to vector<4096x16xi32>
    %shift_right_logical3A_451 = arith.shrui %and3A_448, %shift_right_logical3A_450 : vector<4096x16xi32>
    %bitcast_convert_type3A_452 = tpu.bitcast %select_n3A_320 : vector<4096x16xf32> -> vector<4096x16xi32>
    %add3A_453 = arith.constant 32768 : i32
    %add3A_454 = vector.broadcast %add3A_453 : i32 to vector<4096x16xi32>
    %add3A_455 = arith.addi %bitcast_convert_type3A_452, %add3A_454 : vector<4096x16xi32>
    %and3A_456 = arith.constant -65536 : i32
    %and3A_457 = vector.broadcast %and3A_456 : i32 to vector<4096x16xi32>
    %and3A_458 = arith.andi %add3A_455, %and3A_457 : vector<4096x16xi32>
    %or3A_459 = arith.ori %and3A_458, %shift_right_logical3A_451 : vector<4096x16xi32>
    %swap3A_460 = arith.constant 0 : index
    %swap3A_461 = arith.constant 32 : index
    %swap3A_462 = vector.load %arg7[%swap3A_460, %swap3A_461] : memref<4096x128xi32, #tpu.memory_space<vmem>>, vector<4096x16xi32>
    tpu.vector_store %arg7[%swap3A_460, %swap3A_461], %or3A_459 {strides = array<i32>} : memref<4096x128xi32, #tpu.memory_space<vmem>>, vector<4096x16xi32>,
    %bitcast_convert_type3A_463 = tpu.bitcast %select_n3A_354 : vector<4096x16xf32> -> vector<4096x16xi32>
    %add3A_464 = arith.constant 32768 : i32
    %add3A_465 = vector.broadcast %add3A_464 : i32 to vector<4096x16xi32>
    %add3A_466 = arith.addi %bitcast_convert_type3A_463, %add3A_465 : vector<4096x16xi32>
    %and3A_467 = arith.constant -65536 : i32
    %and3A_468 = vector.broadcast %and3A_467 : i32 to vector<4096x16xi32>
    %and3A_469 = arith.andi %add3A_466, %and3A_468 : vector<4096x16xi32>
    %shift_right_logical3A_470 = arith.constant 16 : i32
    %shift_right_logical3A_471 = vector.broadcast %shift_right_logical3A_470 : i32 to vector<4096x16xi32>
    %shift_right_logical3A_472 = arith.shrui %and3A_469, %shift_right_logical3A_471 : vector<4096x16xi32>
    %bitcast_convert_type3A_473 = tpu.bitcast %select_n3A_368 : vector<4096x16xf32> -> vector<4096x16xi32>
    %add3A_474 = arith.constant 32768 : i32
    %add3A_475 = vector.broadcast %add3A_474 : i32 to vector<4096x16xi32>
    %add3A_476 = arith.addi %bitcast_convert_type3A_473, %add3A_475 : vector<4096x16xi32>
    %and3A_477 = arith.constant -65536 : i32
    %and3A_478 = vector.broadcast %and3A_477 : i32 to vector<4096x16xi32>
    %and3A_479 = arith.andi %add3A_476, %and3A_478 : vector<4096x16xi32>
    %or3A_480 = arith.ori %and3A_479, %shift_right_logical3A_472 : vector<4096x16xi32>
    %swap3A_481 = arith.constant 0 : index
    %swap3A_482 = arith.constant 48 : index
    %swap3A_483 = vector.load %arg7[%swap3A_481, %swap3A_482] : memref<4096x128xi32, #tpu.memory_space<vmem>>, vector<4096x16xi32>
    tpu.vector_store %arg7[%swap3A_481, %swap3A_482], %or3A_480 {strides = array<i32>} : memref<4096x128xi32, #tpu.memory_space<vmem>>, vector<4096x16xi32>,
    %bitcast_convert_type3A_484 = tpu.bitcast %select_n3A_402 : vector<4096x16xf32> -> vector<4096x16xi32>
    %swap3A_485 = arith.constant 0 : index
    %swap3A_486 = arith.constant 64 : index
    %swap3A_487 = vector.load %arg7[%swap3A_485, %swap3A_486] : memref<4096x128xi32, #tpu.memory_space<vmem>>, vector<4096x16xi32>
    tpu.vector_store %arg7[%swap3A_485, %swap3A_486], %bitcast_convert_type3A_484 {strides = array<i32>} : memref<4096x128xi32, #tpu.memory_space<vmem>>, vector<4096x16xi32>,
    %broadcast_in_dim3A_488 = arith.constant 0 : i32
    %broadcast_in_dim3A_489 = vector.broadcast %broadcast_in_dim3A_488 : i32 to vector<4096x48xi32>
    %swap3A_490 = arith.constant 0 : index
    %swap3A_491 = arith.constant 80 : index
    %swap3A_492 = vector.load %arg7[%swap3A_490, %swap3A_491] : memref<4096x128xi32, #tpu.memory_space<vmem>>, vector<4096x48xi32>
    tpu.vector_store %arg7[%swap3A_490, %swap3A_491], %broadcast_in_dim3A_489 {strides = array<i32>} : memref<4096x128xi32, #tpu.memory_space<vmem>>, vector<4096x48xi32>,
    %broadcast_in_dim3A_493 = arith.constant 0.000000e+00 : f32
    %broadcast_in_dim3A_494 = vector.broadcast %broadcast_in_dim3A_493 : f32 to vector<4096x16xf32>
    %get3A_495 = arith.constant 0 : index
    %get3A_496 = arith.constant 0 : index
    %get3A_497 = vector.load %arg2[%get3A_495, %get3A_496] : memref<1x16xf32, #tpu.memory_space<vmem>>, vector<1x16xf32>
    %add3A_498 = vector.broadcast %get3A_497 : vector<1x16xf32> to vector<4096x16xf32>
    %add3A_499 = arith.addf %broadcast_in_dim3A_494, %add3A_498 : vector<4096x16xf32>
    %add3A_500 = arith.constant -1 : i32
    %add3A_501 = vector.broadcast %add3A_500 : i32 to vector<4096x1xi32>
    %add3A_502 = arith.addi %shift_right_logical3A_11, %add3A_501 : vector<4096x1xi32>
    %add3A_503 = arith.constant -1 : i32
    %add3A_504 = vector.broadcast %add3A_503 : i32 to vector<4096x1xi32>
    %add3A_505 = arith.addi %and3A_14, %add3A_504 : vector<4096x1xi32>
    %ge3A = arith.constant 0 : i32
    %ge3A_506 = vector.broadcast %ge3A : i32 to vector<4096x1xi32>
    %ge3A_507 = arith.cmpi sge, %add3A_502, %ge3A_506 : vector<4096x1xi32>
    %lt3A = arith.constant 64 : i32
    %lt3A_508 = vector.broadcast %lt3A : i32 to vector<4096x1xi32>
    %lt3A_509 = arith.cmpi slt, %add3A_502, %lt3A_508 : vector<4096x1xi32>
    %and3A_510 = arith.andi %ge3A_507, %lt3A_509 : vector<4096x1xi1>
    %ge3A_511 = arith.constant 0 : i32
    %ge3A_512 = vector.broadcast %ge3A_511 : i32 to vector<4096x1xi32>
    %ge3A_513 = arith.cmpi sge, %add3A_505, %ge3A_512 : vector<4096x1xi32>
    %and3A_514 = arith.andi %and3A_510, %ge3A_513 : vector<4096x1xi1>
    %lt3A_515 = arith.constant 64 : i32
    %lt3A_516 = vector.broadcast %lt3A_515 : i32 to vector<4096x1xi32>
    %lt3A_517 = arith.cmpi slt, %add3A_505, %lt3A_516 : vector<4096x1xi32>
    %and3A_518 = arith.andi %and3A_514, %lt3A_517 : vector<4096x1xi1>
    %broadcast_in_dim3A_519 = arith.constant 0.000000e+00 : f32
    %broadcast_in_dim3A_520 = vector.broadcast %broadcast_in_dim3A_519 : f32 to vector<65x16xf32>
    %slice3A_521 = vector.extract_strided_slice %transpose3A {offsets = [0, 0], sizes = [4031, 16], strides = [1, 1]} : vector<4096x16xf32> to vector<4031x16xf32>
    %concatenate3A_522 = tpu.concatenate %broadcast_in_dim3A_520, %slice3A_521 in 0 : vector<65x16xf32>, vector<4031x16xf32> -> vector<4096x16xf32>
    %jit3A = arith.constant 0.000000e+00 : f32
    %broadcast_in_dim3A_523 = vector.shape_cast %and3A_518 : vector<4096x1xi1> to vector<4096x1xi1>
    %broadcast_in_dim3A_524 = vector.broadcast %broadcast_in_dim3A_523 : vector<4096x1xi1> to vector<4096x16xi1>
    %broadcast_in_dim3A_525 = vector.broadcast %jit3A : f32 to vector<4096x16xf32>
    %select_n3A_526 = arith.select %broadcast_in_dim3A_524, %concatenate3A_522, %broadcast_in_dim3A_525 : vector<4096x16xi1>, vector<4096x16xf32>
    %get3A_527 = arith.constant 0 : index
    %get3A_528 = arith.constant 0 : index
    %get3A_529 = vector.load %arg1[%get3A_527, %get3A_528] : memref<144x16xf32, #tpu.memory_space<vmem>>, vector<16x16xf32>
    %dot_general3A = arith.constant dense<0.000000e+00> : vector<4096x16xf32>
    %dot_general3A_530 = tpu.matmul %select_n3A_526, %get3A_529, %dot_general3A {dimension_numbers = #tpu.dot_dimension_numbers<[1], [0], [0], [1], [0, 0, 1, 1], [], []>, transpose_lhs_hint = false} : vector<4096x16xf32>, vector<16x16xf32>, vector<4096x16xf32> -> vector<4096x16xf32>
    %add3A_531 = arith.addf %add3A_499, %dot_general3A_530 : vector<4096x16xf32>
    %add3A_532 = arith.constant -1 : i32
    %add3A_533 = vector.broadcast %add3A_532 : i32 to vector<4096x1xi32>
    %add3A_534 = arith.addi %shift_right_logical3A_11, %add3A_533 : vector<4096x1xi32>
    %add3A_535 = arith.constant 0 : i32
    %add3A_536 = vector.broadcast %add3A_535 : i32 to vector<4096x1xi32>
    %add3A_537 = arith.addi %and3A_14, %add3A_536 : vector<4096x1xi32>
    %ge3A_538 = arith.constant 0 : i32
    %ge3A_539 = vector.broadcast %ge3A_538 : i32 to vector<4096x1xi32>
    %ge3A_540 = arith.cmpi sge, %add3A_534, %ge3A_539 : vector<4096x1xi32>
    %lt3A_541 = arith.constant 64 : i32
    %lt3A_542 = vector.broadcast %lt3A_541 : i32 to vector<4096x1xi32>
    %lt3A_543 = arith.cmpi slt, %add3A_534, %lt3A_542 : vector<4096x1xi32>
    %and3A_544 = arith.andi %ge3A_540, %lt3A_543 : vector<4096x1xi1>
    %ge3A_545 = arith.constant 0 : i32
    %ge3A_546 = vector.broadcast %ge3A_545 : i32 to vector<4096x1xi32>
    %ge3A_547 = arith.cmpi sge, %add3A_537, %ge3A_546 : vector<4096x1xi32>
    %and3A_548 = arith.andi %and3A_544, %ge3A_547 : vector<4096x1xi1>
    %lt3A_549 = arith.constant 64 : i32
    %lt3A_550 = vector.broadcast %lt3A_549 : i32 to vector<4096x1xi32>
    %lt3A_551 = arith.cmpi slt, %add3A_537, %lt3A_550 : vector<4096x1xi32>
    %and3A_552 = arith.andi %and3A_548, %lt3A_551 : vector<4096x1xi1>
    %broadcast_in_dim3A_553 = arith.constant 0.000000e+00 : f32
    %broadcast_in_dim3A_554 = vector.broadcast %broadcast_in_dim3A_553 : f32 to vector<64x16xf32>
    %slice3A_555 = vector.extract_strided_slice %transpose3A {offsets = [0, 0], sizes = [4032, 16], strides = [1, 1]} : vector<4096x16xf32> to vector<4032x16xf32>
    %concatenate3A_556 = tpu.concatenate %broadcast_in_dim3A_554, %slice3A_555 in 0 : vector<64x16xf32>, vector<4032x16xf32> -> vector<4096x16xf32>
    %jit3A_557 = arith.constant 0.000000e+00 : f32
    %broadcast_in_dim3A_558 = vector.shape_cast %and3A_552 : vector<4096x1xi1> to vector<4096x1xi1>
    %broadcast_in_dim3A_559 = vector.broadcast %broadcast_in_dim3A_558 : vector<4096x1xi1> to vector<4096x16xi1>
    %broadcast_in_dim3A_560 = vector.broadcast %jit3A_557 : f32 to vector<4096x16xf32>
    %select_n3A_561 = arith.select %broadcast_in_dim3A_559, %concatenate3A_556, %broadcast_in_dim3A_560 : vector<4096x16xi1>, vector<4096x16xf32>
    %get3A_562 = arith.constant 16 : index
    %get3A_563 = arith.constant 0 : index
    %get3A_564 = vector.load %arg1[%get3A_562, %get3A_563] : memref<144x16xf32, #tpu.memory_space<vmem>>, vector<16x16xf32>
    %dot_general3A_565 = arith.constant dense<0.000000e+00> : vector<4096x16xf32>
    %dot_general3A_566 = tpu.matmul %select_n3A_561, %get3A_564, %dot_general3A_565 {dimension_numbers = #tpu.dot_dimension_numbers<[1], [0], [0], [1], [0, 0, 1, 1], [], []>, transpose_lhs_hint = false} : vector<4096x16xf32>, vector<16x16xf32>, vector<4096x16xf32> -> vector<4096x16xf32>
    %add3A_567 = arith.addf %add3A_531, %dot_general3A_566 : vector<4096x16xf32>
    %add3A_568 = arith.constant -1 : i32
    %add3A_569 = vector.broadcast %add3A_568 : i32 to vector<4096x1xi32>
    %add3A_570 = arith.addi %shift_right_logical3A_11, %add3A_569 : vector<4096x1xi32>
    %add3A_571 = arith.constant 1 : i32
    %add3A_572 = vector.broadcast %add3A_571 : i32 to vector<4096x1xi32>
    %add3A_573 = arith.addi %and3A_14, %add3A_572 : vector<4096x1xi32>
    %ge3A_574 = arith.constant 0 : i32
    %ge3A_575 = vector.broadcast %ge3A_574 : i32 to vector<4096x1xi32>
    %ge3A_576 = arith.cmpi sge, %add3A_570, %ge3A_575 : vector<4096x1xi32>
    %lt3A_577 = arith.constant 64 : i32
    %lt3A_578 = vector.broadcast %lt3A_577 : i32 to vector<4096x1xi32>
    %lt3A_579 = arith.cmpi slt, %add3A_570, %lt3A_578 : vector<4096x1xi32>
    %and3A_580 = arith.andi %ge3A_576, %lt3A_579 : vector<4096x1xi1>
    %ge3A_581 = arith.constant 0 : i32
    %ge3A_582 = vector.broadcast %ge3A_581 : i32 to vector<4096x1xi32>
    %ge3A_583 = arith.cmpi sge, %add3A_573, %ge3A_582 : vector<4096x1xi32>
    %and3A_584 = arith.andi %and3A_580, %ge3A_583 : vector<4096x1xi1>
    %lt3A_585 = arith.constant 64 : i32
    %lt3A_586 = vector.broadcast %lt3A_585 : i32 to vector<4096x1xi32>
    %lt3A_587 = arith.cmpi slt, %add3A_573, %lt3A_586 : vector<4096x1xi32>
    %and3A_588 = arith.andi %and3A_584, %lt3A_587 : vector<4096x1xi1>
    %broadcast_in_dim3A_589 = arith.constant 0.000000e+00 : f32
    %broadcast_in_dim3A_590 = vector.broadcast %broadcast_in_dim3A_589 : f32 to vector<63x16xf32>
    %slice3A_591 = vector.extract_strided_slice %transpose3A {offsets = [0, 0], sizes = [4033, 16], strides = [1, 1]} : vector<4096x16xf32> to vector<4033x16xf32>
    %concatenate3A_592 = tpu.concatenate %broadcast_in_dim3A_590, %slice3A_591 in 0 : vector<63x16xf32>, vector<4033x16xf32> -> vector<4096x16xf32>
    %jit3A_593 = arith.constant 0.000000e+00 : f32
    %broadcast_in_dim3A_594 = vector.shape_cast %and3A_588 : vector<4096x1xi1> to vector<4096x1xi1>
    %broadcast_in_dim3A_595 = vector.broadcast %broadcast_in_dim3A_594 : vector<4096x1xi1> to vector<4096x16xi1>
    %broadcast_in_dim3A_596 = vector.broadcast %jit3A_593 : f32 to vector<4096x16xf32>
    %select_n3A_597 = arith.select %broadcast_in_dim3A_595, %concatenate3A_592, %broadcast_in_dim3A_596 : vector<4096x16xi1>, vector<4096x16xf32>
    %get3A_598 = arith.constant 32 : index
    %get3A_599 = arith.constant 0 : index
    %get3A_600 = vector.load %arg1[%get3A_598, %get3A_599] : memref<144x16xf32, #tpu.memory_space<vmem>>, vector<16x16xf32>
    %dot_general3A_601 = arith.constant dense<0.000000e+00> : vector<4096x16xf32>
    %dot_general3A_602 = tpu.matmul %select_n3A_597, %get3A_600, %dot_general3A_601 {dimension_numbers = #tpu.dot_dimension_numbers<[1], [0], [0], [1], [0, 0, 1, 1], [], []>, transpose_lhs_hint = false} : vector<4096x16xf32>, vector<16x16xf32>, vector<4096x16xf32> -> vector<4096x16xf32>
    %add3A_603 = arith.addf %add3A_567, %dot_general3A_602 : vector<4096x16xf32>
    %add3A_604 = arith.constant 0 : i32
    %add3A_605 = vector.broadcast %add3A_604 : i32 to vector<4096x1xi32>
    %add3A_606 = arith.addi %shift_right_logical3A_11, %add3A_605 : vector<4096x1xi32>
    %add3A_607 = arith.constant -1 : i32
    %add3A_608 = vector.broadcast %add3A_607 : i32 to vector<4096x1xi32>
    %add3A_609 = arith.addi %and3A_14, %add3A_608 : vector<4096x1xi32>
    %ge3A_610 = arith.constant 0 : i32
    %ge3A_611 = vector.broadcast %ge3A_610 : i32 to vector<4096x1xi32>
    %ge3A_612 = arith.cmpi sge, %add3A_606, %ge3A_611 : vector<4096x1xi32>
    %lt3A_613 = arith.constant 64 : i32
    %lt3A_614 = vector.broadcast %lt3A_613 : i32 to vector<4096x1xi32>
    %lt3A_615 = arith.cmpi slt, %add3A_606, %lt3A_614 : vector<4096x1xi32>
    %and3A_616 = arith.andi %ge3A_612, %lt3A_615 : vector<4096x1xi1>
    %ge3A_617 = arith.constant 0 : i32
    %ge3A_618 = vector.broadcast %ge3A_617 : i32 to vector<4096x1xi32>
    %ge3A_619 = arith.cmpi sge, %add3A_609, %ge3A_618 : vector<4096x1xi32>
    %and3A_620 = arith.andi %and3A_616, %ge3A_619 : vector<4096x1xi1>
    %lt3A_621 = arith.constant 64 : i32
    %lt3A_622 = vector.broadcast %lt3A_621 : i32 to vector<4096x1xi32>
    %lt3A_623 = arith.cmpi slt, %add3A_609, %lt3A_622 : vector<4096x1xi32>
    %and3A_624 = arith.andi %and3A_620, %lt3A_623 : vector<4096x1xi1>
    %broadcast_in_dim3A_625 = arith.constant 0.000000e+00 : f32
    %broadcast_in_dim3A_626 = vector.broadcast %broadcast_in_dim3A_625 : f32 to vector<1x16xf32>
    %slice3A_627 = vector.extract_strided_slice %transpose3A {offsets = [0, 0], sizes = [4095, 16], strides = [1, 1]} : vector<4096x16xf32> to vector<4095x16xf32>
    %concatenate3A_628 = tpu.concatenate %broadcast_in_dim3A_626, %slice3A_627 in 0 : vector<1x16xf32>, vector<4095x16xf32> -> vector<4096x16xf32>
    %jit3A_629 = arith.constant 0.000000e+00 : f32
    %broadcast_in_dim3A_630 = vector.shape_cast %and3A_624 : vector<4096x1xi1> to vector<4096x1xi1>
    %broadcast_in_dim3A_631 = vector.broadcast %broadcast_in_dim3A_630 : vector<4096x1xi1> to vector<4096x16xi1>
    %broadcast_in_dim3A_632 = vector.broadcast %jit3A_629 : f32 to vector<4096x16xf32>
    %select_n3A_633 = arith.select %broadcast_in_dim3A_631, %concatenate3A_628, %broadcast_in_dim3A_632 : vector<4096x16xi1>, vector<4096x16xf32>
    %get3A_634 = arith.constant 48 : index
    %get3A_635 = arith.constant 0 : index
    %get3A_636 = vector.load %arg1[%get3A_634, %get3A_635] : memref<144x16xf32, #tpu.memory_space<vmem>>, vector<16x16xf32>
    %dot_general3A_637 = arith.constant dense<0.000000e+00> : vector<4096x16xf32>
    %dot_general3A_638 = tpu.matmul %select_n3A_633, %get3A_636, %dot_general3A_637 {dimension_numbers = #tpu.dot_dimension_numbers<[1], [0], [0], [1], [0, 0, 1, 1], [], []>, transpose_lhs_hint = false} : vector<4096x16xf32>, vector<16x16xf32>, vector<4096x16xf32> -> vector<4096x16xf32>
    %add3A_639 = arith.addf %add3A_603, %dot_general3A_638 : vector<4096x16xf32>
    %add3A_640 = arith.constant 0 : i32
    %add3A_641 = vector.broadcast %add3A_640 : i32 to vector<4096x1xi32>
    %add3A_642 = arith.addi %shift_right_logical3A_11, %add3A_641 : vector<4096x1xi32>
    %add3A_643 = arith.constant 0 : i32
    %add3A_644 = vector.broadcast %add3A_643 : i32 to vector<4096x1xi32>
    %add3A_645 = arith.addi %and3A_14, %add3A_644 : vector<4096x1xi32>
    %ge3A_646 = arith.constant 0 : i32
    %ge3A_647 = vector.broadcast %ge3A_646 : i32 to vector<4096x1xi32>
    %ge3A_648 = arith.cmpi sge, %add3A_642, %ge3A_647 : vector<4096x1xi32>
    %lt3A_649 = arith.constant 64 : i32
    %lt3A_650 = vector.broadcast %lt3A_649 : i32 to vector<4096x1xi32>
    %lt3A_651 = arith.cmpi slt, %add3A_642, %lt3A_650 : vector<4096x1xi32>
    %and3A_652 = arith.andi %ge3A_648, %lt3A_651 : vector<4096x1xi1>
    %ge3A_653 = arith.constant 0 : i32
    %ge3A_654 = vector.broadcast %ge3A_653 : i32 to vector<4096x1xi32>
    %ge3A_655 = arith.cmpi sge, %add3A_645, %ge3A_654 : vector<4096x1xi32>
    %and3A_656 = arith.andi %and3A_652, %ge3A_655 : vector<4096x1xi1>
    %lt3A_657 = arith.constant 64 : i32
    %lt3A_658 = vector.broadcast %lt3A_657 : i32 to vector<4096x1xi32>
    %lt3A_659 = arith.cmpi slt, %add3A_645, %lt3A_658 : vector<4096x1xi32>
    %and3A_660 = arith.andi %and3A_656, %lt3A_659 : vector<4096x1xi1>
    %jit3A_661 = arith.constant 0.000000e+00 : f32
    %broadcast_in_dim3A_662 = vector.shape_cast %and3A_660 : vector<4096x1xi1> to vector<4096x1xi1>
    %broadcast_in_dim3A_663 = vector.broadcast %broadcast_in_dim3A_662 : vector<4096x1xi1> to vector<4096x16xi1>
    %broadcast_in_dim3A_664 = vector.broadcast %jit3A_661 : f32 to vector<4096x16xf32>
    %select_n3A_665 = arith.select %broadcast_in_dim3A_663, %transpose3A, %broadcast_in_dim3A_664 : vector<4096x16xi1>, vector<4096x16xf32>
    %get3A_666 = arith.constant 64 : index
    %get3A_667 = arith.constant 0 : index
    %get3A_668 = vector.load %arg1[%get3A_666, %get3A_667] : memref<144x16xf32, #tpu.memory_space<vmem>>, vector<16x16xf32>
    %dot_general3A_669 = arith.constant dense<0.000000e+00> : vector<4096x16xf32>
    %dot_general3A_670 = tpu.matmul %select_n3A_665, %get3A_668, %dot_general3A_669 {dimension_numbers = #tpu.dot_dimension_numbers<[1], [0], [0], [1], [0, 0, 1, 1], [], []>, transpose_lhs_hint = false} : vector<4096x16xf32>, vector<16x16xf32>, vector<4096x16xf32> -> vector<4096x16xf32>
    %add3A_671 = arith.addf %add3A_639, %dot_general3A_670 : vector<4096x16xf32>
    %add3A_672 = arith.constant 0 : i32
    %add3A_673 = vector.broadcast %add3A_672 : i32 to vector<4096x1xi32>
    %add3A_674 = arith.addi %shift_right_logical3A_11, %add3A_673 : vector<4096x1xi32>
    %add3A_675 = arith.constant 1 : i32
    %add3A_676 = vector.broadcast %add3A_675 : i32 to vector<4096x1xi32>
    %add3A_677 = arith.addi %and3A_14, %add3A_676 : vector<4096x1xi32>
    %ge3A_678 = arith.constant 0 : i32
    %ge3A_679 = vector.broadcast %ge3A_678 : i32 to vector<4096x1xi32>
    %ge3A_680 = arith.cmpi sge, %add3A_674, %ge3A_679 : vector<4096x1xi32>
    %lt3A_681 = arith.constant 64 : i32
    %lt3A_682 = vector.broadcast %lt3A_681 : i32 to vector<4096x1xi32>
    %lt3A_683 = arith.cmpi slt, %add3A_674, %lt3A_682 : vector<4096x1xi32>
    %and3A_684 = arith.andi %ge3A_680, %lt3A_683 : vector<4096x1xi1>
    %ge3A_685 = arith.constant 0 : i32
    %ge3A_686 = vector.broadcast %ge3A_685 : i32 to vector<4096x1xi32>
    %ge3A_687 = arith.cmpi sge, %add3A_677, %ge3A_686 : vector<4096x1xi32>
    %and3A_688 = arith.andi %and3A_684, %ge3A_687 : vector<4096x1xi1>
    %lt3A_689 = arith.constant 64 : i32
    %lt3A_690 = vector.broadcast %lt3A_689 : i32 to vector<4096x1xi32>
    %lt3A_691 = arith.cmpi slt, %add3A_677, %lt3A_690 : vector<4096x1xi32>
    %and3A_692 = arith.andi %and3A_688, %lt3A_691 : vector<4096x1xi1>
    %broadcast_in_dim3A_693 = arith.constant 0.000000e+00 : f32
    %broadcast_in_dim3A_694 = vector.broadcast %broadcast_in_dim3A_693 : f32 to vector<1x16xf32>
    %slice3A_695 = vector.extract_strided_slice %transpose3A {offsets = [1, 0], sizes = [4095, 16], strides = [1, 1]} : vector<4096x16xf32> to vector<4095x16xf32>
    %concatenate3A_696 = tpu.concatenate %slice3A_695, %broadcast_in_dim3A_694 in 0 : vector<4095x16xf32>, vector<1x16xf32> -> vector<4096x16xf32>
    %jit3A_697 = arith.constant 0.000000e+00 : f32
    %broadcast_in_dim3A_698 = vector.shape_cast %and3A_692 : vector<4096x1xi1> to vector<4096x1xi1>
    %broadcast_in_dim3A_699 = vector.broadcast %broadcast_in_dim3A_698 : vector<4096x1xi1> to vector<4096x16xi1>
    %broadcast_in_dim3A_700 = vector.broadcast %jit3A_697 : f32 to vector<4096x16xf32>
    %select_n3A_701 = arith.select %broadcast_in_dim3A_699, %concatenate3A_696, %broadcast_in_dim3A_700 : vector<4096x16xi1>, vector<4096x16xf32>
    %get3A_702 = arith.constant 80 : index
    %get3A_703 = arith.constant 0 : index
    %get3A_704 = vector.load %arg1[%get3A_702, %get3A_703] : memref<144x16xf32, #tpu.memory_space<vmem>>, vector<16x16xf32>
    %dot_general3A_705 = arith.constant dense<0.000000e+00> : vector<4096x16xf32>
    %dot_general3A_706 = tpu.matmul %select_n3A_701, %get3A_704, %dot_general3A_705 {dimension_numbers = #tpu.dot_dimension_numbers<[1], [0], [0], [1], [0, 0, 1, 1], [], []>, transpose_lhs_hint = false} : vector<4096x16xf32>, vector<16x16xf32>, vector<4096x16xf32> -> vector<4096x16xf32>
    %add3A_707 = arith.addf %add3A_671, %dot_general3A_706 : vector<4096x16xf32>
    %add3A_708 = arith.constant 1 : i32
    %add3A_709 = vector.broadcast %add3A_708 : i32 to vector<4096x1xi32>
    %add3A_710 = arith.addi %shift_right_logical3A_11, %add3A_709 : vector<4096x1xi32>
    %add3A_711 = arith.constant -1 : i32
    %add3A_712 = vector.broadcast %add3A_711 : i32 to vector<4096x1xi32>
    %add3A_713 = arith.addi %and3A_14, %add3A_712 : vector<4096x1xi32>
    %ge3A_714 = arith.constant 0 : i32
    %ge3A_715 = vector.broadcast %ge3A_714 : i32 to vector<4096x1xi32>
    %ge3A_716 = arith.cmpi sge, %add3A_710, %ge3A_715 : vector<4096x1xi32>
    %lt3A_717 = arith.constant 64 : i32
    %lt3A_718 = vector.broadcast %lt3A_717 : i32 to vector<4096x1xi32>
    %lt3A_719 = arith.cmpi slt, %add3A_710, %lt3A_718 : vector<4096x1xi32>
    %and3A_720 = arith.andi %ge3A_716, %lt3A_719 : vector<4096x1xi1>
    %ge3A_721 = arith.constant 0 : i32
    %ge3A_722 = vector.broadcast %ge3A_721 : i32 to vector<4096x1xi32>
    %ge3A_723 = arith.cmpi sge, %add3A_713, %ge3A_722 : vector<4096x1xi32>
    %and3A_724 = arith.andi %and3A_720, %ge3A_723 : vector<4096x1xi1>
    %lt3A_725 = arith.constant 64 : i32
    %lt3A_726 = vector.broadcast %lt3A_725 : i32 to vector<4096x1xi32>
    %lt3A_727 = arith.cmpi slt, %add3A_713, %lt3A_726 : vector<4096x1xi32>
    %and3A_728 = arith.andi %and3A_724, %lt3A_727 : vector<4096x1xi1>
    %broadcast_in_dim3A_729 = arith.constant 0.000000e+00 : f32
    %broadcast_in_dim3A_730 = vector.broadcast %broadcast_in_dim3A_729 : f32 to vector<63x16xf32>
    %slice3A_731 = vector.extract_strided_slice %transpose3A {offsets = [63, 0], sizes = [4033, 16], strides = [1, 1]} : vector<4096x16xf32> to vector<4033x16xf32>
    %concatenate3A_732 = tpu.concatenate %slice3A_731, %broadcast_in_dim3A_730 in 0 : vector<4033x16xf32>, vector<63x16xf32> -> vector<4096x16xf32>
    %jit3A_733 = arith.constant 0.000000e+00 : f32
    %broadcast_in_dim3A_734 = vector.shape_cast %and3A_728 : vector<4096x1xi1> to vector<4096x1xi1>
    %broadcast_in_dim3A_735 = vector.broadcast %broadcast_in_dim3A_734 : vector<4096x1xi1> to vector<4096x16xi1>
    %broadcast_in_dim3A_736 = vector.broadcast %jit3A_733 : f32 to vector<4096x16xf32>
    %select_n3A_737 = arith.select %broadcast_in_dim3A_735, %concatenate3A_732, %broadcast_in_dim3A_736 : vector<4096x16xi1>, vector<4096x16xf32>
    %get3A_738 = arith.constant 96 : index
    %get3A_739 = arith.constant 0 : index
    %get3A_740 = vector.load %arg1[%get3A_738, %get3A_739] : memref<144x16xf32, #tpu.memory_space<vmem>>, vector<16x16xf32>
    %dot_general3A_741 = arith.constant dense<0.000000e+00> : vector<4096x16xf32>
    %dot_general3A_742 = tpu.matmul %select_n3A_737, %get3A_740, %dot_general3A_741 {dimension_numbers = #tpu.dot_dimension_numbers<[1], [0], [0], [1], [0, 0, 1, 1], [], []>, transpose_lhs_hint = false} : vector<4096x16xf32>, vector<16x16xf32>, vector<4096x16xf32> -> vector<4096x16xf32>
    %add3A_743 = arith.addf %add3A_707, %dot_general3A_742 : vector<4096x16xf32>
    %add3A_744 = arith.constant 1 : i32
    %add3A_745 = vector.broadcast %add3A_744 : i32 to vector<4096x1xi32>
    %add3A_746 = arith.addi %shift_right_logical3A_11, %add3A_745 : vector<4096x1xi32>
    %add3A_747 = arith.constant 0 : i32
    %add3A_748 = vector.broadcast %add3A_747 : i32 to vector<4096x1xi32>
    %add3A_749 = arith.addi %and3A_14, %add3A_748 : vector<4096x1xi32>
    %ge3A_750 = arith.constant 0 : i32
    %ge3A_751 = vector.broadcast %ge3A_750 : i32 to vector<4096x1xi32>
    %ge3A_752 = arith.cmpi sge, %add3A_746, %ge3A_751 : vector<4096x1xi32>
    %lt3A_753 = arith.constant 64 : i32
    %lt3A_754 = vector.broadcast %lt3A_753 : i32 to vector<4096x1xi32>
    %lt3A_755 = arith.cmpi slt, %add3A_746, %lt3A_754 : vector<4096x1xi32>
    %and3A_756 = arith.andi %ge3A_752, %lt3A_755 : vector<4096x1xi1>
    %ge3A_757 = arith.constant 0 : i32
    %ge3A_758 = vector.broadcast %ge3A_757 : i32 to vector<4096x1xi32>
    %ge3A_759 = arith.cmpi sge, %add3A_749, %ge3A_758 : vector<4096x1xi32>
    %and3A_760 = arith.andi %and3A_756, %ge3A_759 : vector<4096x1xi1>
    %lt3A_761 = arith.constant 64 : i32
    %lt3A_762 = vector.broadcast %lt3A_761 : i32 to vector<4096x1xi32>
    %lt3A_763 = arith.cmpi slt, %add3A_749, %lt3A_762 : vector<4096x1xi32>
    %and3A_764 = arith.andi %and3A_760, %lt3A_763 : vector<4096x1xi1>
    %broadcast_in_dim3A_765 = arith.constant 0.000000e+00 : f32
    %broadcast_in_dim3A_766 = vector.broadcast %broadcast_in_dim3A_765 : f32 to vector<64x16xf32>
    %slice3A_767 = vector.extract_strided_slice %transpose3A {offsets = [64, 0], sizes = [4032, 16], strides = [1, 1]} : vector<4096x16xf32> to vector<4032x16xf32>
    %concatenate3A_768 = tpu.concatenate %slice3A_767, %broadcast_in_dim3A_766 in 0 : vector<4032x16xf32>, vector<64x16xf32> -> vector<4096x16xf32>
    %jit3A_769 = arith.constant 0.000000e+00 : f32
    %broadcast_in_dim3A_770 = vector.shape_cast %and3A_764 : vector<4096x1xi1> to vector<4096x1xi1>
    %broadcast_in_dim3A_771 = vector.broadcast %broadcast_in_dim3A_770 : vector<4096x1xi1> to vector<4096x16xi1>
    %broadcast_in_dim3A_772 = vector.broadcast %jit3A_769 : f32 to vector<4096x16xf32>
    %select_n3A_773 = arith.select %broadcast_in_dim3A_771, %concatenate3A_768, %broadcast_in_dim3A_772 : vector<4096x16xi1>, vector<4096x16xf32>
    %get3A_774 = arith.constant 112 : index
    %get3A_775 = arith.constant 0 : index
    %get3A_776 = vector.load %arg1[%get3A_774, %get3A_775] : memref<144x16xf32, #tpu.memory_space<vmem>>, vector<16x16xf32>
    %dot_general3A_777 = arith.constant dense<0.000000e+00> : vector<4096x16xf32>
    %dot_general3A_778 = tpu.matmul %select_n3A_773, %get3A_776, %dot_general3A_777 {dimension_numbers = #tpu.dot_dimension_numbers<[1], [0], [0], [1], [0, 0, 1, 1], [], []>, transpose_lhs_hint = false} : vector<4096x16xf32>, vector<16x16xf32>, vector<4096x16xf32> -> vector<4096x16xf32>
    %add3A_779 = arith.addf %add3A_743, %dot_general3A_778 : vector<4096x16xf32>
    %add3A_780 = arith.constant 1 : i32
    %add3A_781 = vector.broadcast %add3A_780 : i32 to vector<4096x1xi32>
    %add3A_782 = arith.addi %shift_right_logical3A_11, %add3A_781 : vector<4096x1xi32>
    %add3A_783 = arith.constant 1 : i32
    %add3A_784 = vector.broadcast %add3A_783 : i32 to vector<4096x1xi32>
    %add3A_785 = arith.addi %and3A_14, %add3A_784 : vector<4096x1xi32>
    %ge3A_786 = arith.constant 0 : i32
    %ge3A_787 = vector.broadcast %ge3A_786 : i32 to vector<4096x1xi32>
    %ge3A_788 = arith.cmpi sge, %add3A_782, %ge3A_787 : vector<4096x1xi32>
    %lt3A_789 = arith.constant 64 : i32
    %lt3A_790 = vector.broadcast %lt3A_789 : i32 to vector<4096x1xi32>
    %lt3A_791 = arith.cmpi slt, %add3A_782, %lt3A_790 : vector<4096x1xi32>
    %and3A_792 = arith.andi %ge3A_788, %lt3A_791 : vector<4096x1xi1>
    %ge3A_793 = arith.constant 0 : i32
    %ge3A_794 = vector.broadcast %ge3A_793 : i32 to vector<4096x1xi32>
    %ge3A_795 = arith.cmpi sge, %add3A_785, %ge3A_794 : vector<4096x1xi32>
    %and3A_796 = arith.andi %and3A_792, %ge3A_795 : vector<4096x1xi1>
    %lt3A_797 = arith.constant 64 : i32
    %lt3A_798 = vector.broadcast %lt3A_797 : i32 to vector<4096x1xi32>
    %lt3A_799 = arith.cmpi slt, %add3A_785, %lt3A_798 : vector<4096x1xi32>
    %and3A_800 = arith.andi %and3A_796, %lt3A_799 : vector<4096x1xi1>
    %broadcast_in_dim3A_801 = arith.constant 0.000000e+00 : f32
    %broadcast_in_dim3A_802 = vector.broadcast %broadcast_in_dim3A_801 : f32 to vector<65x16xf32>
    %slice3A_803 = vector.extract_strided_slice %transpose3A {offsets = [65, 0], sizes = [4031, 16], strides = [1, 1]} : vector<4096x16xf32> to vector<4031x16xf32>
    %concatenate3A_804 = tpu.concatenate %slice3A_803, %broadcast_in_dim3A_802 in 0 : vector<4031x16xf32>, vector<65x16xf32> -> vector<4096x16xf32>
    %jit3A_805 = arith.constant 0.000000e+00 : f32
    %broadcast_in_dim3A_806 = vector.shape_cast %and3A_800 : vector<4096x1xi1> to vector<4096x1xi1>
    %broadcast_in_dim3A_807 = vector.broadcast %broadcast_in_dim3A_806 : vector<4096x1xi1> to vector<4096x16xi1>
    %broadcast_in_dim3A_808 = vector.broadcast %jit3A_805 : f32 to vector<4096x16xf32>
    %select_n3A_809 = arith.select %broadcast_in_dim3A_807, %concatenate3A_804, %broadcast_in_dim3A_808 : vector<4096x16xi1>, vector<4096x16xf32>
    %get3A_810 = arith.constant 128 : index
    %get3A_811 = arith.constant 0 : index
    %get3A_812 = vector.load %arg1[%get3A_810, %get3A_811] : memref<144x16xf32, #tpu.memory_space<vmem>>, vector<16x16xf32>
    %dot_general3A_813 = arith.constant dense<0.000000e+00> : vector<4096x16xf32>
    %dot_general3A_814 = tpu.matmul %select_n3A_809, %get3A_812, %dot_general3A_813 {dimension_numbers = #tpu.dot_dimension_numbers<[1], [0], [0], [1], [0, 0, 1, 1], [], []>, transpose_lhs_hint = false} : vector<4096x16xf32>, vector<16x16xf32>, vector<4096x16xf32> -> vector<4096x16xf32>
    %add3A_815 = arith.addf %add3A_779, %dot_general3A_814 : vector<4096x16xf32>
    %max3A_816 = arith.constant 0.000000e+00 : f32
    %max3A_817 = vector.broadcast %max3A_816 : f32 to vector<4096x16xf32>
    %max3A_818 = arith.maximumf %add3A_815, %max3A_817 : vector<4096x16xf32>
    %broadcast_in_dim3A_819 = arith.constant 0.000000e+00 : f32
    %broadcast_in_dim3A_820 = vector.broadcast %broadcast_in_dim3A_819 : f32 to vector<4096x16xf32>
    %get3A_821 = arith.constant 0 : index
    %get3A_822 = arith.constant 0 : index
    %get3A_823 = vector.load %arg4[%get3A_821, %get3A_822] : memref<1x16xf32, #tpu.memory_space<vmem>>, vector<1x16xf32>
    %add3A_824 = vector.broadcast %get3A_823 : vector<1x16xf32> to vector<4096x16xf32>
    %add3A_825 = arith.addf %broadcast_in_dim3A_820, %add3A_824 : vector<4096x16xf32>
    %add3A_826 = arith.constant -1 : i32
    %add3A_827 = vector.broadcast %add3A_826 : i32 to vector<4096x1xi32>
    %add3A_828 = arith.addi %shift_right_logical3A_11, %add3A_827 : vector<4096x1xi32>
    %add3A_829 = arith.constant -1 : i32
    %add3A_830 = vector.broadcast %add3A_829 : i32 to vector<4096x1xi32>
    %add3A_831 = arith.addi %and3A_14, %add3A_830 : vector<4096x1xi32>
    %ge3A_832 = arith.constant 0 : i32
    %ge3A_833 = vector.broadcast %ge3A_832 : i32 to vector<4096x1xi32>
    %ge3A_834 = arith.cmpi sge, %add3A_828, %ge3A_833 : vector<4096x1xi32>
    %lt3A_835 = arith.constant 64 : i32
    %lt3A_836 = vector.broadcast %lt3A_835 : i32 to vector<4096x1xi32>
    %lt3A_837 = arith.cmpi slt, %add3A_828, %lt3A_836 : vector<4096x1xi32>
    %and3A_838 = arith.andi %ge3A_834, %lt3A_837 : vector<4096x1xi1>
    %ge3A_839 = arith.constant 0 : i32
    %ge3A_840 = vector.broadcast %ge3A_839 : i32 to vector<4096x1xi32>
    %ge3A_841 = arith.cmpi sge, %add3A_831, %ge3A_840 : vector<4096x1xi32>
    %and3A_842 = arith.andi %and3A_838, %ge3A_841 : vector<4096x1xi1>
    %lt3A_843 = arith.constant 64 : i32
    %lt3A_844 = vector.broadcast %lt3A_843 : i32 to vector<4096x1xi32>
    %lt3A_845 = arith.cmpi slt, %add3A_831, %lt3A_844 : vector<4096x1xi32>
    %and3A_846 = arith.andi %and3A_842, %lt3A_845 : vector<4096x1xi1>
    %broadcast_in_dim3A_847 = arith.constant 0.000000e+00 : f32
    %broadcast_in_dim3A_848 = vector.broadcast %broadcast_in_dim3A_847 : f32 to vector<65x16xf32>
    %slice3A_849 = vector.extract_strided_slice %max3A_818 {offsets = [0, 0], sizes = [4031, 16], strides = [1, 1]} : vector<4096x16xf32> to vector<4031x16xf32>
    %concatenate3A_850 = tpu.concatenate %broadcast_in_dim3A_848, %slice3A_849 in 0 : vector<65x16xf32>, vector<4031x16xf32> -> vector<4096x16xf32>
    %jit3A_851 = arith.constant 0.000000e+00 : f32
    %broadcast_in_dim3A_852 = vector.shape_cast %and3A_846 : vector<4096x1xi1> to vector<4096x1xi1>
    %broadcast_in_dim3A_853 = vector.broadcast %broadcast_in_dim3A_852 : vector<4096x1xi1> to vector<4096x16xi1>
    %broadcast_in_dim3A_854 = vector.broadcast %jit3A_851 : f32 to vector<4096x16xf32>
    %select_n3A_855 = arith.select %broadcast_in_dim3A_853, %concatenate3A_850, %broadcast_in_dim3A_854 : vector<4096x16xi1>, vector<4096x16xf32>
    %get3A_856 = arith.constant 0 : index
    %get3A_857 = arith.constant 0 : index
    %get3A_858 = vector.load %arg3[%get3A_856, %get3A_857] : memref<144x16xf32, #tpu.memory_space<vmem>>, vector<16x16xf32>
    %dot_general3A_859 = arith.constant dense<0.000000e+00> : vector<4096x16xf32>
    %dot_general3A_860 = tpu.matmul %select_n3A_855, %get3A_858, %dot_general3A_859 {dimension_numbers = #tpu.dot_dimension_numbers<[1], [0], [0], [1], [0, 0, 1, 1], [], []>, transpose_lhs_hint = false} : vector<4096x16xf32>, vector<16x16xf32>, vector<4096x16xf32> -> vector<4096x16xf32>
    %add3A_861 = arith.addf %add3A_825, %dot_general3A_860 : vector<4096x16xf32>
    %add3A_862 = arith.constant -1 : i32
    %add3A_863 = vector.broadcast %add3A_862 : i32 to vector<4096x1xi32>
    %add3A_864 = arith.addi %shift_right_logical3A_11, %add3A_863 : vector<4096x1xi32>
    %add3A_865 = arith.constant 0 : i32
    %add3A_866 = vector.broadcast %add3A_865 : i32 to vector<4096x1xi32>
    %add3A_867 = arith.addi %and3A_14, %add3A_866 : vector<4096x1xi32>
    %ge3A_868 = arith.constant 0 : i32
    %ge3A_869 = vector.broadcast %ge3A_868 : i32 to vector<4096x1xi32>
    %ge3A_870 = arith.cmpi sge, %add3A_864, %ge3A_869 : vector<4096x1xi32>
    %lt3A_871 = arith.constant 64 : i32
    %lt3A_872 = vector.broadcast %lt3A_871 : i32 to vector<4096x1xi32>
    %lt3A_873 = arith.cmpi slt, %add3A_864, %lt3A_872 : vector<4096x1xi32>
    %and3A_874 = arith.andi %ge3A_870, %lt3A_873 : vector<4096x1xi1>
    %ge3A_875 = arith.constant 0 : i32
    %ge3A_876 = vector.broadcast %ge3A_875 : i32 to vector<4096x1xi32>
    %ge3A_877 = arith.cmpi sge, %add3A_867, %ge3A_876 : vector<4096x1xi32>
    %and3A_878 = arith.andi %and3A_874, %ge3A_877 : vector<4096x1xi1>
    %lt3A_879 = arith.constant 64 : i32
    %lt3A_880 = vector.broadcast %lt3A_879 : i32 to vector<4096x1xi32>
    %lt3A_881 = arith.cmpi slt, %add3A_867, %lt3A_880 : vector<4096x1xi32>
    %and3A_882 = arith.andi %and3A_878, %lt3A_881 : vector<4096x1xi1>
    %broadcast_in_dim3A_883 = arith.constant 0.000000e+00 : f32
    %broadcast_in_dim3A_884 = vector.broadcast %broadcast_in_dim3A_883 : f32 to vector<64x16xf32>
    %slice3A_885 = vector.extract_strided_slice %max3A_818 {offsets = [0, 0], sizes = [4032, 16], strides = [1, 1]} : vector<4096x16xf32> to vector<4032x16xf32>
    %concatenate3A_886 = tpu.concatenate %broadcast_in_dim3A_884, %slice3A_885 in 0 : vector<64x16xf32>, vector<4032x16xf32> -> vector<4096x16xf32>
    %jit3A_887 = arith.constant 0.000000e+00 : f32
    %broadcast_in_dim3A_888 = vector.shape_cast %and3A_882 : vector<4096x1xi1> to vector<4096x1xi1>
    %broadcast_in_dim3A_889 = vector.broadcast %broadcast_in_dim3A_888 : vector<4096x1xi1> to vector<4096x16xi1>
    %broadcast_in_dim3A_890 = vector.broadcast %jit3A_887 : f32 to vector<4096x16xf32>
    %select_n3A_891 = arith.select %broadcast_in_dim3A_889, %concatenate3A_886, %broadcast_in_dim3A_890 : vector<4096x16xi1>, vector<4096x16xf32>
    %get3A_892 = arith.constant 16 : index
    %get3A_893 = arith.constant 0 : index
    %get3A_894 = vector.load %arg3[%get3A_892, %get3A_893] : memref<144x16xf32, #tpu.memory_space<vmem>>, vector<16x16xf32>
    %dot_general3A_895 = arith.constant dense<0.000000e+00> : vector<4096x16xf32>
    %dot_general3A_896 = tpu.matmul %select_n3A_891, %get3A_894, %dot_general3A_895 {dimension_numbers = #tpu.dot_dimension_numbers<[1], [0], [0], [1], [0, 0, 1, 1], [], []>, transpose_lhs_hint = false} : vector<4096x16xf32>, vector<16x16xf32>, vector<4096x16xf32> -> vector<4096x16xf32>
    %add3A_897 = arith.addf %add3A_861, %dot_general3A_896 : vector<4096x16xf32>
    %add3A_898 = arith.constant -1 : i32
    %add3A_899 = vector.broadcast %add3A_898 : i32 to vector<4096x1xi32>
    %add3A_900 = arith.addi %shift_right_logical3A_11, %add3A_899 : vector<4096x1xi32>
    %add3A_901 = arith.constant 1 : i32
    %add3A_902 = vector.broadcast %add3A_901 : i32 to vector<4096x1xi32>
    %add3A_903 = arith.addi %and3A_14, %add3A_902 : vector<4096x1xi32>
    %ge3A_904 = arith.constant 0 : i32
    %ge3A_905 = vector.broadcast %ge3A_904 : i32 to vector<4096x1xi32>
    %ge3A_906 = arith.cmpi sge, %add3A_900, %ge3A_905 : vector<4096x1xi32>
    %lt3A_907 = arith.constant 64 : i32
    %lt3A_908 = vector.broadcast %lt3A_907 : i32 to vector<4096x1xi32>
    %lt3A_909 = arith.cmpi slt, %add3A_900, %lt3A_908 : vector<4096x1xi32>
    %and3A_910 = arith.andi %ge3A_906, %lt3A_909 : vector<4096x1xi1>
    %ge3A_911 = arith.constant 0 : i32
    %ge3A_912 = vector.broadcast %ge3A_911 : i32 to vector<4096x1xi32>
    %ge3A_913 = arith.cmpi sge, %add3A_903, %ge3A_912 : vector<4096x1xi32>
    %and3A_914 = arith.andi %and3A_910, %ge3A_913 : vector<4096x1xi1>
    %lt3A_915 = arith.constant 64 : i32
    %lt3A_916 = vector.broadcast %lt3A_915 : i32 to vector<4096x1xi32>
    %lt3A_917 = arith.cmpi slt, %add3A_903, %lt3A_916 : vector<4096x1xi32>
    %and3A_918 = arith.andi %and3A_914, %lt3A_917 : vector<4096x1xi1>
    %broadcast_in_dim3A_919 = arith.constant 0.000000e+00 : f32
    %broadcast_in_dim3A_920 = vector.broadcast %broadcast_in_dim3A_919 : f32 to vector<63x16xf32>
    %slice3A_921 = vector.extract_strided_slice %max3A_818 {offsets = [0, 0], sizes = [4033, 16], strides = [1, 1]} : vector<4096x16xf32> to vector<4033x16xf32>
    %concatenate3A_922 = tpu.concatenate %broadcast_in_dim3A_920, %slice3A_921 in 0 : vector<63x16xf32>, vector<4033x16xf32> -> vector<4096x16xf32>
    %jit3A_923 = arith.constant 0.000000e+00 : f32
    %broadcast_in_dim3A_924 = vector.shape_cast %and3A_918 : vector<4096x1xi1> to vector<4096x1xi1>
    %broadcast_in_dim3A_925 = vector.broadcast %broadcast_in_dim3A_924 : vector<4096x1xi1> to vector<4096x16xi1>
    %broadcast_in_dim3A_926 = vector.broadcast %jit3A_923 : f32 to vector<4096x16xf32>
    %select_n3A_927 = arith.select %broadcast_in_dim3A_925, %concatenate3A_922, %broadcast_in_dim3A_926 : vector<4096x16xi1>, vector<4096x16xf32>
    %get3A_928 = arith.constant 32 : index
    %get3A_929 = arith.constant 0 : index
    %get3A_930 = vector.load %arg3[%get3A_928, %get3A_929] : memref<144x16xf32, #tpu.memory_space<vmem>>, vector<16x16xf32>
    %dot_general3A_931 = arith.constant dense<0.000000e+00> : vector<4096x16xf32>
    %dot_general3A_932 = tpu.matmul %select_n3A_927, %get3A_930, %dot_general3A_931 {dimension_numbers = #tpu.dot_dimension_numbers<[1], [0], [0], [1], [0, 0, 1, 1], [], []>, transpose_lhs_hint = false} : vector<4096x16xf32>, vector<16x16xf32>, vector<4096x16xf32> -> vector<4096x16xf32>
    %add3A_933 = arith.addf %add3A_897, %dot_general3A_932 : vector<4096x16xf32>
    %add3A_934 = arith.constant 0 : i32
    %add3A_935 = vector.broadcast %add3A_934 : i32 to vector<4096x1xi32>
    %add3A_936 = arith.addi %shift_right_logical3A_11, %add3A_935 : vector<4096x1xi32>
    %add3A_937 = arith.constant -1 : i32
    %add3A_938 = vector.broadcast %add3A_937 : i32 to vector<4096x1xi32>
    %add3A_939 = arith.addi %and3A_14, %add3A_938 : vector<4096x1xi32>
    %ge3A_940 = arith.constant 0 : i32
    %ge3A_941 = vector.broadcast %ge3A_940 : i32 to vector<4096x1xi32>
    %ge3A_942 = arith.cmpi sge, %add3A_936, %ge3A_941 : vector<4096x1xi32>
    %lt3A_943 = arith.constant 64 : i32
    %lt3A_944 = vector.broadcast %lt3A_943 : i32 to vector<4096x1xi32>
    %lt3A_945 = arith.cmpi slt, %add3A_936, %lt3A_944 : vector<4096x1xi32>
    %and3A_946 = arith.andi %ge3A_942, %lt3A_945 : vector<4096x1xi1>
    %ge3A_947 = arith.constant 0 : i32
    %ge3A_948 = vector.broadcast %ge3A_947 : i32 to vector<4096x1xi32>
    %ge3A_949 = arith.cmpi sge, %add3A_939, %ge3A_948 : vector<4096x1xi32>
    %and3A_950 = arith.andi %and3A_946, %ge3A_949 : vector<4096x1xi1>
    %lt3A_951 = arith.constant 64 : i32
    %lt3A_952 = vector.broadcast %lt3A_951 : i32 to vector<4096x1xi32>
    %lt3A_953 = arith.cmpi slt, %add3A_939, %lt3A_952 : vector<4096x1xi32>
    %and3A_954 = arith.andi %and3A_950, %lt3A_953 : vector<4096x1xi1>
    %broadcast_in_dim3A_955 = arith.constant 0.000000e+00 : f32
    %broadcast_in_dim3A_956 = vector.broadcast %broadcast_in_dim3A_955 : f32 to vector<1x16xf32>
    %slice3A_957 = vector.extract_strided_slice %max3A_818 {offsets = [0, 0], sizes = [4095, 16], strides = [1, 1]} : vector<4096x16xf32> to vector<4095x16xf32>
    %concatenate3A_958 = tpu.concatenate %broadcast_in_dim3A_956, %slice3A_957 in 0 : vector<1x16xf32>, vector<4095x16xf32> -> vector<4096x16xf32>
    %jit3A_959 = arith.constant 0.000000e+00 : f32
    %broadcast_in_dim3A_960 = vector.shape_cast %and3A_954 : vector<4096x1xi1> to vector<4096x1xi1>
    %broadcast_in_dim3A_961 = vector.broadcast %broadcast_in_dim3A_960 : vector<4096x1xi1> to vector<4096x16xi1>
    %broadcast_in_dim3A_962 = vector.broadcast %jit3A_959 : f32 to vector<4096x16xf32>
    %select_n3A_963 = arith.select %broadcast_in_dim3A_961, %concatenate3A_958, %broadcast_in_dim3A_962 : vector<4096x16xi1>, vector<4096x16xf32>
    %get3A_964 = arith.constant 48 : index
    %get3A_965 = arith.constant 0 : index
    %get3A_966 = vector.load %arg3[%get3A_964, %get3A_965] : memref<144x16xf32, #tpu.memory_space<vmem>>, vector<16x16xf32>
    %dot_general3A_967 = arith.constant dense<0.000000e+00> : vector<4096x16xf32>
    %dot_general3A_968 = tpu.matmul %select_n3A_963, %get3A_966, %dot_general3A_967 {dimension_numbers = #tpu.dot_dimension_numbers<[1], [0], [0], [1], [0, 0, 1, 1], [], []>, transpose_lhs_hint = false} : vector<4096x16xf32>, vector<16x16xf32>, vector<4096x16xf32> -> vector<4096x16xf32>
    %add3A_969 = arith.addf %add3A_933, %dot_general3A_968 : vector<4096x16xf32>
    %add3A_970 = arith.constant 0 : i32
    %add3A_971 = vector.broadcast %add3A_970 : i32 to vector<4096x1xi32>
    %add3A_972 = arith.addi %shift_right_logical3A_11, %add3A_971 : vector<4096x1xi32>
    %add3A_973 = arith.constant 0 : i32
    %add3A_974 = vector.broadcast %add3A_973 : i32 to vector<4096x1xi32>
    %add3A_975 = arith.addi %and3A_14, %add3A_974 : vector<4096x1xi32>
    %ge3A_976 = arith.constant 0 : i32
    %ge3A_977 = vector.broadcast %ge3A_976 : i32 to vector<4096x1xi32>
    %ge3A_978 = arith.cmpi sge, %add3A_972, %ge3A_977 : vector<4096x1xi32>
    %lt3A_979 = arith.constant 64 : i32
    %lt3A_980 = vector.broadcast %lt3A_979 : i32 to vector<4096x1xi32>
    %lt3A_981 = arith.cmpi slt, %add3A_972, %lt3A_980 : vector<4096x1xi32>
    %and3A_982 = arith.andi %ge3A_978, %lt3A_981 : vector<4096x1xi1>
    %ge3A_983 = arith.constant 0 : i32
    %ge3A_984 = vector.broadcast %ge3A_983 : i32 to vector<4096x1xi32>
    %ge3A_985 = arith.cmpi sge, %add3A_975, %ge3A_984 : vector<4096x1xi32>
    %and3A_986 = arith.andi %and3A_982, %ge3A_985 : vector<4096x1xi1>
    %lt3A_987 = arith.constant 64 : i32
    %lt3A_988 = vector.broadcast %lt3A_987 : i32 to vector<4096x1xi32>
    %lt3A_989 = arith.cmpi slt, %add3A_975, %lt3A_988 : vector<4096x1xi32>
    %and3A_990 = arith.andi %and3A_986, %lt3A_989 : vector<4096x1xi1>
    %jit3A_991 = arith.constant 0.000000e+00 : f32
    %broadcast_in_dim3A_992 = vector.shape_cast %and3A_990 : vector<4096x1xi1> to vector<4096x1xi1>
    %broadcast_in_dim3A_993 = vector.broadcast %broadcast_in_dim3A_992 : vector<4096x1xi1> to vector<4096x16xi1>
    %broadcast_in_dim3A_994 = vector.broadcast %jit3A_991 : f32 to vector<4096x16xf32>
    %select_n3A_995 = arith.select %broadcast_in_dim3A_993, %max3A_818, %broadcast_in_dim3A_994 : vector<4096x16xi1>, vector<4096x16xf32>
    %get3A_996 = arith.constant 64 : index
    %get3A_997 = arith.constant 0 : index
    %get3A_998 = vector.load %arg3[%get3A_996, %get3A_997] : memref<144x16xf32, #tpu.memory_space<vmem>>, vector<16x16xf32>
    %dot_general3A_999 = arith.constant dense<0.000000e+00> : vector<4096x16xf32>
    %dot_general3A_1000 = tpu.matmul %select_n3A_995, %get3A_998, %dot_general3A_999 {dimension_numbers = #tpu.dot_dimension_numbers<[1], [0], [0], [1], [0, 0, 1, 1], [], []>, transpose_lhs_hint = false} : vector<4096x16xf32>, vector<16x16xf32>, vector<4096x16xf32> -> vector<4096x16xf32>
    %add3A_1001 = arith.addf %add3A_969, %dot_general3A_1000 : vector<4096x16xf32>
    %add3A_1002 = arith.constant 0 : i32
    %add3A_1003 = vector.broadcast %add3A_1002 : i32 to vector<4096x1xi32>
    %add3A_1004 = arith.addi %shift_right_logical3A_11, %add3A_1003 : vector<4096x1xi32>
    %add3A_1005 = arith.constant 1 : i32
    %add3A_1006 = vector.broadcast %add3A_1005 : i32 to vector<4096x1xi32>
    %add3A_1007 = arith.addi %and3A_14, %add3A_1006 : vector<4096x1xi32>
    %ge3A_1008 = arith.constant 0 : i32
    %ge3A_1009 = vector.broadcast %ge3A_1008 : i32 to vector<4096x1xi32>
    %ge3A_1010 = arith.cmpi sge, %add3A_1004, %ge3A_1009 : vector<4096x1xi32>
    %lt3A_1011 = arith.constant 64 : i32
    %lt3A_1012 = vector.broadcast %lt3A_1011 : i32 to vector<4096x1xi32>
    %lt3A_1013 = arith.cmpi slt, %add3A_1004, %lt3A_1012 : vector<4096x1xi32>
    %and3A_1014 = arith.andi %ge3A_1010, %lt3A_1013 : vector<4096x1xi1>
    %ge3A_1015 = arith.constant 0 : i32
    %ge3A_1016 = vector.broadcast %ge3A_1015 : i32 to vector<4096x1xi32>
    %ge3A_1017 = arith.cmpi sge, %add3A_1007, %ge3A_1016 : vector<4096x1xi32>
    %and3A_1018 = arith.andi %and3A_1014, %ge3A_1017 : vector<4096x1xi1>
    %lt3A_1019 = arith.constant 64 : i32
    %lt3A_1020 = vector.broadcast %lt3A_1019 : i32 to vector<4096x1xi32>
    %lt3A_1021 = arith.cmpi slt, %add3A_1007, %lt3A_1020 : vector<4096x1xi32>
    %and3A_1022 = arith.andi %and3A_1018, %lt3A_1021 : vector<4096x1xi1>
    %broadcast_in_dim3A_1023 = arith.constant 0.000000e+00 : f32
    %broadcast_in_dim3A_1024 = vector.broadcast %broadcast_in_dim3A_1023 : f32 to vector<1x16xf32>
    %slice3A_1025 = vector.extract_strided_slice %max3A_818 {offsets = [1, 0], sizes = [4095, 16], strides = [1, 1]} : vector<4096x16xf32> to vector<4095x16xf32>
    %concatenate3A_1026 = tpu.concatenate %slice3A_1025, %broadcast_in_dim3A_1024 in 0 : vector<4095x16xf32>, vector<1x16xf32> -> vector<4096x16xf32>
    %jit3A_1027 = arith.constant 0.000000e+00 : f32
    %broadcast_in_dim3A_1028 = vector.shape_cast %and3A_1022 : vector<4096x1xi1> to vector<4096x1xi1>
    %broadcast_in_dim3A_1029 = vector.broadcast %broadcast_in_dim3A_1028 : vector<4096x1xi1> to vector<4096x16xi1>
    %broadcast_in_dim3A_1030 = vector.broadcast %jit3A_1027 : f32 to vector<4096x16xf32>
    %select_n3A_1031 = arith.select %broadcast_in_dim3A_1029, %concatenate3A_1026, %broadcast_in_dim3A_1030 : vector<4096x16xi1>, vector<4096x16xf32>
    %get3A_1032 = arith.constant 80 : index
    %get3A_1033 = arith.constant 0 : index
    %get3A_1034 = vector.load %arg3[%get3A_1032, %get3A_1033] : memref<144x16xf32, #tpu.memory_space<vmem>>, vector<16x16xf32>
    %dot_general3A_1035 = arith.constant dense<0.000000e+00> : vector<4096x16xf32>
    %dot_general3A_1036 = tpu.matmul %select_n3A_1031, %get3A_1034, %dot_general3A_1035 {dimension_numbers = #tpu.dot_dimension_numbers<[1], [0], [0], [1], [0, 0, 1, 1], [], []>, transpose_lhs_hint = false} : vector<4096x16xf32>, vector<16x16xf32>, vector<4096x16xf32> -> vector<4096x16xf32>
    %add3A_1037 = arith.addf %add3A_1001, %dot_general3A_1036 : vector<4096x16xf32>
    %add3A_1038 = arith.constant 1 : i32
    %add3A_1039 = vector.broadcast %add3A_1038 : i32 to vector<4096x1xi32>
    %add3A_1040 = arith.addi %shift_right_logical3A_11, %add3A_1039 : vector<4096x1xi32>
    %add3A_1041 = arith.constant -1 : i32
    %add3A_1042 = vector.broadcast %add3A_1041 : i32 to vector<4096x1xi32>
    %add3A_1043 = arith.addi %and3A_14, %add3A_1042 : vector<4096x1xi32>
    %ge3A_1044 = arith.constant 0 : i32
    %ge3A_1045 = vector.broadcast %ge3A_1044 : i32 to vector<4096x1xi32>
    %ge3A_1046 = arith.cmpi sge, %add3A_1040, %ge3A_1045 : vector<4096x1xi32>
    %lt3A_1047 = arith.constant 64 : i32
    %lt3A_1048 = vector.broadcast %lt3A_1047 : i32 to vector<4096x1xi32>
    %lt3A_1049 = arith.cmpi slt, %add3A_1040, %lt3A_1048 : vector<4096x1xi32>
    %and3A_1050 = arith.andi %ge3A_1046, %lt3A_1049 : vector<4096x1xi1>
    %ge3A_1051 = arith.constant 0 : i32
    %ge3A_1052 = vector.broadcast %ge3A_1051 : i32 to vector<4096x1xi32>
    %ge3A_1053 = arith.cmpi sge, %add3A_1043, %ge3A_1052 : vector<4096x1xi32>
    %and3A_1054 = arith.andi %and3A_1050, %ge3A_1053 : vector<4096x1xi1>
    %lt3A_1055 = arith.constant 64 : i32
    %lt3A_1056 = vector.broadcast %lt3A_1055 : i32 to vector<4096x1xi32>
    %lt3A_1057 = arith.cmpi slt, %add3A_1043, %lt3A_1056 : vector<4096x1xi32>
    %and3A_1058 = arith.andi %and3A_1054, %lt3A_1057 : vector<4096x1xi1>
    %broadcast_in_dim3A_1059 = arith.constant 0.000000e+00 : f32
    %broadcast_in_dim3A_1060 = vector.broadcast %broadcast_in_dim3A_1059 : f32 to vector<63x16xf32>
    %slice3A_1061 = vector.extract_strided_slice %max3A_818 {offsets = [63, 0], sizes = [4033, 16], strides = [1, 1]} : vector<4096x16xf32> to vector<4033x16xf32>
    %concatenate3A_1062 = tpu.concatenate %slice3A_1061, %broadcast_in_dim3A_1060 in 0 : vector<4033x16xf32>, vector<63x16xf32> -> vector<4096x16xf32>
    %jit3A_1063 = arith.constant 0.000000e+00 : f32
    %broadcast_in_dim3A_1064 = vector.shape_cast %and3A_1058 : vector<4096x1xi1> to vector<4096x1xi1>
    %broadcast_in_dim3A_1065 = vector.broadcast %broadcast_in_dim3A_1064 : vector<4096x1xi1> to vector<4096x16xi1>
    %broadcast_in_dim3A_1066 = vector.broadcast %jit3A_1063 : f32 to vector<4096x16xf32>
    %select_n3A_1067 = arith.select %broadcast_in_dim3A_1065, %concatenate3A_1062, %broadcast_in_dim3A_1066 : vector<4096x16xi1>, vector<4096x16xf32>
    %get3A_1068 = arith.constant 96 : index
    %get3A_1069 = arith.constant 0 : index
    %get3A_1070 = vector.load %arg3[%get3A_1068, %get3A_1069] : memref<144x16xf32, #tpu.memory_space<vmem>>, vector<16x16xf32>
    %dot_general3A_1071 = arith.constant dense<0.000000e+00> : vector<4096x16xf32>
    %dot_general3A_1072 = tpu.matmul %select_n3A_1067, %get3A_1070, %dot_general3A_1071 {dimension_numbers = #tpu.dot_dimension_numbers<[1], [0], [0], [1], [0, 0, 1, 1], [], []>, transpose_lhs_hint = false} : vector<4096x16xf32>, vector<16x16xf32>, vector<4096x16xf32> -> vector<4096x16xf32>
    %add3A_1073 = arith.addf %add3A_1037, %dot_general3A_1072 : vector<4096x16xf32>
    %add3A_1074 = arith.constant 1 : i32
    %add3A_1075 = vector.broadcast %add3A_1074 : i32 to vector<4096x1xi32>
    %add3A_1076 = arith.addi %shift_right_logical3A_11, %add3A_1075 : vector<4096x1xi32>
    %add3A_1077 = arith.constant 0 : i32
    %add3A_1078 = vector.broadcast %add3A_1077 : i32 to vector<4096x1xi32>
    %add3A_1079 = arith.addi %and3A_14, %add3A_1078 : vector<4096x1xi32>
    %ge3A_1080 = arith.constant 0 : i32
    %ge3A_1081 = vector.broadcast %ge3A_1080 : i32 to vector<4096x1xi32>
    %ge3A_1082 = arith.cmpi sge, %add3A_1076, %ge3A_1081 : vector<4096x1xi32>
    %lt3A_1083 = arith.constant 64 : i32
    %lt3A_1084 = vector.broadcast %lt3A_1083 : i32 to vector<4096x1xi32>
    %lt3A_1085 = arith.cmpi slt, %add3A_1076, %lt3A_1084 : vector<4096x1xi32>
    %and3A_1086 = arith.andi %ge3A_1082, %lt3A_1085 : vector<4096x1xi1>
    %ge3A_1087 = arith.constant 0 : i32
    %ge3A_1088 = vector.broadcast %ge3A_1087 : i32 to vector<4096x1xi32>
    %ge3A_1089 = arith.cmpi sge, %add3A_1079, %ge3A_1088 : vector<4096x1xi32>
    %and3A_1090 = arith.andi %and3A_1086, %ge3A_1089 : vector<4096x1xi1>
    %lt3A_1091 = arith.constant 64 : i32
    %lt3A_1092 = vector.broadcast %lt3A_1091 : i32 to vector<4096x1xi32>
    %lt3A_1093 = arith.cmpi slt, %add3A_1079, %lt3A_1092 : vector<4096x1xi32>
    %and3A_1094 = arith.andi %and3A_1090, %lt3A_1093 : vector<4096x1xi1>
    %broadcast_in_dim3A_1095 = arith.constant 0.000000e+00 : f32
    %broadcast_in_dim3A_1096 = vector.broadcast %broadcast_in_dim3A_1095 : f32 to vector<64x16xf32>
    %slice3A_1097 = vector.extract_strided_slice %max3A_818 {offsets = [64, 0], sizes = [4032, 16], strides = [1, 1]} : vector<4096x16xf32> to vector<4032x16xf32>
    %concatenate3A_1098 = tpu.concatenate %slice3A_1097, %broadcast_in_dim3A_1096 in 0 : vector<4032x16xf32>, vector<64x16xf32> -> vector<4096x16xf32>
    %jit3A_1099 = arith.constant 0.000000e+00 : f32
    %broadcast_in_dim3A_1100 = vector.shape_cast %and3A_1094 : vector<4096x1xi1> to vector<4096x1xi1>
    %broadcast_in_dim3A_1101 = vector.broadcast %broadcast_in_dim3A_1100 : vector<4096x1xi1> to vector<4096x16xi1>
    %broadcast_in_dim3A_1102 = vector.broadcast %jit3A_1099 : f32 to vector<4096x16xf32>
    %select_n3A_1103 = arith.select %broadcast_in_dim3A_1101, %concatenate3A_1098, %broadcast_in_dim3A_1102 : vector<4096x16xi1>, vector<4096x16xf32>
    %get3A_1104 = arith.constant 112 : index
    %get3A_1105 = arith.constant 0 : index
    %get3A_1106 = vector.load %arg3[%get3A_1104, %get3A_1105] : memref<144x16xf32, #tpu.memory_space<vmem>>, vector<16x16xf32>
    %dot_general3A_1107 = arith.constant dense<0.000000e+00> : vector<4096x16xf32>
    %dot_general3A_1108 = tpu.matmul %select_n3A_1103, %get3A_1106, %dot_general3A_1107 {dimension_numbers = #tpu.dot_dimension_numbers<[1], [0], [0], [1], [0, 0, 1, 1], [], []>, transpose_lhs_hint = false} : vector<4096x16xf32>, vector<16x16xf32>, vector<4096x16xf32> -> vector<4096x16xf32>
    %add3A_1109 = arith.addf %add3A_1073, %dot_general3A_1108 : vector<4096x16xf32>
    %add3A_1110 = arith.constant 1 : i32
    %add3A_1111 = vector.broadcast %add3A_1110 : i32 to vector<4096x1xi32>
    %add3A_1112 = arith.addi %shift_right_logical3A_11, %add3A_1111 : vector<4096x1xi32>
    %add3A_1113 = arith.constant 1 : i32
    %add3A_1114 = vector.broadcast %add3A_1113 : i32 to vector<4096x1xi32>
    %add3A_1115 = arith.addi %and3A_14, %add3A_1114 : vector<4096x1xi32>
    %ge3A_1116 = arith.constant 0 : i32
    %ge3A_1117 = vector.broadcast %ge3A_1116 : i32 to vector<4096x1xi32>
    %ge3A_1118 = arith.cmpi sge, %add3A_1112, %ge3A_1117 : vector<4096x1xi32>
    %lt3A_1119 = arith.constant 64 : i32
    %lt3A_1120 = vector.broadcast %lt3A_1119 : i32 to vector<4096x1xi32>
    %lt3A_1121 = arith.cmpi slt, %add3A_1112, %lt3A_1120 : vector<4096x1xi32>
    %and3A_1122 = arith.andi %ge3A_1118, %lt3A_1121 : vector<4096x1xi1>
    %ge3A_1123 = arith.constant 0 : i32
    %ge3A_1124 = vector.broadcast %ge3A_1123 : i32 to vector<4096x1xi32>
    %ge3A_1125 = arith.cmpi sge, %add3A_1115, %ge3A_1124 : vector<4096x1xi32>
    %and3A_1126 = arith.andi %and3A_1122, %ge3A_1125 : vector<4096x1xi1>
    %lt3A_1127 = arith.constant 64 : i32
    %lt3A_1128 = vector.broadcast %lt3A_1127 : i32 to vector<4096x1xi32>
    %lt3A_1129 = arith.cmpi slt, %add3A_1115, %lt3A_1128 : vector<4096x1xi32>
    %and3A_1130 = arith.andi %and3A_1126, %lt3A_1129 : vector<4096x1xi1>
    %broadcast_in_dim3A_1131 = arith.constant 0.000000e+00 : f32
    %broadcast_in_dim3A_1132 = vector.broadcast %broadcast_in_dim3A_1131 : f32 to vector<65x16xf32>
    %slice3A_1133 = vector.extract_strided_slice %max3A_818 {offsets = [65, 0], sizes = [4031, 16], strides = [1, 1]} : vector<4096x16xf32> to vector<4031x16xf32>
    %concatenate3A_1134 = tpu.concatenate %slice3A_1133, %broadcast_in_dim3A_1132 in 0 : vector<4031x16xf32>, vector<65x16xf32> -> vector<4096x16xf32>
    %jit3A_1135 = arith.constant 0.000000e+00 : f32
    %broadcast_in_dim3A_1136 = vector.shape_cast %and3A_1130 : vector<4096x1xi1> to vector<4096x1xi1>
    %broadcast_in_dim3A_1137 = vector.broadcast %broadcast_in_dim3A_1136 : vector<4096x1xi1> to vector<4096x16xi1>
    %broadcast_in_dim3A_1138 = vector.broadcast %jit3A_1135 : f32 to vector<4096x16xf32>
    %select_n3A_1139 = arith.select %broadcast_in_dim3A_1137, %concatenate3A_1134, %broadcast_in_dim3A_1138 : vector<4096x16xi1>, vector<4096x16xf32>
    %get3A_1140 = arith.constant 128 : index
    %get3A_1141 = arith.constant 0 : index
    %get3A_1142 = vector.load %arg3[%get3A_1140, %get3A_1141] : memref<144x16xf32, #tpu.memory_space<vmem>>, vector<16x16xf32>
    %dot_general3A_1143 = arith.constant dense<0.000000e+00> : vector<4096x16xf32>
    %dot_general3A_1144 = tpu.matmul %select_n3A_1139, %get3A_1142, %dot_general3A_1143 {dimension_numbers = #tpu.dot_dimension_numbers<[1], [0], [0], [1], [0, 0, 1, 1], [], []>, transpose_lhs_hint = false} : vector<4096x16xf32>, vector<16x16xf32>, vector<4096x16xf32> -> vector<4096x16xf32>
    %add3A_1145 = arith.addf %add3A_1109, %dot_general3A_1144 : vector<4096x16xf32>
    %swap3A_1146 = arith.constant 0 : index
    %swap3A_1147 = arith.constant 0 : index
    %swap3A_1148 = vector.load %arg8[%swap3A_1146, %swap3A_1147] : memref<4096x16xf32, #tpu.memory_space<vmem>>, vector<4096x16xf32>
    tpu.vector_store %arg8[%swap3A_1146, %swap3A_1147], %add3A_1145 {strides = array<i32>} : memref<4096x16xf32, #tpu.memory_space<vmem>>, vector<4096x16xf32>,
    %broadcast_in_dim3A_1149 = arith.constant -3.000000e+38 : f32
    %broadcast_in_dim3A_1150 = vector.broadcast %broadcast_in_dim3A_1149 : f32 to vector<1x4096xf32>
    %broadcast_in_dim3A_1151 = arith.constant -3.000000e+38 : f32
    %broadcast_in_dim3A_1152 = vector.broadcast %broadcast_in_dim3A_1151 : f32 to vector<1x4096xf32>
    %broadcast_in_dim3A_1153 = arith.constant 0 : i32
    %broadcast_in_dim3A_1154 = vector.broadcast %broadcast_in_dim3A_1153 : i32 to vector<1x4096xi32>
    %broadcast_in_dim3A_1155 = arith.constant 0 : i32
    %broadcast_in_dim3A_1156 = vector.broadcast %broadcast_in_dim3A_1155 : i32 to vector<1x4096xi32>
    %iota3A_1157 = tpu.iota {dimensions = array<i32: 0>} : vector<512x4096xi32>
    %sub3A = arith.constant 511 : i32
    %sub3A_1158 = vector.broadcast %sub3A : i32 to vector<512x4096xi32>
    %sub3A_1159 = arith.subi %sub3A_1158, %iota3A_1157 : vector<512x4096xi32>
    %slice3A_1160 = vector.extract_strided_slice %mul3A_210 {offsets = [0, 0], sizes = [144, 512], strides = [1, 1]} : vector<144x4096xf32> to vector<144x512xf32>
    %dot_general3A_1161 = arith.constant dense<0.000000e+00> : vector<512x4096xf32>
    %dot_general3A_1162 = tpu.matmul %slice3A_1160, %mul3A_210, %dot_general3A_1161 {dimension_numbers = #tpu.dot_dimension_numbers<[0], [0], [1], [1], [0, 1, 1, 1], [], []>, transpose_lhs_hint = false} : vector<144x512xf32>, vector<144x4096xf32>, vector<512x4096xf32> -> vector<512x4096xf32>
    %bitcast_convert_type3A_1163 = tpu.bitcast %dot_general3A_1162 : vector<512x4096xf32> -> vector<512x4096xi32>
    %and3A_1164 = arith.constant -512 : i32
    %and3A_1165 = vector.broadcast %and3A_1164 : i32 to vector<512x4096xi32>
    %and3A_1166 = arith.andi %bitcast_convert_type3A_1163, %and3A_1165 : vector<512x4096xi32>
    %or3A_1167 = arith.ori %and3A_1166, %sub3A_1159 : vector<512x4096xi32>
    %reduce_max3A = arith.constant dense<-2147483648> : vector<4096xi32>
    %reduce_max3A_1168 = vector.multi_reduction <maxsi>, %or3A_1167, %reduce_max3A [0] : vector<512x4096xi32> to vector<4096xi32>
    %broadcast_in_dim3A_1169 = vector.shape_cast %reduce_max3A_1168 : vector<4096xi32> to vector<1x4096xi32>
    %eq3A_1170 = vector.broadcast %broadcast_in_dim3A_1169 : vector<1x4096xi32> to vector<512x4096xi32>
    %eq3A_1171 = arith.cmpi eq, %or3A_1167, %eq3A_1170 : vector<512x4096xi32>
    %jit3A_1172 = arith.constant -2147483648 : i32
    %broadcast_in_dim3A_1173 = vector.broadcast %jit3A_1172 : i32 to vector<512x4096xi32>
    %select_n3A_1174 = arith.select %eq3A_1171, %broadcast_in_dim3A_1173, %or3A_1167 : vector<512x4096xi1>, vector<512x4096xi32>
    %reduce_max3A_1175 = arith.constant dense<-2147483648> : vector<4096xi32>
    %reduce_max3A_1176 = vector.multi_reduction <maxsi>, %select_n3A_1174, %reduce_max3A_1175 [0] : vector<512x4096xi32> to vector<4096xi32>
    %broadcast_in_dim3A_1177 = vector.shape_cast %reduce_max3A_1176 : vector<4096xi32> to vector<1x4096xi32>
    %and3A_1178 = arith.constant -512 : i32
    %and3A_1179 = vector.broadcast %and3A_1178 : i32 to vector<1x4096xi32>
    %and3A_1180 = arith.andi %broadcast_in_dim3A_1169, %and3A_1179 : vector<1x4096xi32>
    %bitcast_convert_type3A_1181 = tpu.bitcast %and3A_1180 : vector<1x4096xi32> -> vector<1x4096xf32>
    %and3A_1182 = arith.constant -512 : i32
    %and3A_1183 = vector.broadcast %and3A_1182 : i32 to vector<1x4096xi32>
    %and3A_1184 = arith.andi %broadcast_in_dim3A_1177, %and3A_1183 : vector<1x4096xi32>
    %bitcast_convert_type3A_1185 = tpu.bitcast %and3A_1184 : vector<1x4096xi32> -> vector<1x4096xf32>
    %and3A_1186 = arith.constant 511 : i32
    %and3A_1187 = vector.broadcast %and3A_1186 : i32 to vector<1x4096xi32>
    %and3A_1188 = arith.andi %broadcast_in_dim3A_1169, %and3A_1187 : vector<1x4096xi32>
    %sub3A_1189 = arith.constant 511 : i32
    %sub3A_1190 = vector.broadcast %sub3A_1189 : i32 to vector<1x4096xi32>
    %sub3A_1191 = arith.subi %sub3A_1190, %and3A_1188 : vector<1x4096xi32>
    %and3A_1192 = arith.constant 511 : i32
    %and3A_1193 = vector.broadcast %and3A_1192 : i32 to vector<1x4096xi32>
    %and3A_1194 = arith.andi %broadcast_in_dim3A_1177, %and3A_1193 : vector<1x4096xi32>
    %sub3A_1195 = arith.constant 511 : i32
    %sub3A_1196 = vector.broadcast %sub3A_1195 : i32 to vector<1x4096xi32>
    %sub3A_1197 = arith.subi %sub3A_1196, %and3A_1194 : vector<1x4096xi32>
    %gt3A = arith.cmpf ogt, %bitcast_convert_type3A_1181, %broadcast_in_dim3A_1150 : vector<1x4096xf32>
    %select_n3A_1198 = arith.select %gt3A, %bitcast_convert_type3A_1181, %broadcast_in_dim3A_1150 : vector<1x4096xi1>, vector<1x4096xf32>
    %select_n3A_1199 = arith.select %gt3A, %sub3A_1191, %broadcast_in_dim3A_1154 : vector<1x4096xi1>, vector<1x4096xi32>
    %ge3A_1200 = arith.cmpf oge, %broadcast_in_dim3A_1150, %bitcast_convert_type3A_1185 : vector<1x4096xf32>
    %select_n3A_1201 = arith.select %ge3A_1200, %broadcast_in_dim3A_1150, %bitcast_convert_type3A_1185 : vector<1x4096xi1>, vector<1x4096xf32>
    %gt3A_1202 = arith.cmpf ogt, %bitcast_convert_type3A_1181, %broadcast_in_dim3A_1152 : vector<1x4096xf32>
    %select_n3A_1203 = arith.select %gt3A_1202, %bitcast_convert_type3A_1181, %broadcast_in_dim3A_1152 : vector<1x4096xi1>, vector<1x4096xf32>
    %select_n3A_1204 = arith.select %gt3A, %select_n3A_1201, %select_n3A_1203 : vector<1x4096xi1>, vector<1x4096xf32>
    %ge3A_1205 = arith.cmpf oge, %broadcast_in_dim3A_1150, %bitcast_convert_type3A_1185 : vector<1x4096xf32>
    %select_n3A_1206 = arith.select %ge3A_1205, %broadcast_in_dim3A_1154, %sub3A_1197 : vector<1x4096xi1>, vector<1x4096xi32>
    %gt3A_1207 = arith.cmpf ogt, %bitcast_convert_type3A_1181, %broadcast_in_dim3A_1152 : vector<1x4096xf32>
    %select_n3A_1208 = arith.select %gt3A_1207, %sub3A_1191, %broadcast_in_dim3A_1156 : vector<1x4096xi1>, vector<1x4096xi32>
    %select_n3A_1209 = arith.select %gt3A, %select_n3A_1206, %select_n3A_1208 : vector<1x4096xi1>, vector<1x4096xi32>
    %slice3A_1210 = vector.extract_strided_slice %mul3A_210 {offsets = [0, 512], sizes = [144, 512], strides = [1, 1]} : vector<144x4096xf32> to vector<144x512xf32>
    %dot_general3A_1211 = arith.constant dense<0.000000e+00> : vector<512x4096xf32>
    %dot_general3A_1212 = tpu.matmul %slice3A_1210, %mul3A_210, %dot_general3A_1211 {dimension_numbers = #tpu.dot_dimension_numbers<[0], [0], [1], [1], [0, 1, 1, 1], [], []>, transpose_lhs_hint = false} : vector<144x512xf32>, vector<144x4096xf32>, vector<512x4096xf32> -> vector<512x4096xf32>
    %bitcast_convert_type3A_1213 = tpu.bitcast %dot_general3A_1212 : vector<512x4096xf32> -> vector<512x4096xi32>
    %and3A_1214 = arith.constant -512 : i32
    %and3A_1215 = vector.broadcast %and3A_1214 : i32 to vector<512x4096xi32>
    %and3A_1216 = arith.andi %bitcast_convert_type3A_1213, %and3A_1215 : vector<512x4096xi32>
    %or3A_1217 = arith.ori %and3A_1216, %sub3A_1159 : vector<512x4096xi32>
    %reduce_max3A_1218 = arith.constant dense<-2147483648> : vector<4096xi32>
    %reduce_max3A_1219 = vector.multi_reduction <maxsi>, %or3A_1217, %reduce_max3A_1218 [0] : vector<512x4096xi32> to vector<4096xi32>
    %broadcast_in_dim3A_1220 = vector.shape_cast %reduce_max3A_1219 : vector<4096xi32> to vector<1x4096xi32>
    %eq3A_1221 = vector.broadcast %broadcast_in_dim3A_1220 : vector<1x4096xi32> to vector<512x4096xi32>
    %eq3A_1222 = arith.cmpi eq, %or3A_1217, %eq3A_1221 : vector<512x4096xi32>
    %jit3A_1223 = arith.constant -2147483648 : i32
    %broadcast_in_dim3A_1224 = vector.broadcast %jit3A_1223 : i32 to vector<512x4096xi32>
    %select_n3A_1225 = arith.select %eq3A_1222, %broadcast_in_dim3A_1224, %or3A_1217 : vector<512x4096xi1>, vector<512x4096xi32>
    %reduce_max3A_1226 = arith.constant dense<-2147483648> : vector<4096xi32>
    %reduce_max3A_1227 = vector.multi_reduction <maxsi>, %select_n3A_1225, %reduce_max3A_1226 [0] : vector<512x4096xi32> to vector<4096xi32>
    %broadcast_in_dim3A_1228 = vector.shape_cast %reduce_max3A_1227 : vector<4096xi32> to vector<1x4096xi32>
    %and3A_1229 = arith.constant -512 : i32
    %and3A_1230 = vector.broadcast %and3A_1229 : i32 to vector<1x4096xi32>
    %and3A_1231 = arith.andi %broadcast_in_dim3A_1220, %and3A_1230 : vector<1x4096xi32>
    %bitcast_convert_type3A_1232 = tpu.bitcast %and3A_1231 : vector<1x4096xi32> -> vector<1x4096xf32>
    %and3A_1233 = arith.constant -512 : i32
    %and3A_1234 = vector.broadcast %and3A_1233 : i32 to vector<1x4096xi32>
    %and3A_1235 = arith.andi %broadcast_in_dim3A_1228, %and3A_1234 : vector<1x4096xi32>
    %bitcast_convert_type3A_1236 = tpu.bitcast %and3A_1235 : vector<1x4096xi32> -> vector<1x4096xf32>
    %and3A_1237 = arith.constant 511 : i32
    %and3A_1238 = vector.broadcast %and3A_1237 : i32 to vector<1x4096xi32>
    %and3A_1239 = arith.andi %broadcast_in_dim3A_1220, %and3A_1238 : vector<1x4096xi32>
    %sub3A_1240 = arith.constant 1023 : i32
    %sub3A_1241 = vector.broadcast %sub3A_1240 : i32 to vector<1x4096xi32>
    %sub3A_1242 = arith.subi %sub3A_1241, %and3A_1239 : vector<1x4096xi32>
    %and3A_1243 = arith.constant 511 : i32
    %and3A_1244 = vector.broadcast %and3A_1243 : i32 to vector<1x4096xi32>
    %and3A_1245 = arith.andi %broadcast_in_dim3A_1228, %and3A_1244 : vector<1x4096xi32>
    %sub3A_1246 = arith.constant 1023 : i32
    %sub3A_1247 = vector.broadcast %sub3A_1246 : i32 to vector<1x4096xi32>
    %sub3A_1248 = arith.subi %sub3A_1247, %and3A_1245 : vector<1x4096xi32>
    %gt3A_1249 = arith.cmpf ogt, %bitcast_convert_type3A_1232, %select_n3A_1198 : vector<1x4096xf32>
    %select_n3A_1250 = arith.select %gt3A_1249, %bitcast_convert_type3A_1232, %select_n3A_1198 : vector<1x4096xi1>, vector<1x4096xf32>
    %select_n3A_1251 = arith.select %gt3A_1249, %sub3A_1242, %select_n3A_1199 : vector<1x4096xi1>, vector<1x4096xi32>
    %ge3A_1252 = arith.cmpf oge, %select_n3A_1198, %bitcast_convert_type3A_1236 : vector<1x4096xf32>
    %select_n3A_1253 = arith.select %ge3A_1252, %select_n3A_1198, %bitcast_convert_type3A_1236 : vector<1x4096xi1>, vector<1x4096xf32>
    %gt3A_1254 = arith.cmpf ogt, %bitcast_convert_type3A_1232, %select_n3A_1204 : vector<1x4096xf32>
    %select_n3A_1255 = arith.select %gt3A_1254, %bitcast_convert_type3A_1232, %select_n3A_1204 : vector<1x4096xi1>, vector<1x4096xf32>
    %select_n3A_1256 = arith.select %gt3A_1249, %select_n3A_1253, %select_n3A_1255 : vector<1x4096xi1>, vector<1x4096xf32>
    %ge3A_1257 = arith.cmpf oge, %select_n3A_1198, %bitcast_convert_type3A_1236 : vector<1x4096xf32>
    %select_n3A_1258 = arith.select %ge3A_1257, %select_n3A_1199, %sub3A_1248 : vector<1x4096xi1>, vector<1x4096xi32>
    %gt3A_1259 = arith.cmpf ogt, %bitcast_convert_type3A_1232, %select_n3A_1204 : vector<1x4096xf32>
    %select_n3A_1260 = arith.select %gt3A_1259, %sub3A_1242, %select_n3A_1209 : vector<1x4096xi1>, vector<1x4096xi32>
    %select_n3A_1261 = arith.select %gt3A_1249, %select_n3A_1258, %select_n3A_1260 : vector<1x4096xi1>, vector<1x4096xi32>
    %slice3A_1262 = vector.extract_strided_slice %mul3A_210 {offsets = [0, 1024], sizes = [144, 512], strides = [1, 1]} : vector<144x4096xf32> to vector<144x512xf32>
    %dot_general3A_1263 = arith.constant dense<0.000000e+00> : vector<512x4096xf32>
    %dot_general3A_1264 = tpu.matmul %slice3A_1262, %mul3A_210, %dot_general3A_1263 {dimension_numbers = #tpu.dot_dimension_numbers<[0], [0], [1], [1], [0, 1, 1, 1], [], []>, transpose_lhs_hint = false} : vector<144x512xf32>, vector<144x4096xf32>, vector<512x4096xf32> -> vector<512x4096xf32>
    %bitcast_convert_type3A_1265 = tpu.bitcast %dot_general3A_1264 : vector<512x4096xf32> -> vector<512x4096xi32>
    %and3A_1266 = arith.constant -512 : i32
    %and3A_1267 = vector.broadcast %and3A_1266 : i32 to vector<512x4096xi32>
    %and3A_1268 = arith.andi %bitcast_convert_type3A_1265, %and3A_1267 : vector<512x4096xi32>
    %or3A_1269 = arith.ori %and3A_1268, %sub3A_1159 : vector<512x4096xi32>
    %reduce_max3A_1270 = arith.constant dense<-2147483648> : vector<4096xi32>
    %reduce_max3A_1271 = vector.multi_reduction <maxsi>, %or3A_1269, %reduce_max3A_1270 [0] : vector<512x4096xi32> to vector<4096xi32>
    %broadcast_in_dim3A_1272 = vector.shape_cast %reduce_max3A_1271 : vector<4096xi32> to vector<1x4096xi32>
    %eq3A_1273 = vector.broadcast %broadcast_in_dim3A_1272 : vector<1x4096xi32> to vector<512x4096xi32>
    %eq3A_1274 = arith.cmpi eq, %or3A_1269, %eq3A_1273 : vector<512x4096xi32>
    %jit3A_1275 = arith.constant -2147483648 : i32
    %broadcast_in_dim3A_1276 = vector.broadcast %jit3A_1275 : i32 to vector<512x4096xi32>
    %select_n3A_1277 = arith.select %eq3A_1274, %broadcast_in_dim3A_1276, %or3A_1269 : vector<512x4096xi1>, vector<512x4096xi32>
    %reduce_max3A_1278 = arith.constant dense<-2147483648> : vector<4096xi32>
    %reduce_max3A_1279 = vector.multi_reduction <maxsi>, %select_n3A_1277, %reduce_max3A_1278 [0] : vector<512x4096xi32> to vector<4096xi32>
    %broadcast_in_dim3A_1280 = vector.shape_cast %reduce_max3A_1279 : vector<4096xi32> to vector<1x4096xi32>
    %and3A_1281 = arith.constant -512 : i32
    %and3A_1282 = vector.broadcast %and3A_1281 : i32 to vector<1x4096xi32>
    %and3A_1283 = arith.andi %broadcast_in_dim3A_1272, %and3A_1282 : vector<1x4096xi32>
    %bitcast_convert_type3A_1284 = tpu.bitcast %and3A_1283 : vector<1x4096xi32> -> vector<1x4096xf32>
    %and3A_1285 = arith.constant -512 : i32
    %and3A_1286 = vector.broadcast %and3A_1285 : i32 to vector<1x4096xi32>
    %and3A_1287 = arith.andi %broadcast_in_dim3A_1280, %and3A_1286 : vector<1x4096xi32>
    %bitcast_convert_type3A_1288 = tpu.bitcast %and3A_1287 : vector<1x4096xi32> -> vector<1x4096xf32>
    %and3A_1289 = arith.constant 511 : i32
    %and3A_1290 = vector.broadcast %and3A_1289 : i32 to vector<1x4096xi32>
    %and3A_1291 = arith.andi %broadcast_in_dim3A_1272, %and3A_1290 : vector<1x4096xi32>
    %sub3A_1292 = arith.constant 1535 : i32
    %sub3A_1293 = vector.broadcast %sub3A_1292 : i32 to vector<1x4096xi32>
    %sub3A_1294 = arith.subi %sub3A_1293, %and3A_1291 : vector<1x4096xi32>
    %and3A_1295 = arith.constant 511 : i32
    %and3A_1296 = vector.broadcast %and3A_1295 : i32 to vector<1x4096xi32>
    %and3A_1297 = arith.andi %broadcast_in_dim3A_1280, %and3A_1296 : vector<1x4096xi32>
    %sub3A_1298 = arith.constant 1535 : i32
    %sub3A_1299 = vector.broadcast %sub3A_1298 : i32 to vector<1x4096xi32>
    %sub3A_1300 = arith.subi %sub3A_1299, %and3A_1297 : vector<1x4096xi32>
    %gt3A_1301 = arith.cmpf ogt, %bitcast_convert_type3A_1284, %select_n3A_1250 : vector<1x4096xf32>
    %select_n3A_1302 = arith.select %gt3A_1301, %bitcast_convert_type3A_1284, %select_n3A_1250 : vector<1x4096xi1>, vector<1x4096xf32>
    %select_n3A_1303 = arith.select %gt3A_1301, %sub3A_1294, %select_n3A_1251 : vector<1x4096xi1>, vector<1x4096xi32>
    %ge3A_1304 = arith.cmpf oge, %select_n3A_1250, %bitcast_convert_type3A_1288 : vector<1x4096xf32>
    %select_n3A_1305 = arith.select %ge3A_1304, %select_n3A_1250, %bitcast_convert_type3A_1288 : vector<1x4096xi1>, vector<1x4096xf32>
    %gt3A_1306 = arith.cmpf ogt, %bitcast_convert_type3A_1284, %select_n3A_1256 : vector<1x4096xf32>
    %select_n3A_1307 = arith.select %gt3A_1306, %bitcast_convert_type3A_1284, %select_n3A_1256 : vector<1x4096xi1>, vector<1x4096xf32>
    %select_n3A_1308 = arith.select %gt3A_1301, %select_n3A_1305, %select_n3A_1307 : vector<1x4096xi1>, vector<1x4096xf32>
    %ge3A_1309 = arith.cmpf oge, %select_n3A_1250, %bitcast_convert_type3A_1288 : vector<1x4096xf32>
    %select_n3A_1310 = arith.select %ge3A_1309, %select_n3A_1251, %sub3A_1300 : vector<1x4096xi1>, vector<1x4096xi32>
    %gt3A_1311 = arith.cmpf ogt, %bitcast_convert_type3A_1284, %select_n3A_1256 : vector<1x4096xf32>
    %select_n3A_1312 = arith.select %gt3A_1311, %sub3A_1294, %select_n3A_1261 : vector<1x4096xi1>, vector<1x4096xi32>
    %select_n3A_1313 = arith.select %gt3A_1301, %select_n3A_1310, %select_n3A_1312 : vector<1x4096xi1>, vector<1x4096xi32>
    %slice3A_1314 = vector.extract_strided_slice %mul3A_210 {offsets = [0, 1536], sizes = [144, 512], strides = [1, 1]} : vector<144x4096xf32> to vector<144x512xf32>
    %dot_general3A_1315 = arith.constant dense<0.000000e+00> : vector<512x4096xf32>
    %dot_general3A_1316 = tpu.matmul %slice3A_1314, %mul3A_210, %dot_general3A_1315 {dimension_numbers = #tpu.dot_dimension_numbers<[0], [0], [1], [1], [0, 1, 1, 1], [], []>, transpose_lhs_hint = false} : vector<144x512xf32>, vector<144x4096xf32>, vector<512x4096xf32> -> vector<512x4096xf32>
    %bitcast_convert_type3A_1317 = tpu.bitcast %dot_general3A_1316 : vector<512x4096xf32> -> vector<512x4096xi32>
    %and3A_1318 = arith.constant -512 : i32
    %and3A_1319 = vector.broadcast %and3A_1318 : i32 to vector<512x4096xi32>
    %and3A_1320 = arith.andi %bitcast_convert_type3A_1317, %and3A_1319 : vector<512x4096xi32>
    %or3A_1321 = arith.ori %and3A_1320, %sub3A_1159 : vector<512x4096xi32>
    %reduce_max3A_1322 = arith.constant dense<-2147483648> : vector<4096xi32>
    %reduce_max3A_1323 = vector.multi_reduction <maxsi>, %or3A_1321, %reduce_max3A_1322 [0] : vector<512x4096xi32> to vector<4096xi32>
    %broadcast_in_dim3A_1324 = vector.shape_cast %reduce_max3A_1323 : vector<4096xi32> to vector<1x4096xi32>
    %eq3A_1325 = vector.broadcast %broadcast_in_dim3A_1324 : vector<1x4096xi32> to vector<512x4096xi32>
    %eq3A_1326 = arith.cmpi eq, %or3A_1321, %eq3A_1325 : vector<512x4096xi32>
    %jit3A_1327 = arith.constant -2147483648 : i32
    %broadcast_in_dim3A_1328 = vector.broadcast %jit3A_1327 : i32 to vector<512x4096xi32>
    %select_n3A_1329 = arith.select %eq3A_1326, %broadcast_in_dim3A_1328, %or3A_1321 : vector<512x4096xi1>, vector<512x4096xi32>
    %reduce_max3A_1330 = arith.constant dense<-2147483648> : vector<4096xi32>
    %reduce_max3A_1331 = vector.multi_reduction <maxsi>, %select_n3A_1329, %reduce_max3A_1330 [0] : vector<512x4096xi32> to vector<4096xi32>
    %broadcast_in_dim3A_1332 = vector.shape_cast %reduce_max3A_1331 : vector<4096xi32> to vector<1x4096xi32>
    %and3A_1333 = arith.constant -512 : i32
    %and3A_1334 = vector.broadcast %and3A_1333 : i32 to vector<1x4096xi32>
    %and3A_1335 = arith.andi %broadcast_in_dim3A_1324, %and3A_1334 : vector<1x4096xi32>
    %bitcast_convert_type3A_1336 = tpu.bitcast %and3A_1335 : vector<1x4096xi32> -> vector<1x4096xf32>
    %and3A_1337 = arith.constant -512 : i32
    %and3A_1338 = vector.broadcast %and3A_1337 : i32 to vector<1x4096xi32>
    %and3A_1339 = arith.andi %broadcast_in_dim3A_1332, %and3A_1338 : vector<1x4096xi32>
    %bitcast_convert_type3A_1340 = tpu.bitcast %and3A_1339 : vector<1x4096xi32> -> vector<1x4096xf32>
    %and3A_1341 = arith.constant 511 : i32
    %and3A_1342 = vector.broadcast %and3A_1341 : i32 to vector<1x4096xi32>
    %and3A_1343 = arith.andi %broadcast_in_dim3A_1324, %and3A_1342 : vector<1x4096xi32>
    %sub3A_1344 = arith.constant 2047 : i32
    %sub3A_1345 = vector.broadcast %sub3A_1344 : i32 to vector<1x4096xi32>
    %sub3A_1346 = arith.subi %sub3A_1345, %and3A_1343 : vector<1x4096xi32>
    %and3A_1347 = arith.constant 511 : i32
    %and3A_1348 = vector.broadcast %and3A_1347 : i32 to vector<1x4096xi32>
    %and3A_1349 = arith.andi %broadcast_in_dim3A_1332, %and3A_1348 : vector<1x4096xi32>
    %sub3A_1350 = arith.constant 2047 : i32
    %sub3A_1351 = vector.broadcast %sub3A_1350 : i32 to vector<1x4096xi32>
    %sub3A_1352 = arith.subi %sub3A_1351, %and3A_1349 : vector<1x4096xi32>
    %gt3A_1353 = arith.cmpf ogt, %bitcast_convert_type3A_1336, %select_n3A_1302 : vector<1x4096xf32>
    %select_n3A_1354 = arith.select %gt3A_1353, %bitcast_convert_type3A_1336, %select_n3A_1302 : vector<1x4096xi1>, vector<1x4096xf32>
    %select_n3A_1355 = arith.select %gt3A_1353, %sub3A_1346, %select_n3A_1303 : vector<1x4096xi1>, vector<1x4096xi32>
    %ge3A_1356 = arith.cmpf oge, %select_n3A_1302, %bitcast_convert_type3A_1340 : vector<1x4096xf32>
    %select_n3A_1357 = arith.select %ge3A_1356, %select_n3A_1302, %bitcast_convert_type3A_1340 : vector<1x4096xi1>, vector<1x4096xf32>
    %gt3A_1358 = arith.cmpf ogt, %bitcast_convert_type3A_1336, %select_n3A_1308 : vector<1x4096xf32>
    %select_n3A_1359 = arith.select %gt3A_1358, %bitcast_convert_type3A_1336, %select_n3A_1308 : vector<1x4096xi1>, vector<1x4096xf32>
    %select_n3A_1360 = arith.select %gt3A_1353, %select_n3A_1357, %select_n3A_1359 : vector<1x4096xi1>, vector<1x4096xf32>
    %ge3A_1361 = arith.cmpf oge, %select_n3A_1302, %bitcast_convert_type3A_1340 : vector<1x4096xf32>
    %select_n3A_1362 = arith.select %ge3A_1361, %select_n3A_1303, %sub3A_1352 : vector<1x4096xi1>, vector<1x4096xi32>
    %gt3A_1363 = arith.cmpf ogt, %bitcast_convert_type3A_1336, %select_n3A_1308 : vector<1x4096xf32>
    %select_n3A_1364 = arith.select %gt3A_1363, %sub3A_1346, %select_n3A_1313 : vector<1x4096xi1>, vector<1x4096xi32>
    %select_n3A_1365 = arith.select %gt3A_1353, %select_n3A_1362, %select_n3A_1364 : vector<1x4096xi1>, vector<1x4096xi32>
    %slice3A_1366 = vector.extract_strided_slice %mul3A_210 {offsets = [0, 2048], sizes = [144, 512], strides = [1, 1]} : vector<144x4096xf32> to vector<144x512xf32>
    %dot_general3A_1367 = arith.constant dense<0.000000e+00> : vector<512x4096xf32>
    %dot_general3A_1368 = tpu.matmul %slice3A_1366, %mul3A_210, %dot_general3A_1367 {dimension_numbers = #tpu.dot_dimension_numbers<[0], [0], [1], [1], [0, 1, 1, 1], [], []>, transpose_lhs_hint = false} : vector<144x512xf32>, vector<144x4096xf32>, vector<512x4096xf32> -> vector<512x4096xf32>
    %bitcast_convert_type3A_1369 = tpu.bitcast %dot_general3A_1368 : vector<512x4096xf32> -> vector<512x4096xi32>
    %and3A_1370 = arith.constant -512 : i32
    %and3A_1371 = vector.broadcast %and3A_1370 : i32 to vector<512x4096xi32>
    %and3A_1372 = arith.andi %bitcast_convert_type3A_1369, %and3A_1371 : vector<512x4096xi32>
    %or3A_1373 = arith.ori %and3A_1372, %sub3A_1159 : vector<512x4096xi32>
    %reduce_max3A_1374 = arith.constant dense<-2147483648> : vector<4096xi32>
    %reduce_max3A_1375 = vector.multi_reduction <maxsi>, %or3A_1373, %reduce_max3A_1374 [0] : vector<512x4096xi32> to vector<4096xi32>
    %broadcast_in_dim3A_1376 = vector.shape_cast %reduce_max3A_1375 : vector<4096xi32> to vector<1x4096xi32>
    %eq3A_1377 = vector.broadcast %broadcast_in_dim3A_1376 : vector<1x4096xi32> to vector<512x4096xi32>
    %eq3A_1378 = arith.cmpi eq, %or3A_1373, %eq3A_1377 : vector<512x4096xi32>
    %jit3A_1379 = arith.constant -2147483648 : i32
    %broadcast_in_dim3A_1380 = vector.broadcast %jit3A_1379 : i32 to vector<512x4096xi32>
    %select_n3A_1381 = arith.select %eq3A_1378, %broadcast_in_dim3A_1380, %or3A_1373 : vector<512x4096xi1>, vector<512x4096xi32>
    %reduce_max3A_1382 = arith.constant dense<-2147483648> : vector<4096xi32>
    %reduce_max3A_1383 = vector.multi_reduction <maxsi>, %select_n3A_1381, %reduce_max3A_1382 [0] : vector<512x4096xi32> to vector<4096xi32>
    %broadcast_in_dim3A_1384 = vector.shape_cast %reduce_max3A_1383 : vector<4096xi32> to vector<1x4096xi32>
    %and3A_1385 = arith.constant -512 : i32
    %and3A_1386 = vector.broadcast %and3A_1385 : i32 to vector<1x4096xi32>
    %and3A_1387 = arith.andi %broadcast_in_dim3A_1376, %and3A_1386 : vector<1x4096xi32>
    %bitcast_convert_type3A_1388 = tpu.bitcast %and3A_1387 : vector<1x4096xi32> -> vector<1x4096xf32>
    %and3A_1389 = arith.constant -512 : i32
    %and3A_1390 = vector.broadcast %and3A_1389 : i32 to vector<1x4096xi32>
    %and3A_1391 = arith.andi %broadcast_in_dim3A_1384, %and3A_1390 : vector<1x4096xi32>
    %bitcast_convert_type3A_1392 = tpu.bitcast %and3A_1391 : vector<1x4096xi32> -> vector<1x4096xf32>
    %and3A_1393 = arith.constant 511 : i32
    %and3A_1394 = vector.broadcast %and3A_1393 : i32 to vector<1x4096xi32>
    %and3A_1395 = arith.andi %broadcast_in_dim3A_1376, %and3A_1394 : vector<1x4096xi32>
    %sub3A_1396 = arith.constant 2559 : i32
    %sub3A_1397 = vector.broadcast %sub3A_1396 : i32 to vector<1x4096xi32>
    %sub3A_1398 = arith.subi %sub3A_1397, %and3A_1395 : vector<1x4096xi32>
    %and3A_1399 = arith.constant 511 : i32
    %and3A_1400 = vector.broadcast %and3A_1399 : i32 to vector<1x4096xi32>
    %and3A_1401 = arith.andi %broadcast_in_dim3A_1384, %and3A_1400 : vector<1x4096xi32>
    %sub3A_1402 = arith.constant 2559 : i32
    %sub3A_1403 = vector.broadcast %sub3A_1402 : i32 to vector<1x4096xi32>
    %sub3A_1404 = arith.subi %sub3A_1403, %and3A_1401 : vector<1x4096xi32>
    %gt3A_1405 = arith.cmpf ogt, %bitcast_convert_type3A_1388, %select_n3A_1354 : vector<1x4096xf32>
    %select_n3A_1406 = arith.select %gt3A_1405, %bitcast_convert_type3A_1388, %select_n3A_1354 : vector<1x4096xi1>, vector<1x4096xf32>
    %select_n3A_1407 = arith.select %gt3A_1405, %sub3A_1398, %select_n3A_1355 : vector<1x4096xi1>, vector<1x4096xi32>
    %ge3A_1408 = arith.cmpf oge, %select_n3A_1354, %bitcast_convert_type3A_1392 : vector<1x4096xf32>
    %select_n3A_1409 = arith.select %ge3A_1408, %select_n3A_1354, %bitcast_convert_type3A_1392 : vector<1x4096xi1>, vector<1x4096xf32>
    %gt3A_1410 = arith.cmpf ogt, %bitcast_convert_type3A_1388, %select_n3A_1360 : vector<1x4096xf32>
    %select_n3A_1411 = arith.select %gt3A_1410, %bitcast_convert_type3A_1388, %select_n3A_1360 : vector<1x4096xi1>, vector<1x4096xf32>
    %select_n3A_1412 = arith.select %gt3A_1405, %select_n3A_1409, %select_n3A_1411 : vector<1x4096xi1>, vector<1x4096xf32>
    %ge3A_1413 = arith.cmpf oge, %select_n3A_1354, %bitcast_convert_type3A_1392 : vector<1x4096xf32>
    %select_n3A_1414 = arith.select %ge3A_1413, %select_n3A_1355, %sub3A_1404 : vector<1x4096xi1>, vector<1x4096xi32>
    %gt3A_1415 = arith.cmpf ogt, %bitcast_convert_type3A_1388, %select_n3A_1360 : vector<1x4096xf32>
    %select_n3A_1416 = arith.select %gt3A_1415, %sub3A_1398, %select_n3A_1365 : vector<1x4096xi1>, vector<1x4096xi32>
    %select_n3A_1417 = arith.select %gt3A_1405, %select_n3A_1414, %select_n3A_1416 : vector<1x4096xi1>, vector<1x4096xi32>
    %slice3A_1418 = vector.extract_strided_slice %mul3A_210 {offsets = [0, 2560], sizes = [144, 512], strides = [1, 1]} : vector<144x4096xf32> to vector<144x512xf32>
    %dot_general3A_1419 = arith.constant dense<0.000000e+00> : vector<512x4096xf32>
    %dot_general3A_1420 = tpu.matmul %slice3A_1418, %mul3A_210, %dot_general3A_1419 {dimension_numbers = #tpu.dot_dimension_numbers<[0], [0], [1], [1], [0, 1, 1, 1], [], []>, transpose_lhs_hint = false} : vector<144x512xf32>, vector<144x4096xf32>, vector<512x4096xf32> -> vector<512x4096xf32>
    %bitcast_convert_type3A_1421 = tpu.bitcast %dot_general3A_1420 : vector<512x4096xf32> -> vector<512x4096xi32>
    %and3A_1422 = arith.constant -512 : i32
    %and3A_1423 = vector.broadcast %and3A_1422 : i32 to vector<512x4096xi32>
    %and3A_1424 = arith.andi %bitcast_convert_type3A_1421, %and3A_1423 : vector<512x4096xi32>
    %or3A_1425 = arith.ori %and3A_1424, %sub3A_1159 : vector<512x4096xi32>
    %reduce_max3A_1426 = arith.constant dense<-2147483648> : vector<4096xi32>
    %reduce_max3A_1427 = vector.multi_reduction <maxsi>, %or3A_1425, %reduce_max3A_1426 [0] : vector<512x4096xi32> to vector<4096xi32>
    %broadcast_in_dim3A_1428 = vector.shape_cast %reduce_max3A_1427 : vector<4096xi32> to vector<1x4096xi32>
    %eq3A_1429 = vector.broadcast %broadcast_in_dim3A_1428 : vector<1x4096xi32> to vector<512x4096xi32>
    %eq3A_1430 = arith.cmpi eq, %or3A_1425, %eq3A_1429 : vector<512x4096xi32>
    %jit3A_1431 = arith.constant -2147483648 : i32
    %broadcast_in_dim3A_1432 = vector.broadcast %jit3A_1431 : i32 to vector<512x4096xi32>
    %select_n3A_1433 = arith.select %eq3A_1430, %broadcast_in_dim3A_1432, %or3A_1425 : vector<512x4096xi1>, vector<512x4096xi32>
    %reduce_max3A_1434 = arith.constant dense<-2147483648> : vector<4096xi32>
    %reduce_max3A_1435 = vector.multi_reduction <maxsi>, %select_n3A_1433, %reduce_max3A_1434 [0] : vector<512x4096xi32> to vector<4096xi32>
    %broadcast_in_dim3A_1436 = vector.shape_cast %reduce_max3A_1435 : vector<4096xi32> to vector<1x4096xi32>
    %and3A_1437 = arith.constant -512 : i32
    %and3A_1438 = vector.broadcast %and3A_1437 : i32 to vector<1x4096xi32>
    %and3A_1439 = arith.andi %broadcast_in_dim3A_1428, %and3A_1438 : vector<1x4096xi32>
    %bitcast_convert_type3A_1440 = tpu.bitcast %and3A_1439 : vector<1x4096xi32> -> vector<1x4096xf32>
    %and3A_1441 = arith.constant -512 : i32
    %and3A_1442 = vector.broadcast %and3A_1441 : i32 to vector<1x4096xi32>
    %and3A_1443 = arith.andi %broadcast_in_dim3A_1436, %and3A_1442 : vector<1x4096xi32>
    %bitcast_convert_type3A_1444 = tpu.bitcast %and3A_1443 : vector<1x4096xi32> -> vector<1x4096xf32>
    %and3A_1445 = arith.constant 511 : i32
    %and3A_1446 = vector.broadcast %and3A_1445 : i32 to vector<1x4096xi32>
    %and3A_1447 = arith.andi %broadcast_in_dim3A_1428, %and3A_1446 : vector<1x4096xi32>
    %sub3A_1448 = arith.constant 3071 : i32
    %sub3A_1449 = vector.broadcast %sub3A_1448 : i32 to vector<1x4096xi32>
    %sub3A_1450 = arith.subi %sub3A_1449, %and3A_1447 : vector<1x4096xi32>
    %and3A_1451 = arith.constant 511 : i32
    %and3A_1452 = vector.broadcast %and3A_1451 : i32 to vector<1x4096xi32>
    %and3A_1453 = arith.andi %broadcast_in_dim3A_1436, %and3A_1452 : vector<1x4096xi32>
    %sub3A_1454 = arith.constant 3071 : i32
    %sub3A_1455 = vector.broadcast %sub3A_1454 : i32 to vector<1x4096xi32>
    %sub3A_1456 = arith.subi %sub3A_1455, %and3A_1453 : vector<1x4096xi32>
    %gt3A_1457 = arith.cmpf ogt, %bitcast_convert_type3A_1440, %select_n3A_1406 : vector<1x4096xf32>
    %select_n3A_1458 = arith.select %gt3A_1457, %bitcast_convert_type3A_1440, %select_n3A_1406 : vector<1x4096xi1>, vector<1x4096xf32>
    %select_n3A_1459 = arith.select %gt3A_1457, %sub3A_1450, %select_n3A_1407 : vector<1x4096xi1>, vector<1x4096xi32>
    %ge3A_1460 = arith.cmpf oge, %select_n3A_1406, %bitcast_convert_type3A_1444 : vector<1x4096xf32>
    %select_n3A_1461 = arith.select %ge3A_1460, %select_n3A_1406, %bitcast_convert_type3A_1444 : vector<1x4096xi1>, vector<1x4096xf32>
    %gt3A_1462 = arith.cmpf ogt, %bitcast_convert_type3A_1440, %select_n3A_1412 : vector<1x4096xf32>
    %select_n3A_1463 = arith.select %gt3A_1462, %bitcast_convert_type3A_1440, %select_n3A_1412 : vector<1x4096xi1>, vector<1x4096xf32>
    %select_n3A_1464 = arith.select %gt3A_1457, %select_n3A_1461, %select_n3A_1463 : vector<1x4096xi1>, vector<1x4096xf32>
    %ge3A_1465 = arith.cmpf oge, %select_n3A_1406, %bitcast_convert_type3A_1444 : vector<1x4096xf32>
    %select_n3A_1466 = arith.select %ge3A_1465, %select_n3A_1407, %sub3A_1456 : vector<1x4096xi1>, vector<1x4096xi32>
    %gt3A_1467 = arith.cmpf ogt, %bitcast_convert_type3A_1440, %select_n3A_1412 : vector<1x4096xf32>
    %select_n3A_1468 = arith.select %gt3A_1467, %sub3A_1450, %select_n3A_1417 : vector<1x4096xi1>, vector<1x4096xi32>
    %select_n3A_1469 = arith.select %gt3A_1457, %select_n3A_1466, %select_n3A_1468 : vector<1x4096xi1>, vector<1x4096xi32>
    %slice3A_1470 = vector.extract_strided_slice %mul3A_210 {offsets = [0, 3072], sizes = [144, 512], strides = [1, 1]} : vector<144x4096xf32> to vector<144x512xf32>
    %dot_general3A_1471 = arith.constant dense<0.000000e+00> : vector<512x4096xf32>
    %dot_general3A_1472 = tpu.matmul %slice3A_1470, %mul3A_210, %dot_general3A_1471 {dimension_numbers = #tpu.dot_dimension_numbers<[0], [0], [1], [1], [0, 1, 1, 1], [], []>, transpose_lhs_hint = false} : vector<144x512xf32>, vector<144x4096xf32>, vector<512x4096xf32> -> vector<512x4096xf32>
    %bitcast_convert_type3A_1473 = tpu.bitcast %dot_general3A_1472 : vector<512x4096xf32> -> vector<512x4096xi32>
    %and3A_1474 = arith.constant -512 : i32
    %and3A_1475 = vector.broadcast %and3A_1474 : i32 to vector<512x4096xi32>
    %and3A_1476 = arith.andi %bitcast_convert_type3A_1473, %and3A_1475 : vector<512x4096xi32>
    %or3A_1477 = arith.ori %and3A_1476, %sub3A_1159 : vector<512x4096xi32>
    %reduce_max3A_1478 = arith.constant dense<-2147483648> : vector<4096xi32>
    %reduce_max3A_1479 = vector.multi_reduction <maxsi>, %or3A_1477, %reduce_max3A_1478 [0] : vector<512x4096xi32> to vector<4096xi32>
    %broadcast_in_dim3A_1480 = vector.shape_cast %reduce_max3A_1479 : vector<4096xi32> to vector<1x4096xi32>
    %eq3A_1481 = vector.broadcast %broadcast_in_dim3A_1480 : vector<1x4096xi32> to vector<512x4096xi32>
    %eq3A_1482 = arith.cmpi eq, %or3A_1477, %eq3A_1481 : vector<512x4096xi32>
    %jit3A_1483 = arith.constant -2147483648 : i32
    %broadcast_in_dim3A_1484 = vector.broadcast %jit3A_1483 : i32 to vector<512x4096xi32>
    %select_n3A_1485 = arith.select %eq3A_1482, %broadcast_in_dim3A_1484, %or3A_1477 : vector<512x4096xi1>, vector<512x4096xi32>
    %reduce_max3A_1486 = arith.constant dense<-2147483648> : vector<4096xi32>
    %reduce_max3A_1487 = vector.multi_reduction <maxsi>, %select_n3A_1485, %reduce_max3A_1486 [0] : vector<512x4096xi32> to vector<4096xi32>
    %broadcast_in_dim3A_1488 = vector.shape_cast %reduce_max3A_1487 : vector<4096xi32> to vector<1x4096xi32>
    %and3A_1489 = arith.constant -512 : i32
    %and3A_1490 = vector.broadcast %and3A_1489 : i32 to vector<1x4096xi32>
    %and3A_1491 = arith.andi %broadcast_in_dim3A_1480, %and3A_1490 : vector<1x4096xi32>
    %bitcast_convert_type3A_1492 = tpu.bitcast %and3A_1491 : vector<1x4096xi32> -> vector<1x4096xf32>
    %and3A_1493 = arith.constant -512 : i32
    %and3A_1494 = vector.broadcast %and3A_1493 : i32 to vector<1x4096xi32>
    %and3A_1495 = arith.andi %broadcast_in_dim3A_1488, %and3A_1494 : vector<1x4096xi32>
    %bitcast_convert_type3A_1496 = tpu.bitcast %and3A_1495 : vector<1x4096xi32> -> vector<1x4096xf32>
    %and3A_1497 = arith.constant 511 : i32
    %and3A_1498 = vector.broadcast %and3A_1497 : i32 to vector<1x4096xi32>
    %and3A_1499 = arith.andi %broadcast_in_dim3A_1480, %and3A_1498 : vector<1x4096xi32>
    %sub3A_1500 = arith.constant 3583 : i32
    %sub3A_1501 = vector.broadcast %sub3A_1500 : i32 to vector<1x4096xi32>
    %sub3A_1502 = arith.subi %sub3A_1501, %and3A_1499 : vector<1x4096xi32>
    %and3A_1503 = arith.constant 511 : i32
    %and3A_1504 = vector.broadcast %and3A_1503 : i32 to vector<1x4096xi32>
    %and3A_1505 = arith.andi %broadcast_in_dim3A_1488, %and3A_1504 : vector<1x4096xi32>
    %sub3A_1506 = arith.constant 3583 : i32
    %sub3A_1507 = vector.broadcast %sub3A_1506 : i32 to vector<1x4096xi32>
    %sub3A_1508 = arith.subi %sub3A_1507, %and3A_1505 : vector<1x4096xi32>
    %gt3A_1509 = arith.cmpf ogt, %bitcast_convert_type3A_1492, %select_n3A_1458 : vector<1x4096xf32>
    %select_n3A_1510 = arith.select %gt3A_1509, %bitcast_convert_type3A_1492, %select_n3A_1458 : vector<1x4096xi1>, vector<1x4096xf32>
    %select_n3A_1511 = arith.select %gt3A_1509, %sub3A_1502, %select_n3A_1459 : vector<1x4096xi1>, vector<1x4096xi32>
    %ge3A_1512 = arith.cmpf oge, %select_n3A_1458, %bitcast_convert_type3A_1496 : vector<1x4096xf32>
    %select_n3A_1513 = arith.select %ge3A_1512, %select_n3A_1458, %bitcast_convert_type3A_1496 : vector<1x4096xi1>, vector<1x4096xf32>
    %gt3A_1514 = arith.cmpf ogt, %bitcast_convert_type3A_1492, %select_n3A_1464 : vector<1x4096xf32>
    %select_n3A_1515 = arith.select %gt3A_1514, %bitcast_convert_type3A_1492, %select_n3A_1464 : vector<1x4096xi1>, vector<1x4096xf32>
    %select_n3A_1516 = arith.select %gt3A_1509, %select_n3A_1513, %select_n3A_1515 : vector<1x4096xi1>, vector<1x4096xf32>
    %ge3A_1517 = arith.cmpf oge, %select_n3A_1458, %bitcast_convert_type3A_1496 : vector<1x4096xf32>
    %select_n3A_1518 = arith.select %ge3A_1517, %select_n3A_1459, %sub3A_1508 : vector<1x4096xi1>, vector<1x4096xi32>
    %gt3A_1519 = arith.cmpf ogt, %bitcast_convert_type3A_1492, %select_n3A_1464 : vector<1x4096xf32>
    %select_n3A_1520 = arith.select %gt3A_1519, %sub3A_1502, %select_n3A_1469 : vector<1x4096xi1>, vector<1x4096xi32>
    %select_n3A_1521 = arith.select %gt3A_1509, %select_n3A_1518, %select_n3A_1520 : vector<1x4096xi1>, vector<1x4096xi32>
    %slice3A_1522 = vector.extract_strided_slice %mul3A_210 {offsets = [0, 3584], sizes = [144, 512], strides = [1, 1]} : vector<144x4096xf32> to vector<144x512xf32>
    %dot_general3A_1523 = arith.constant dense<0.000000e+00> : vector<512x4096xf32>
    %dot_general3A_1524 = tpu.matmul %slice3A_1522, %mul3A_210, %dot_general3A_1523 {dimension_numbers = #tpu.dot_dimension_numbers<[0], [0], [1], [1], [0, 1, 1, 1], [], []>, transpose_lhs_hint = false} : vector<144x512xf32>, vector<144x4096xf32>, vector<512x4096xf32> -> vector<512x4096xf32>
    %bitcast_convert_type3A_1525 = tpu.bitcast %dot_general3A_1524 : vector<512x4096xf32> -> vector<512x4096xi32>
    %and3A_1526 = arith.constant -512 : i32
    %and3A_1527 = vector.broadcast %and3A_1526 : i32 to vector<512x4096xi32>
    %and3A_1528 = arith.andi %bitcast_convert_type3A_1525, %and3A_1527 : vector<512x4096xi32>
    %or3A_1529 = arith.ori %and3A_1528, %sub3A_1159 : vector<512x4096xi32>
    %reduce_max3A_1530 = arith.constant dense<-2147483648> : vector<4096xi32>
    %reduce_max3A_1531 = vector.multi_reduction <maxsi>, %or3A_1529, %reduce_max3A_1530 [0] : vector<512x4096xi32> to vector<4096xi32>
    %broadcast_in_dim3A_1532 = vector.shape_cast %reduce_max3A_1531 : vector<4096xi32> to vector<1x4096xi32>
    %eq3A_1533 = vector.broadcast %broadcast_in_dim3A_1532 : vector<1x4096xi32> to vector<512x4096xi32>
    %eq3A_1534 = arith.cmpi eq, %or3A_1529, %eq3A_1533 : vector<512x4096xi32>
    %jit3A_1535 = arith.constant -2147483648 : i32
    %broadcast_in_dim3A_1536 = vector.broadcast %jit3A_1535 : i32 to vector<512x4096xi32>
    %select_n3A_1537 = arith.select %eq3A_1534, %broadcast_in_dim3A_1536, %or3A_1529 : vector<512x4096xi1>, vector<512x4096xi32>
    %reduce_max3A_1538 = arith.constant dense<-2147483648> : vector<4096xi32>
    %reduce_max3A_1539 = vector.multi_reduction <maxsi>, %select_n3A_1537, %reduce_max3A_1538 [0] : vector<512x4096xi32> to vector<4096xi32>
    %broadcast_in_dim3A_1540 = vector.shape_cast %reduce_max3A_1539 : vector<4096xi32> to vector<1x4096xi32>
    %and3A_1541 = arith.constant -512 : i32
    %and3A_1542 = vector.broadcast %and3A_1541 : i32 to vector<1x4096xi32>
    %and3A_1543 = arith.andi %broadcast_in_dim3A_1532, %and3A_1542 : vector<1x4096xi32>
    %bitcast_convert_type3A_1544 = tpu.bitcast %and3A_1543 : vector<1x4096xi32> -> vector<1x4096xf32>
    %and3A_1545 = arith.constant -512 : i32
    %and3A_1546 = vector.broadcast %and3A_1545 : i32 to vector<1x4096xi32>
    %and3A_1547 = arith.andi %broadcast_in_dim3A_1540, %and3A_1546 : vector<1x4096xi32>
    %bitcast_convert_type3A_1548 = tpu.bitcast %and3A_1547 : vector<1x4096xi32> -> vector<1x4096xf32>
    %and3A_1549 = arith.constant 511 : i32
    %and3A_1550 = vector.broadcast %and3A_1549 : i32 to vector<1x4096xi32>
    %and3A_1551 = arith.andi %broadcast_in_dim3A_1532, %and3A_1550 : vector<1x4096xi32>
    %sub3A_1552 = arith.constant 4095 : i32
    %sub3A_1553 = vector.broadcast %sub3A_1552 : i32 to vector<1x4096xi32>
    %sub3A_1554 = arith.subi %sub3A_1553, %and3A_1551 : vector<1x4096xi32>
    %and3A_1555 = arith.constant 511 : i32
    %and3A_1556 = vector.broadcast %and3A_1555 : i32 to vector<1x4096xi32>
    %and3A_1557 = arith.andi %broadcast_in_dim3A_1540, %and3A_1556 : vector<1x4096xi32>
    %sub3A_1558 = arith.constant 4095 : i32
    %sub3A_1559 = vector.broadcast %sub3A_1558 : i32 to vector<1x4096xi32>
    %sub3A_1560 = arith.subi %sub3A_1559, %and3A_1557 : vector<1x4096xi32>
    %gt3A_1561 = arith.cmpf ogt, %bitcast_convert_type3A_1544, %select_n3A_1510 : vector<1x4096xf32>
    %select_n3A_1562 = arith.select %gt3A_1561, %bitcast_convert_type3A_1544, %select_n3A_1510 : vector<1x4096xi1>, vector<1x4096xf32>
    %select_n3A_1563 = arith.select %gt3A_1561, %sub3A_1554, %select_n3A_1511 : vector<1x4096xi1>, vector<1x4096xi32>
    %ge3A_1564 = arith.cmpf oge, %select_n3A_1510, %bitcast_convert_type3A_1548 : vector<1x4096xf32>
    %select_n3A_1565 = arith.select %ge3A_1564, %select_n3A_1510, %bitcast_convert_type3A_1548 : vector<1x4096xi1>, vector<1x4096xf32>
    %gt3A_1566 = arith.cmpf ogt, %bitcast_convert_type3A_1544, %select_n3A_1516 : vector<1x4096xf32>
    %select_n3A_1567 = arith.select %gt3A_1566, %bitcast_convert_type3A_1544, %select_n3A_1516 : vector<1x4096xi1>, vector<1x4096xf32>
    %select_n3A_1568 = arith.select %gt3A_1561, %select_n3A_1565, %select_n3A_1567 : vector<1x4096xi1>, vector<1x4096xf32>
    %ge3A_1569 = arith.cmpf oge, %select_n3A_1510, %bitcast_convert_type3A_1548 : vector<1x4096xf32>
    %select_n3A_1570 = arith.select %ge3A_1569, %select_n3A_1511, %sub3A_1560 : vector<1x4096xi1>, vector<1x4096xi32>
    %gt3A_1571 = arith.cmpf ogt, %bitcast_convert_type3A_1544, %select_n3A_1516 : vector<1x4096xf32>
    %select_n3A_1572 = arith.select %gt3A_1571, %sub3A_1554, %select_n3A_1521 : vector<1x4096xi1>, vector<1x4096xi32>
    %select_n3A_1573 = arith.select %gt3A_1561, %select_n3A_1570, %select_n3A_1572 : vector<1x4096xi1>, vector<1x4096xi32>
    %concatenate3A_1574 = tpu.concatenate %select_n3A_1562, %select_n3A_1568 in 0 : vector<1x4096xf32>, vector<1x4096xf32> -> vector<2x4096xf32>
    %transpose3A_1575 = tpu.transpose %concatenate3A_1574, [1, 0] : vector<2x4096xf32> -> vector<4096x2xf32>
    %swap3A_1576 = arith.constant 0 : index
    %swap3A_1577 = arith.constant 0 : index
    %swap3A_1578 = vector.load %arg5[%swap3A_1576, %swap3A_1577] : memref<4096x2xf32, #tpu.memory_space<vmem>>, vector<4096x2xf32>
    tpu.vector_store %arg5[%swap3A_1576, %swap3A_1577], %transpose3A_1575 {strides = array<i32>} : memref<4096x2xf32, #tpu.memory_space<vmem>>, vector<4096x2xf32>,
    %swap3A_1579 = arith.constant 0 : index
    %swap3A_1580 = arith.constant 0 : index
    %swap3A_1581 = vector.load %arg6[%swap3A_1579, %swap3A_1580] : memref<2x4096xi32, #tpu.memory_space<vmem>>, vector<1x4096xi32>
    tpu.vector_store %arg6[%swap3A_1579, %swap3A_1580], %select_n3A_1563 {strides = array<i32>} : memref<2x4096xi32, #tpu.memory_space<vmem>>, vector<1x4096xi32>,
    %swap3A_1582 = arith.constant 1 : index
    %swap3A_1583 = arith.constant 0 : index
    %swap3A_1584 = vector.load %arg6[%swap3A_1582, %swap3A_1583] : memref<2x4096xi32, #tpu.memory_space<vmem>>, vector<1x4096xi32>
    tpu.vector_store %arg6[%swap3A_1582, %swap3A_1583], %select_n3A_1573 {strides = array<i32>} : memref<2x4096xi32, #tpu.memory_space<vmem>>, vector<1x4096xi32>,
    return
  }
}

</mosaic_0001>

<sc_bundles>
// kernel: kernel.5.cloned.1.call-start
scs
__scs_entry_jumppad:
0x0: {  	(pc) =	sbr.rel $0x88, $3  }
0x1: {  	(tag) =	ssettag $0x0;
	lr =	simm.s32 $0x1  }
0x2: {  	[smem:$0x3F98] =	sst lr;
	_ =	strace $0xD0000000  }
0x3: {  	_ = 	snop  }
0x4: {  	_ = 	snop  }
0x5: {  	_ = 	snop  }
0x6: {  	_ = 	snop  }
0x7: {  	_ = 	snop  }
__scs_overlays_trampoline_lowered:
0x8: {  	[smem:$0x3FA7] =	sst s0  }
0x9: {  	[smem:$0x3FA8] =	sst s1  }
0xa: {  	[smem:$0x3FA9] =	sst s2  }
0xb: {  	[smem:$0x3FAA] =	sst s3  }
0xc: {  	[smem:$0x3FAB] =	sst s4  }
0xd: {  	[smem:$0x3FAC] =	sst s5  }
0xe: {  	[smem:$0x3FAD] =	sst s6  }
0xf: {  	[smem:$0x3FAE] =	sst s7  }
0x10: {  	[smem:$0x3FAF] =	sst s8  }
0x11: {  	[smem:$0x3FB0] =	sst s9;
	s0 =	simm.s32 @!p0 $0x0  }
0x12: {  	s1 =	sld [smem:$0x3F96];
	s0 =	simm.s32 @p0 $0x1  }
0x13: {  	[smem:$0x3FB1] =	sst s0;
	s0 =	simm.s32 @!p1 $0x0  }
0x14: {  	s2 =	sld [smem:$0x3F95];
	s0 =	simm.s32 @p1 $0x1  }
0x15: {  	[smem:$0x3FB2] =	sst s0;
	s0 =	simm.s32 @!p2 $0x0  }
0x16: {  	s3 =	sld [smem:$0x3FDB];
	s0 =	simm.s32 @p2 $0x1  }
0x17: {  	s4 =	simm.s32 $0x1BF5;
	[smem:$0x3FB4] =	sst s0  }
0x18: {  	s0 =	sld [smem:$0x3F97];
	_ =	swait.ge [sflag:s4], $0x0  }
0x19: {  	s7 =	sld [smem:$0x3F98]  }
0x1a: {  	s8 =	sadd.s32 $0xFFFFE003, lr  }
0x1b: {  	s9 =	sadd.s32 $0xFFFFFEF7, lr;
	s5 =	simm.s32 $0xFFFFFFFF;
	p2 =	slt.u32 s8, $0xFFFFF086  }
0x1c: {  	p1 =	slt.u32 s9, $0xF7A;
	s5 =	simm.s32 @!p2 $0x0  }
0x1d: {  	s5 =	simm.s32 @p1 $0x1;
	p0 =	seq.s32 s7, s2  }
0x1e: {  	s7 =	smul.u32 @!p0 $0xF7A, s2;
	p2 =	seq.s32 @!p0 s5, $0x0  }
0x1f: {  	s9 =	smul.u32 $0xF7A, s1;
	s8 =	simm.s32 @!p0 $0x1BF5;
	p2 =	por !p2, p0  }
0x20: {  	[sflag:s8] =	ssyncset.s32 @!p0 $0xFFFFF086;
	s6 =	sadd.s32 @!p0 s3, s7;
	s7 =	simm.s32 @!p0 $0x108  }
0x21: {  	s3 =	sadd.s32 s3, s9;
	s6 =	sadd.s32 @!p0 $0x88, s6;
	s7 =	simm.s32 @p2 $0x1082  }
0x22: {  	[simem:s7], [sflag:s8] =	dma.local @!p0 [hbm:s6], $0xF7A  }
0x23: {  	s9 =	sor.u32 $0xD0000000, s2;
	s6 =	simm.s32 $0x108;
	_ =	swait.ge @!p0 [sflag:s8], $0x0  }
0x24: {  	s3 =	sadd.s32 $0x88, s3;
	s6 =	simm.s32 @!p1 $0x1082;
	[sflag:s4] =	ssyncset.s32 $0xFFFFF086  }
0x25: {  	[simem:s6], [sflag:s4] =	dma.local [hbm:s3], $0xF7A  }
0x26: {  	[smem:$0x3F98] =	sst s1;
	(tag) =	ssettag s2;
	_ =	strace s9  }
0x27: {  	s1 =	sld [smem:$0x3FA8]  }
0x28: {  	s2 =	sld [smem:$0x3FA9]  }
0x29: {  	s4 =	sld [smem:$0x3FAB]  }
0x2a: {  	p0 =	seq.s32 s5, $0x0;
	s5 =	sld [smem:$0x3FAC]  }
0x2b: {  	s6 =	sld [smem:$0x3FAD]  }
0x2c: {  	s7 =	sld [smem:$0x3FAE]  }
0x2d: {  	s3 =	simm.s32 $0x108;
	s8 =	sld [smem:$0x3FAF]  }
0x2e: {  	s3 =	simm.s32 @!p0 $0x1082;
	s9 =	sld [smem:$0x3FB0]  }
0x2f: {  	lr =	sadd.s32 s0, s3;
	s0 =	sld [smem:$0x3FA7]  }
0x30: {  	s3 =	sld [smem:$0x3FAA]  }
0x31: {  	[smem:$0x3FB3] =	sst s10  }
0x32: {  	s10 =	sld [smem:$0x3FB1];
	_ =	sdelay $0x3  }
0x33: {  	p0 =	seq.s32 s10, $0x1;
	s10 =	sld [smem:$0x3FB3];
	_ =	sdelay $0x3  }
0x34: {  	[smem:$0x3FB3] =	sst s10  }
0x35: {  	s10 =	sld [smem:$0x3FB2];
	_ =	sdelay $0x3  }
0x36: {  	p1 =	seq.s32 s10, $0x1;
	s10 =	sld [smem:$0x3FB3];
	_ =	sdelay $0x3  }
0x37: {  	[smem:$0x3FB3] =	sst s10  }
0x38: {  	s10 =	sld [smem:$0x3FB4]  }
0x39: {  	_ = 	snop;
	(pc) =	sbr.ind lr, $3  }
0x3a: {  	_ = 	snop  }
0x3b: {  	_ = 	snop  }
0x3c: {  	p2 =	seq.s32 s10, $0x1;
	s10 =	sld [smem:$0x3FB3]  }
0x3d: {  	_ =	shalt  }
0x3e: {  	_ =	shalt  }
0x3f: {  	_ =	shalt  }
0x40: {  	_ =	shalt  }
0x41: {  	_ =	shalt  }
0x42: {  	_ =	shalt  }
0x43: {  	_ =	shalt  }
0x44: {  	_ =	shalt  }
0x45: {  	_ =	shalt  }
0x46: {  	_ =	shalt  }
0x47: {  	_ =	shalt  }
0x48: {  	_ =	shalt  }
0x49: {  	_ =	shalt  }
0x4a: {  	_ =	shalt  }
0x4b: {  	_ =	shalt  }
0x4c: {  	_ =	shalt  }
0x4d: {  	_ =	shalt  }
0x4e: {  	_ =	shalt  }
0x4f: {  	_ =	shalt  }
0x50: {  	_ =	shalt  }
0x51: {  	_ =	shalt  }
0x52: {  	_ =	shalt  }
0x53: {  	_ =	shalt  }
0x54: {  	_ =	shalt  }
0x55: {  	_ =	shalt  }
0x56: {  	_ =	shalt  }
0x57: {  	_ =	shalt  }
0x58: {  	_ =	shalt  }
0x59: {  	_ =	shalt  }
0x5a: {  	_ =	shalt  }
0x5b: {  	_ =	shalt  }
0x5c: {  	_ =	shalt  }
0x5d: {  	_ =	shalt  }
0x5e: {  	_ =	shalt  }
0x5f: {  	_ =	shalt  }
0x60: {  	_ =	shalt  }
0x61: {  	_ =	shalt  }
0x62: {  	_ =	shalt  }
0x63: {  	_ =	shalt  }
0x64: {  	_ =	shalt  }
0x65: {  	_ =	shalt  }
0x66: {  	_ =	shalt  }
0x67: {  	_ =	shalt  }
0x68: {  	_ =	shalt  }
0x69: {  	_ =	shalt  }
0x6a: {  	_ =	shalt  }
0x6b: {  	_ =	shalt  }
0x6c: {  	_ =	shalt  }
0x6d: {  	_ =	shalt  }
0x6e: {  	_ =	shalt  }
0x6f: {  	_ =	shalt  }
0x70: {  	_ =	shalt  }
0x71: {  	_ =	shalt  }
0x72: {  	_ =	shalt  }
0x73: {  	_ =	shalt  }
0x74: {  	_ =	shalt  }
0x75: {  	_ =	shalt  }
0x76: {  	_ =	shalt  }
0x77: {  	_ =	shalt  }
0x78: {  	_ =	shalt  }
0x79: {  	_ =	shalt  }
0x7a: {  	_ =	shalt  }
0x7b: {  	_ =	shalt  }
0x7c: {  	_ =	shalt  }
0x7d: {  	_ =	shalt  }
0x7e: {  	_ =	shalt  }
0x7f: {  	_ =	shalt  }
0x80: {  	_ =	shalt  }
0x81: {  	_ =	shalt  }
0x82: {  	_ =	shalt  }
0x83: {  	_ =	shalt  }
0x84: {  	_ =	shalt  }
0x85: {  	_ =	shalt  }
0x86: {  	_ =	shalt  }
0x87: {  	_ =	shalt  }
.Lfunc_end0:
.L_simem_size_0:
called_computation_lowered:
.L_overlay_start_0:
0x88: {  	s2 =	sld [smem:$0x3FD9]  }
0x89: {  	s3 =	sld [smem:$0x3FFE];
	_ =	sdelay $0x1  }
0x8a: {  	s1 =	srdreg.scid  }
0x8b: {  	s0 =	sand.u32 $0x1, s1  }
0x8c: {  	s17 =	sshll.u32 s0, $0xA;
	s2 =	sadd.s32 s3, s2  }
0x8d: {  	s2 =	sadd.s32 s2, s17  }
0x8e: {  	[smem:$0x3FBF] =	sst s2  }
0x8f: {  	_ = 	snop  }
0x90: {  	s2 =	sld [smem:$0x3FD0];
	(tm) =	ssettm $0x1  }
0x91: {  	s18 =	sld [smem:$0x3FFB];
	_ =	sdelay $0x3  }
0x92: {  	_ =	strace s18  }
0x93: {  	s3 =	sld [smem:$0x3FFC];
	_ =	sdelay $0x3  }
0x94: {  	_ =	strace s3  }
0x95: {  	s3 =	sld [smem:$0x3FFD];
	_ =	sdelay $0x3  }
0x96: {  	_ =	strace s3  }
0x97: {  	_ =	strace $0x8FFFFFFF  }
0x98: {  	s19 =	sld [smem:$0x3FDB];
	_ =	sdelay $0x1  }
0x99: {  	s4 =	simm.s32 $_scs_section_size  }
0x9a: {  	s5 =	simm.s32 $_size__tile_overlayer_lowered;
	s6 =	simm.s32 $_tile_overlayer_lowered  }
0x9b: {  	s22 =	simm.s32 $0x1BFF;
	s21 =	sshll.u32 s6, $0x1;
	s3 =	sadd.s32 s4, s19  }
0x9c: {  	s7 =	simm.s32 $0x0;
	s20 =	sshll.u32 s5, $0x1;
	s5 =	sadd.s32 s21, s3  }
0x9d: {  	[timem:s7], [sflag:s22] =	dma.local [hbm:s5], s20  }
0x9e: {  	_ =	swait.ge [sflag:s22], s20  }
0x9f: {  	s4 =	ssub.s32 $0x0, s20;
	[sflag:s22] =	ssyncset.done $0x0  }
0xa0: {  	[sflag:s22] =	ssyncadd.s32 s4;
	_ =	sdelay $0x1  }
0xa1: {  	s23 =	simm.s32 $0x1B8B  }
0xa2: {  	_ =	swait.ge [sflag:s23], $0x1  }
0xa3: {  	[sflag:s23] =	ssyncset.done $0x0  }
0xa4: {  	s25 =	simm.s32 $0x1B8E;
	s24 =	sld [smem:$0x3FFE];
	[sflag:s23] =	ssyncadd.s32 $0xFFFFFFFF  }
0xa5: {  	s26 =	simm.s32 $execute0_lowered;
	[smem:$0x3FD2] =	sst s25  }
0xa6: {  	s5 =	sshll.u32 s26, $0x1;
	_ =	strace $0x80000046;
	[dreg:$0x1] =	wrdreg $0xFFFFFFFF  }
0xa7: {  	s28 =	simm.s32 $_size_execute0_lowered;
	s3 =	sadd.s32 s3, s5;
	[dreg:$0x0] =	wrdreg $0x0  }
0xa8: {  	s5 =	sshll.u32 s28, $0x1;
	[dreg:$0x2] =	wrdreg s3  }
0xa9: {  	[dreg:$0x3] =	wrdreg s5  }
0xaa: {  	[dreg:$0x4] =	wrdreg $0xC0  }
0xab: {  	_ =	task [dreg:s7], $0x5FFFF  }
0xac: {  	[dreg:$0x1] =	wrdreg $0xFFFFFFFF  }
0xad: {  	[dreg:$0x0] =	wrdreg $0x60  }
0xae: {  	[dreg:$0x2] =	wrdreg s24  }
0xaf: {  	[dreg:$0x3] =	wrdreg s2  }
0xb0: {  	[dreg:$0x4] =	wrdreg $0x9  }
0xb1: {  	_ =	task.clear_ibuf [dreg:s7], $0x5FFFF;
	_ =	strace $0x90000046  }
0xb2: {  	s29 =	simm.s32 $0x9;
	_ =	strace $0x80000048  }
0xb3: {  	_ =	swait.ge [sflag:s29], $0x1  }
0xb4: {  	[sflag:s29] =	ssyncadd.s32 $0xFFFFFFFF  }
0xb5: {  	_ =	strace $0x90000048  }
0xb6: {  	_ =	sfence  }
0xb7: {  	s30 =	sld [smem:$0x0];
	_ =	sdelay $0x2  }
0xb8: {  	s31 =	sshll.u32 s1, $0xD;
	s1 =	sshrl.u32 s1, $0x2  }
0xb9: {  	s3 =	sand.u32 $0x4000, s31;
	s1 =	sadd.s32 s1, s30  }
0xba: {  	s0 =	sor.u32 s3, s0;
	s1 =	sshll.u32 s1, $0x11  }
0xbb: {  	s0 =	sor.u32 s1, s0  }
0xbc: {  	s0 =	sadd.s32 $0x8F2B, s0  }
0xbd: {  	[sflag:s0] =	ssyncadd.remote.s32 $0x1  }
0xbe: {  	_ =	sfence.sel $0xFFFF  }
0xbf: {  	[dreg:$0x0] =	wrdreg $0xFFFFFFFF;
	(pc) =	sbr.abs _section_cstart, $3  }
0xc0: {  	[dreg:$0x1] =	wrdreg $0xFFFFFFFF  }
0xc1: {  	_ =	task.clear_ibuf [dreg:s7], $0x2FFFF;
	_ =	strace $0x9FFFFFFF  }
0xc2: {  	(tm) =	ssettm $0x7FFFFFFF  }
0xc3: {  	_ =	shalt  }
tec
execute0_lowered:
.L_overlay_start_1:
0x0: {  	(tag) =	ssettag $0x1  }
0x1: {  	s1 =	srdreg.scid  }
0x2: {  	s11 =	rddreg [dreg:$0x0];
	s0 =	stileid.u32;
	s12 =	sand.u32 $0x1, s1  }
0x3: {  	s5 =	rddreg [dreg:$0x1];
	s3 =	sshll.u32 s0, $0x9;
	s4 =	sshll.u32 s12, $0x8  }
0x4: {  	s2 =	simm.s32 $0x0;
	s1 =	rddreg [dreg:$0x2];
	s13 =	sor.u32 s4, s3  }
0x5: {  	[smem:$0x7FF] =	sst s2;
	s3 =	sshrl.u32 s13, $0x3  }
0x6: {  	_ =	strace $0x80000047;
	s4 =	simm.s32 $0x3;
	s3 =	sadd.s32 s5, s3  }
0x7: {  	[tilespmem:s2], [sflag:$0x3] =	stream.linear.gather [hbm4b:s3+s2], $0x80, $0x38;
	[tilespmem:$0x8100] =	vst v63  }
0x8: {  	s14 =	sor.u32 $0x80, s13;
	_ =	swait.ge [sflag:s4], $0x80  }
0x9: {  	s6 =	sshrl.u32 s14, $0x3;
	[sflag:s4] =	ssyncset.done $0x0  }
0xa: {  	s5 =	sadd.s32 s5, s6;
	s6 =	simm.s32 $0x80;
	[sflag:s4] =	ssyncadd.s32 $0xFFFFFF80  }
0xb: {  	[tilespmem:s6], [sflag:$0x3] =	stream.linear.gather [hbm4b:s5+s2], $0x80, $0x38;
	[tilespmem:$0x8100] =	vst v63  }
0xc: {  	_ =	swait.ge [sflag:s4], $0x80  }
0xd: {  	[sflag:s4] =	ssyncset.done $0x0  }
0xe: {  	s8 =	simm.s32 $0x100;
	s7 =	sadd.s32 $0x1600, s11;
	[sflag:s4] =	ssyncadd.s32 $0xFFFFFF80  }
0xf: {  	[tilespmem:s8], [sflag:$0x1] =	stream.indirect.gather [hbm4b:s7+s6], $0x80, s2, s6, $0xb8;
	[tilespmem:$0x8100] =	vst v63  }
0x10: {  	s9 =	simm.s32 $0x4100;
	s10 =	simm.s32 $0x1  }
0x11: {  	[tilespmem:s9], [sflag:$0x1] =	stream.indirect.gather [hbm4b:s7+s6], $0x80, s6, s6, $0xb8;
	[tilespmem:$0x8100] =	vst v63  }
0x12: {  	s15 =	sadd.s32 $0x11600, s11;
	_ =	swait.ge [sflag:s10], $0x4000  }
0x13: {  	s16 =	ssub.s32 $0x2, s12;
	s29 =	sshll.u32 s13, $0x4;
	[sflag:s10] =	ssyncset.done $0x0  }
0x14: {  	s31 =	sshrl.u32 s16, $0x1;
	s11 =	sadd.s32 s15, s29;
	[sflag:s10] =	ssyncadd.s32 $0xFFFFC000  }
0x15: {  	[hbm4b:s11+s2] =	stream.linear.scatter [tilespmem:s8], [sflag:$0x2], $0x4000, $0x38;
	[tilespmem:$0x8100] =	vst v63  }
0x16: {  	s30 =	sshll.u32 s14, $0x4;
	s14 =	ssub.s32 s16, s31;
	_ =	swait.ge [sflag:s10], $0x4000  }
0x17: {  	s12 =	simm.s32 $0x2;
	s14 =	smax.u32 s14, $0x1;
	[sflag:s10] =	ssyncset.done $0x0  }
0x18: {  	s13 =	sadd.s32 s15, s30;
	p0 =	sne.s32 s14, $0x1;
	[sflag:s10] =	ssyncadd.s32 $0xFFFFC000  }
0x19: {  	[hbm4b:s13+s2] =	stream.linear.scatter [tilespmem:s9], [sflag:$0x2], $0x4000, $0x38;
	[tilespmem:$0x8100] =	vst v63  }
.Ltmp0:
0x1a: {  	_ =	swait.ge [sflag:s12], $0x4000;
	(pc) =	sbr.rel @!p0 .LBB2_2-.Ltmp0, $4  }
0x1b: {  	[sflag:s12] =	ssyncset.done $0x0  }
0x1c: {  	[sflag:s12] =	ssyncadd.s32 $0xFFFFC000  }
0x1d: {  	_ =	swait.ge [sflag:s12], $0x4000  }
0x1e: {  	s14 =	sadd.s32 $0xFFFFFFFF, s14;
	[sflag:s12] =	ssyncset.done $0x0  }
.LBB2_1:
0x1f: {  	p0 =	sne.s32 s14, $0x1;
	s14 =	sadd.s32 $0xFFFFFFFF, s14;
	[sflag:s12] =	ssyncadd.s32 $0xFFFFC000  }
0x20: {  	[tilespmem:s2], [sflag:$0x3] =	stream.linear.gather [hbm4b:s3+s2], $0x80, $0x38;
	[tilespmem:$0x8100] =	vst v63  }
0x21: {  	_ =	swait.ge [sflag:s4], $0x80  }
0x22: {  	[sflag:s4] =	ssyncset.done $0x0  }
0x23: {  	[sflag:s4] =	ssyncadd.s32 $0xFFFFFF80  }
0x24: {  	[tilespmem:s6], [sflag:$0x3] =	stream.linear.gather [hbm4b:s5+s2], $0x80, $0x38;
	[tilespmem:$0x8100] =	vst v63  }
0x25: {  	_ =	swait.ge [sflag:s4], $0x80  }
0x26: {  	[sflag:s4] =	ssyncset.done $0x0  }
0x27: {  	[sflag:s4] =	ssyncadd.s32 $0xFFFFFF80  }
0x28: {  	[tilespmem:s8], [sflag:$0x1] =	stream.indirect.gather [hbm4b:s7+s6], $0x80, s2, s6, $0xb8;
	[tilespmem:$0x8100] =	vst v63  }
0x29: {  	_ = 	snop  }
0x2a: {  	[tilespmem:s9], [sflag:$0x1] =	stream.indirect.gather [hbm4b:s7+s6], $0x80, s6, s6, $0xb8;
	[tilespmem:$0x8100] =	vst v63  }
0x2b: {  	_ =	swait.ge [sflag:s10], $0x4000  }
0x2c: {  	[sflag:s10] =	ssyncset.done $0x0  }
0x2d: {  	[sflag:s10] =	ssyncadd.s32 $0xFFFFC000  }
0x2e: {  	[hbm4b:s11+s2] =	stream.linear.scatter [tilespmem:s8], [sflag:$0x2], $0x4000, $0x38;
	[tilespmem:$0x8100] =	vst v63  }
0x2f: {  	_ =	swait.ge [sflag:s10], $0x4000  }
0x30: {  	[sflag:s10] =	ssyncset.done $0x0  }
0x31: {  	[sflag:s10] =	ssyncadd.s32 $0xFFFFC000  }
0x32: {  	[hbm4b:s13+s2] =	stream.linear.scatter [tilespmem:s9], [sflag:$0x2], $0x4000, $0x38;
	[tilespmem:$0x8100] =	vst v63  }
.Ltmp1:
0x33: {  	_ =	swait.ge [sflag:s12], $0x4000;
	(pc) =	sbr.rel @p0 .LBB2_1-.Ltmp1, $4  }
0x34: {  	[sflag:s12] =	ssyncset.done $0x0  }
0x35: {  	[sflag:s12] =	ssyncadd.s32 $0xFFFFC000  }
0x36: {  	_ =	swait.ge [sflag:s12], $0x4000  }
0x37: {  	[sflag:s12] =	ssyncset.done $0x0  }
.LBB2_2:
0x38: {  	[sflag:s12] =	ssyncadd.s32 $0xFFFFC000  }
0x39: {  	_ =	sfence.sel $0x180000  }
0x3a: {  	[bflag:$0x0] =	sbarrier.arrive $0xFFFF  }
0x3b: {  	p0 =	sne.s32 s0, $0x0;
	_ =	strace $0x90000047  }
0x3c: {  	s0 =	sadd.s32 @!p0 $0x100000, s1;
	[bflag:$0x2] =	sbarrier.arrive $0xFFFF  }
0x3d: {  	[sflag:s0] =	ssyncadd.tile.s32 @!p0 $0x1;
	_ =	shalt  }
.Lfunc_end2:
_tile_overlayer_lowered:
.L_overlay_start_2:
0x3e: {  	(tag) =	ssettag $0x2  }
0x3f: {  	s0 =	rddreg [dreg:$0x0];
	s2 =	stileid.u32  }
0x40: {  	s1 =	rddreg [dreg:$0x1];
	p0 =	sne.s32 s2, $0x0  }
0x41: {  	s3 =	rddreg [dreg:$0x2];
	[bflag:$0x3] =	sbarrier.arrive $0xFFFF;
	s2 =	simm.s32 @!p0 $0x1C03  }
0x42: {  	[timem:s3], [sflag:s2] =	dma.local @!p0 [hbm:s0], s1  }
0x43: {  	s0 =	simm.s32 @!p0 $0x3  }
0x44: {  	_ =	swait.ge @!p0 [sflag:s0], s1  }
0x45: {  	s1 =	ssub.s32 @!p0 $0x0, s1;
	[sflag:s0] =	ssyncset.done @!p0 $0x0  }
0x46: {  	[sflag:s0] =	ssyncadd.s32 @!p0 s1  }
0x47: {  	[bflag:$0x3] =	sbarrier.arrive $0xFFFF  }
0x48: {  	_ =	shalt  }

</sc_bundles>
